<compile_context>
chip_gen: v7x
topology: tpu7x:2x2x1
jax: 0.10.2.dev20260603
libtpu: 0.0.44.dev20260713+nightly
codegen_flags: <defaults>
</compile_context>

<pallas_src>
import functools

import jax
import jax.numpy as jnp
from jax import lax
from jax.experimental import pallas as pl
from jax.experimental.pallas import tpu as pltpu
from jax.experimental.pallas import tpu_sc as plsc

VOCAB = 1000000
B = 4096
S = 200
D = 64
H = 32
NW = 32
BPW = B // NW
TPW = BPW * S
C0 = 128
C1 = S - C0


def _pool_body(table_hbm, tok_hbm, out_hbm, idx_v, idx2_v, buf0, buf1, buf2,
               buf3, buf4, buf5, buf6, buf7, acc_v, sem0, sem1, sem2, sem3,
               sem4, sem5, sem6, sem7):
    wid = lax.axis_index("s") * 2 + lax.axis_index("c")
    tok_off = pl.multiple_of(wid * TPW, 8)
    pltpu.sync_copy(tok_hbm.at[pl.ds(tok_off, TPW)], idx_v)

    iota200 = lax.iota(jnp.int32, 16) * 200

    @pl.loop(0, TPW, step=16)
    def _(i):
        v = idx_v[pl.ds(i, 16)]
        u = jnp.bitwise_and(v, _CB - 1)
        q = jnp.right_shift(u, _CQ.bit_length() - 1)
        rp = jnp.bitwise_and(u, _CQ - 1)
        pi = (v - u) + rp * 4 + q
        dst = iota200 + (jnp.bitwise_and(i, 127) * 200 + jnp.right_shift(i, 7))
        plsc.store_scatter(idx2_v, [dst], pi)

    def start(r, buf, sem):
        off = pl.multiple_of(r * S, 8)
        pltpu.async_copy(table_hbm.at[idx2_v.at[pl.ds(off, C0)]],
                         buf.at[pl.ds(0, C0)], sem)
        off2 = pl.multiple_of(r * S + C0, 8)
        pltpu.async_copy(table_hbm.at[idx2_v.at[pl.ds(off2, C1)]],
                         buf.at[pl.ds(C0, C1)], sem)

    def wait(buf, sem):
        pltpu.make_async_copy(table_hbm.at[pl.ds(0, S)], buf, sem).wait()

    def accum(buf, r):
        def body(k, a):
            l0, l1, h0, h1 = a
            w0 = buf[k, pl.ds(0, 16)]
            w1 = buf[k, pl.ds(16, 16)]
            i0 = lax.bitcast_convert_type(w0, jnp.int32)
            i1 = lax.bitcast_convert_type(w1, jnp.int32)
            l0 = l0 + lax.bitcast_convert_type(i0 << 16, jnp.float32)
            l1 = l1 + lax.bitcast_convert_type(i1 << 16, jnp.float32)
            h0 = h0 + w0
            h1 = h1 + w1
            return (l0, l1, h0, h1)

        z = jnp.zeros((16,), jnp.float32)
        l0, l1, h0, h1 = lax.fori_loop(0, S, body, (z, z, z, z), unroll=8)
        acc_v[r, pl.ds(0, 16)] = l0
        acc_v[r, pl.ds(16, 16)] = l1
        acc_v[r, pl.ds(32, 16)] = h0
        acc_v[r, pl.ds(48, 16)] = h1

    bufs = (buf0, buf1, buf2, buf3, buf4, buf5, buf6, buf7)
    sems = (sem0, sem1, sem2, sem3, sem4, sem5, sem6, sem7)
    for b in range(7):
        start(b, bufs[b], sems[b])

    @pl.loop(0, BPW, step=8)
    def _(r):
        for b in range(8):
            rr = r + b
            nxt = rr + 7

            @pl.when(nxt < BPW)
            def _():
                start(nxt, bufs[(b + 7) % 8], sems[(b + 7) % 8])

            wait(bufs[b], sems[b])
            accum(bufs[b], rr)

    row_off = pl.multiple_of(wid * BPW, 8)
    pltpu.sync_copy(acc_v, out_hbm.at[pl.ds(row_off, BPW)])


def _pool(table, tok_flat):
    mesh = plsc.VectorSubcoreMesh(core_axis_name="c", subcore_axis_name="s")
    k = pl.kernel(
        _pool_body,
        out_type=jax.ShapeDtypeStruct((B, D), jnp.float32),
        mesh=mesh,
        compiler_params=pltpu.CompilerParams(use_tc_tiling_on_sc=False,
                                             needs_layout_passes=False),
        scratch_types=[
            pltpu.VMEM((TPW,), jnp.int32),
            pltpu.VMEM((TPW,), jnp.int32),
            pltpu.VMEM((S, 32), jnp.float32),
            pltpu.VMEM((S, 32), jnp.float32),
            pltpu.VMEM((S, 32), jnp.float32),
            pltpu.VMEM((S, 32), jnp.float32),
            pltpu.VMEM((S, 32), jnp.float32),
            pltpu.VMEM((S, 32), jnp.float32),
            pltpu.VMEM((S, 32), jnp.float32),
            pltpu.VMEM((S, 32), jnp.float32),
            pltpu.VMEM((BPW, D), jnp.float32),
            pltpu.SemaphoreType.DMA,
            pltpu.SemaphoreType.DMA,
            pltpu.SemaphoreType.DMA,
            pltpu.SemaphoreType.DMA,
            pltpu.SemaphoreType.DMA,
            pltpu.SemaphoreType.DMA,
            pltpu.SemaphoreType.DMA,
            pltpu.SemaphoreType.DMA,
        ],
    )
    return k(table, tok_flat)


_CB = 32768
_CH = _CB // 2
_CGRID = -(-VOCAB // _CB)
VPAD = _CGRID * _CB


_CQ = _CB // 4


def _compact_body(xt_ref, o_ref):
    top = lax.bitcast_convert_type(xt_ref[0:32, :][...], jnp.uint32)
    bot = lax.bitcast_convert_type(xt_ref[32:64, :][...], jnp.uint32)
    w = jnp.bitwise_or(jnp.bitwise_and(bot, jnp.uint32(0xFFFF0000)),
                       lax.shift_right_logical(top, jnp.uint32(16)))
    wf = lax.bitcast_convert_type(w, jnp.float32)
    w2 = jnp.concatenate([wf[:, k * _CQ:(k + 1) * _CQ] for k in range(4)],
                         axis=0)
    o_ref[...] = w2.T


def _compact(tableT):
    return pl.pallas_call(
        _compact_body,
        grid=(_CGRID,),
        in_specs=[pl.BlockSpec((D, _CB), lambda j: (0, j))],
        out_specs=pl.BlockSpec((_CQ, 128), lambda j: (j, 0)),
        out_shape=jax.ShapeDtypeStruct((_CGRID * _CQ, 128), jnp.float32),
    )(tableT)


def _tok_body(xt_ref, o_ref):
    for c in range(NW):
        o_ref[pl.ds(c * S, S), :] = xt_ref[:, 128 * c:128 * (c + 1)]


def _tok_detile(tokensT):
    return pl.pallas_call(
        _tok_body,
        out_shape=jax.ShapeDtypeStruct((NW * S, 128), jnp.int32),
    )(tokensT)


def _mlp_body(x_ref, w1t_ref, b1_ref, w2_ref, b2_ref, o_ref):
    x = x_ref[...]
    h = jnp.dot(x, w1t_ref[...], preferred_element_type=jnp.float32,
                precision=lax.Precision.HIGHEST)
    h = jnp.maximum(h + b1_ref[...], 0.0)
    o_ref[...] = jnp.sum(h * w2_ref[...], axis=1, keepdims=True) + b2_ref[...]


def _mlp(pooled_sum, W1, b1, W2, b2):
    w1t = W1.T * (1.0 / S)
    out = pl.pallas_call(
        _mlp_body,
        out_shape=jax.ShapeDtypeStruct((B, 1), jnp.float32),
    )(pooled_sum, w1t, b1.reshape(1, H), W2, b2.reshape(1, 1))
    return out[:, 0]


def kernel(tokens, table, W1, b1, W2, b2):
    tok_flat = _tok_detile(tokens.astype(jnp.int32).T).reshape(B * S)
    packed = _compact(table.T)
    table_lin = packed.reshape(VPAD, 32)
    pooled_sum = _pool(table_lin, tok_flat)
    return _mlp(pooled_sum, W1, b1, W2, b2)

# --- scband reference (transcript-rebuilt; emitter-appended) ---
"""Pipeline reference for scband-simple-reward-model-19086834663554 (READ-ONLY COPY).

The authoritative reference and input builder live on the scoring server;
editing this copy changes nothing except your own understanding.
"""

import jax, jax.numpy as jnp
import numpy as np

VOCAB = 1000000
N_EMBD = 64
BATCH = 4096
SEQ = 200

def setup_inputs(seed: int = 0) -> dict:
    key = jax.random.key(seed)
    k_tok, k_tab, k_w1, k_b1, k_w2, k_b2 = jax.random.split(key, 6)
    tokens = jax.random.randint(k_tok, (BATCH, SEQ), 0, VOCAB, dtype=jnp.int64 if jax.config.jax_enable_x64 else jnp.int32)
    table = jax.random.normal(k_tab, (VOCAB, N_EMBD), dtype=jnp.float32) * 0.02
    W1 = jax.random.normal(k_w1, (N_EMBD // 2, N_EMBD), dtype=jnp.float32) * (1.0 / np.sqrt(N_EMBD))
    b1 = jnp.zeros((N_EMBD // 2,), dtype=jnp.float32)
    W2 = jax.random.normal(k_w2, (1, N_EMBD // 2), dtype=jnp.float32) * (1.0 / np.sqrt(N_EMBD // 2))
    b2 = jnp.zeros((1,), dtype=jnp.float32)
    return {"tokens": tokens, "table": table, "W1": W1, "b1": b1, "W2": W2, "b2": b2}

def reference(tokens, table, W1, b1, W2, b2):
    # embedding lookup (gather)
    embeddings = jnp.take(table, tokens, axis=0)          # [B, S, n_embd]
    pooled = embeddings.mean(axis=1)                       # [B, n_embd]
    h = jax.nn.relu(pooled @ W1.T + b1)                    # [B, n_embd//2]
    reward = h @ W2.T + b2                                 # [B, 1]
    return jnp.squeeze(reward, axis=-1)                    # [B]

if __name__ == "__main__":
    import jax
    _d = setup_inputs()
    print(jax.jit(kernel)(*tuple(_d.values())))

</pallas_src>

<mosaic_0001>
#map = affine_map<(d0, d1) -> (0, 0)>
#map1 = affine_map<(d0, d1) -> (0)>
module attributes {stable_mosaic.version = 14 : i64} {
  func.func @_pool_body(%arg0: i32, %arg1: i32, %arg2: memref<1015808x32xf32, #tpu.memory_space<hbm>>, %arg3: memref<819200xi32, #tpu.memory_space<hbm>>, %arg4: memref<4096x64xf32, #tpu.memory_space<hbm>>, %arg5: memref<25600xi32, #tpu.memory_space<vmem>>, %arg6: memref<25600xi32, #tpu.memory_space<vmem>>, %arg7: memref<200x32xf32, #tpu.memory_space<vmem>>, %arg8: memref<200x32xf32, #tpu.memory_space<vmem>>, %arg9: memref<200x32xf32, #tpu.memory_space<vmem>>, %arg10: memref<200x32xf32, #tpu.memory_space<vmem>>, %arg11: memref<200x32xf32, #tpu.memory_space<vmem>>, %arg12: memref<200x32xf32, #tpu.memory_space<vmem>>, %arg13: memref<200x32xf32, #tpu.memory_space<vmem>>, %arg14: memref<200x32xf32, #tpu.memory_space<vmem>>, %arg15: memref<128x64xf32, #tpu.memory_space<vmem>>, %arg16: memref<!tpu.dma_semaphore, #tpu.memory_space<semaphore_mem>>, %arg17: memref<!tpu.dma_semaphore, #tpu.memory_space<semaphore_mem>>, %arg18: memref<!tpu.dma_semaphore, #tpu.memory_space<semaphore_mem>>, %arg19: memref<!tpu.dma_semaphore, #tpu.memory_space<semaphore_mem>>, %arg20: memref<!tpu.dma_semaphore, #tpu.memory_space<semaphore_mem>>, %arg21: memref<!tpu.dma_semaphore, #tpu.memory_space<semaphore_mem>>, %arg22: memref<!tpu.dma_semaphore, #tpu.memory_space<semaphore_mem>>, %arg23: memref<!tpu.dma_semaphore, #tpu.memory_space<semaphore_mem>>) attributes {dimension_semantics = [#tpu.dimension_semantics<core_parallel>, #tpu.dimension_semantics<subcore_parallel>], iteration_bounds = array<i64: 2, 16>, scalar_prefetch = 0 : i64, scratch_operands = 19 : i64, tpu.core_type = #tpu.core_type<sc_vector_subcore>, window_params = [{transform_indices = #map}, {transform_indices = #map1}, {transform_indices = #map}]} {
    %mul3A = arith.constant 2 : i32
    %mul3A_0 = arith.muli %arg1, %mul3A : i32
    %add3A = arith.addi %mul3A_0, %arg0 : i32
    %mul3A_1 = arith.constant 25600 : i32
    %mul3A_2 = arith.muli %add3A, %mul3A_1 : i32
    %multiple_of3A = tpu.assume_multiple %mul3A_2, 8 : i32
    "tpu.region"() ({
      %run_scoped3A = tpu.sem_alloc : memref<!tpu.dma_semaphore, #tpu.memory_space<semaphore_mem>>
      %dma_start3A_143 = tpu.memref_slice %arg3[%multiple_of3A] : memref<819200xi32, #tpu.memory_space<hbm>> -> memref<25600xi32, #tpu.memory_space<hbm>>
      %dma_start3A_144 = tpu.memref_slice %arg3[%multiple_of3A] : memref<819200xi32, #tpu.memory_space<hbm>> -> memref<25600xi32, #tpu.memory_space<hbm>>
      tpu.enqueue_dma source(%dma_start3A_144 : memref<25600xi32, #tpu.memory_space<hbm>>) target(%arg5 : memref<25600xi32, #tpu.memory_space<vmem>>) target_semaphore(%run_scoped3A : memref<!tpu.dma_semaphore, #tpu.memory_space<semaphore_mem>>)
      %dma_wait3A = tpu.memref_slice %arg3[%multiple_of3A] : memref<819200xi32, #tpu.memory_space<hbm>> -> memref<25600xi32, #tpu.memory_space<hbm>>
      %dma_wait3A_145 = tpu.memref_slice %arg3[%multiple_of3A] : memref<819200xi32, #tpu.memory_space<hbm>> -> memref<25600xi32, #tpu.memory_space<hbm>>
      tpu.wait_dma2 semaphore(%run_scoped3A : memref<!tpu.dma_semaphore, #tpu.memory_space<semaphore_mem>>) src(%dma_wait3A_145 : memref<25600xi32, #tpu.memory_space<hbm>>) dst(%arg5 : memref<25600xi32, #tpu.memory_space<vmem>>)
      tpu.yield
    }) : () -> ()
    %iota3A = tpu.iota {dimensions = array<i32: 0>} : vector<16xi32>
    %mul3A_3 = arith.constant 200 : i32
    %mul3A_4 = vector.broadcast %mul3A_3 : i32 to vector<16xi32>
    %mul3A_5 = arith.muli %iota3A, %mul3A_4 : vector<16xi32>
    %scan3A = arith.constant 0 : i32
    %scan3A_6 = arith.constant 1600 : i32
    %scan3A_7 = arith.addi %scan3A, %scan3A_6 : i32
    %scan3A_8 = arith.constant 1 : i32
    scf.for %scan3A_143 = %scan3A to %scan3A_7 step %scan3A_8  : i32 {
      %mul3A_144 = arith.constant 16 : i32
      %mul3A_145 = arith.muli %scan3A_143, %mul3A_144 : i32
      %add3A_146 = arith.constant 0 : i32
      %add3A_147 = arith.addi %add3A_146, %mul3A_145 : i32
      %get3A = arith.index_cast %add3A_147 : i32 to index
      %get3A_148 = tpu.vector_load %arg5[%get3A] {strides = array<i32>} : memref<25600xi32, #tpu.memory_space<vmem>>, vector<16xi32>,
      %and3A = arith.constant 32767 : i32
      %and3A_149 = vector.broadcast %and3A : i32 to vector<16xi32>
      %and3A_150 = arith.andi %get3A_148, %and3A_149 : vector<16xi32>
      %shift_right_arithmetic3A = arith.constant 13 : i32
      %shift_right_arithmetic3A_151 = vector.broadcast %shift_right_arithmetic3A : i32 to vector<16xi32>
      %shift_right_arithmetic3A_152 = arith.shrsi %and3A_150, %shift_right_arithmetic3A_151 : vector<16xi32>
      %and3A_153 = arith.constant 8191 : i32
      %and3A_154 = vector.broadcast %and3A_153 : i32 to vector<16xi32>
      %and3A_155 = arith.andi %and3A_150, %and3A_154 : vector<16xi32>
      %sub3A = arith.subi %get3A_148, %and3A_150 : vector<16xi32>
      %mul3A_156 = arith.constant 4 : i32
      %mul3A_157 = vector.broadcast %mul3A_156 : i32 to vector<16xi32>
      %mul3A_158 = arith.muli %and3A_155, %mul3A_157 : vector<16xi32>
      %add3A_159 = arith.addi %sub3A, %mul3A_158 : vector<16xi32>
      %add3A_160 = arith.addi %add3A_159, %shift_right_arithmetic3A_152 : vector<16xi32>
      %and3A_161 = arith.constant 127 : i32
      %and3A_162 = arith.andi %add3A_147, %and3A_161 : i32
      %mul3A_163 = arith.constant 200 : i32
      %mul3A_164 = arith.muli %and3A_162, %mul3A_163 : i32
      %shift_right_arithmetic3A_165 = arith.constant 7 : i32
      %shift_right_arithmetic3A_166 = arith.shrsi %add3A_147, %shift_right_arithmetic3A_165 : i32
      %add3A_167 = arith.addi %mul3A_164, %shift_right_arithmetic3A_166 : i32
      %add3A_168 = vector.broadcast %add3A_167 : i32 to vector<16xi32>
      %add3A_169 = arith.addi %mul3A_5, %add3A_168 : vector<16xi32>
      tpu.vector_store_idx %arg6[%add3A_169], %add3A_160 : memref<25600xi32, #tpu.memory_space<vmem>>[vector<16xi32>], vector<16xi32>,
    }
    %scan3A_9 = arith.constant 1600 : i32
    %multiple_of3A_10 = arith.constant 0 : i32
    %multiple_of3A_11 = tpu.assume_multiple %multiple_of3A_10, 8 : i32
    %dma_start3A = arith.constant 0 : i32
    %dma_start3A_12 = arith.constant 0 : i32
    %dma_start3A_13 = tpu.memref_slice %arg7[%dma_start3A, %dma_start3A_12] : memref<200x32xf32, #tpu.memory_space<vmem>> -> memref<128x32xf32, #tpu.memory_space<vmem>>
    %dma_start3A_14 = tpu.memref_slice %arg6[%multiple_of3A_11] : memref<25600xi32, #tpu.memory_space<vmem>> -> memref<128xi32, #tpu.memory_space<vmem>>
    %dma_start3A_15 = arith.constant 0 : i32
    %dma_start3A_16 = arith.constant 0 : i32
    %dma_start3A_17 = tpu.memref_slice %arg2[%dma_start3A_15, %dma_start3A_16] : memref<1015808x32xf32, #tpu.memory_space<hbm>> -> memref<1015808x32xf32, #tpu.memory_space<hbm>>
    tpu.enqueue_indirect_dma source(%dma_start3A_17 : memref<1015808x32xf32, #tpu.memory_space<hbm>>) target(%dma_start3A_13 : memref<128x32xf32, #tpu.memory_space<vmem>>) offsets(%dma_start3A_14 : memref<128xi32, #tpu.memory_space<vmem>>) semaphore(%arg16 : memref<!tpu.dma_semaphore, #tpu.memory_space<semaphore_mem>>)
    %multiple_of3A_18 = arith.constant 128 : i32
    %multiple_of3A_19 = tpu.assume_multiple %multiple_of3A_18, 8 : i32
    %dma_start3A_20 = arith.constant 128 : i32
    %dma_start3A_21 = arith.constant 0 : i32
    %dma_start3A_22 = tpu.memref_slice %arg7[%dma_start3A_20, %dma_start3A_21] : memref<200x32xf32, #tpu.memory_space<vmem>> -> memref<72x32xf32, #tpu.memory_space<vmem>>
    %dma_start3A_23 = tpu.memref_slice %arg6[%multiple_of3A_19] : memref<25600xi32, #tpu.memory_space<vmem>> -> memref<72xi32, #tpu.memory_space<vmem>>
    %dma_start3A_24 = arith.constant 0 : i32
    %dma_start3A_25 = arith.constant 0 : i32
    %dma_start3A_26 = tpu.memref_slice %arg2[%dma_start3A_24, %dma_start3A_25] : memref<1015808x32xf32, #tpu.memory_space<hbm>> -> memref<1015808x32xf32, #tpu.memory_space<hbm>>
    tpu.enqueue_indirect_dma source(%dma_start3A_26 : memref<1015808x32xf32, #tpu.memory_space<hbm>>) target(%dma_start3A_22 : memref<72x32xf32, #tpu.memory_space<vmem>>) offsets(%dma_start3A_23 : memref<72xi32, #tpu.memory_space<vmem>>) semaphore(%arg16 : memref<!tpu.dma_semaphore, #tpu.memory_space<semaphore_mem>>)
    %multiple_of3A_27 = arith.constant 200 : i32
    %multiple_of3A_28 = tpu.assume_multiple %multiple_of3A_27, 8 : i32
    %dma_start3A_29 = arith.constant 0 : i32
    %dma_start3A_30 = arith.constant 0 : i32
    %dma_start3A_31 = tpu.memref_slice %arg8[%dma_start3A_29, %dma_start3A_30] : memref<200x32xf32, #tpu.memory_space<vmem>> -> memref<128x32xf32, #tpu.memory_space<vmem>>
    %dma_start3A_32 = tpu.memref_slice %arg6[%multiple_of3A_28] : memref<25600xi32, #tpu.memory_space<vmem>> -> memref<128xi32, #tpu.memory_space<vmem>>
    %dma_start3A_33 = arith.constant 0 : i32
    %dma_start3A_34 = arith.constant 0 : i32
    %dma_start3A_35 = tpu.memref_slice %arg2[%dma_start3A_33, %dma_start3A_34] : memref<1015808x32xf32, #tpu.memory_space<hbm>> -> memref<1015808x32xf32, #tpu.memory_space<hbm>>
    tpu.enqueue_indirect_dma source(%dma_start3A_35 : memref<1015808x32xf32, #tpu.memory_space<hbm>>) target(%dma_start3A_31 : memref<128x32xf32, #tpu.memory_space<vmem>>) offsets(%dma_start3A_32 : memref<128xi32, #tpu.memory_space<vmem>>) semaphore(%arg17 : memref<!tpu.dma_semaphore, #tpu.memory_space<semaphore_mem>>)
    %multiple_of3A_36 = arith.constant 328 : i32
    %multiple_of3A_37 = tpu.assume_multiple %multiple_of3A_36, 8 : i32
    %dma_start3A_38 = arith.constant 128 : i32
    %dma_start3A_39 = arith.constant 0 : i32
    %dma_start3A_40 = tpu.memref_slice %arg8[%dma_start3A_38, %dma_start3A_39] : memref<200x32xf32, #tpu.memory_space<vmem>> -> memref<72x32xf32, #tpu.memory_space<vmem>>
    %dma_start3A_41 = tpu.memref_slice %arg6[%multiple_of3A_37] : memref<25600xi32, #tpu.memory_space<vmem>> -> memref<72xi32, #tpu.memory_space<vmem>>
    %dma_start3A_42 = arith.constant 0 : i32
    %dma_start3A_43 = arith.constant 0 : i32
    %dma_start3A_44 = tpu.memref_slice %arg2[%dma_start3A_42, %dma_start3A_43] : memref<1015808x32xf32, #tpu.memory_space<hbm>> -> memref<1015808x32xf32, #tpu.memory_space<hbm>>
    tpu.enqueue_indirect_dma source(%dma_start3A_44 : memref<1015808x32xf32, #tpu.memory_space<hbm>>) target(%dma_start3A_40 : memref<72x32xf32, #tpu.memory_space<vmem>>) offsets(%dma_start3A_41 : memref<72xi32, #tpu.memory_space<vmem>>) semaphore(%arg17 : memref<!tpu.dma_semaphore, #tpu.memory_space<semaphore_mem>>)
    %multiple_of3A_45 = arith.constant 400 : i32
    %multiple_of3A_46 = tpu.assume_multiple %multiple_of3A_45, 8 : i32
    %dma_start3A_47 = arith.constant 0 : i32
    %dma_start3A_48 = arith.constant 0 : i32
    %dma_start3A_49 = tpu.memref_slice %arg9[%dma_start3A_47, %dma_start3A_48] : memref<200x32xf32, #tpu.memory_space<vmem>> -> memref<128x32xf32, #tpu.memory_space<vmem>>
    %dma_start3A_50 = tpu.memref_slice %arg6[%multiple_of3A_46] : memref<25600xi32, #tpu.memory_space<vmem>> -> memref<128xi32, #tpu.memory_space<vmem>>
    %dma_start3A_51 = arith.constant 0 : i32
    %dma_start3A_52 = arith.constant 0 : i32
    %dma_start3A_53 = tpu.memref_slice %arg2[%dma_start3A_51, %dma_start3A_52] : memref<1015808x32xf32, #tpu.memory_space<hbm>> -> memref<1015808x32xf32, #tpu.memory_space<hbm>>
    tpu.enqueue_indirect_dma source(%dma_start3A_53 : memref<1015808x32xf32, #tpu.memory_space<hbm>>) target(%dma_start3A_49 : memref<128x32xf32, #tpu.memory_space<vmem>>) offsets(%dma_start3A_50 : memref<128xi32, #tpu.memory_space<vmem>>) semaphore(%arg18 : memref<!tpu.dma_semaphore, #tpu.memory_space<semaphore_mem>>)
    %multiple_of3A_54 = arith.constant 528 : i32
    %multiple_of3A_55 = tpu.assume_multiple %multiple_of3A_54, 8 : i32
    %dma_start3A_56 = arith.constant 128 : i32
    %dma_start3A_57 = arith.constant 0 : i32
    %dma_start3A_58 = tpu.memref_slice %arg9[%dma_start3A_56, %dma_start3A_57] : memref<200x32xf32, #tpu.memory_space<vmem>> -> memref<72x32xf32, #tpu.memory_space<vmem>>
    %dma_start3A_59 = tpu.memref_slice %arg6[%multiple_of3A_55] : memref<25600xi32, #tpu.memory_space<vmem>> -> memref<72xi32, #tpu.memory_space<vmem>>
    %dma_start3A_60 = arith.constant 0 : i32
    %dma_start3A_61 = arith.constant 0 : i32
    %dma_start3A_62 = tpu.memref_slice %arg2[%dma_start3A_60, %dma_start3A_61] : memref<1015808x32xf32, #tpu.memory_space<hbm>> -> memref<1015808x32xf32, #tpu.memory_space<hbm>>
    tpu.enqueue_indirect_dma source(%dma_start3A_62 : memref<1015808x32xf32, #tpu.memory_space<hbm>>) target(%dma_start3A_58 : memref<72x32xf32, #tpu.memory_space<vmem>>) offsets(%dma_start3A_59 : memref<72xi32, #tpu.memory_space<vmem>>) semaphore(%arg18 : memref<!tpu.dma_semaphore, #tpu.memory_space<semaphore_mem>>)
    %multiple_of3A_63 = arith.constant 600 : i32
    %multiple_of3A_64 = tpu.assume_multiple %multiple_of3A_63, 8 : i32
    %dma_start3A_65 = arith.constant 0 : i32
    %dma_start3A_66 = arith.constant 0 : i32
    %dma_start3A_67 = tpu.memref_slice %arg10[%dma_start3A_65, %dma_start3A_66] : memref<200x32xf32, #tpu.memory_space<vmem>> -> memref<128x32xf32, #tpu.memory_space<vmem>>
    %dma_start3A_68 = tpu.memref_slice %arg6[%multiple_of3A_64] : memref<25600xi32, #tpu.memory_space<vmem>> -> memref<128xi32, #tpu.memory_space<vmem>>
    %dma_start3A_69 = arith.constant 0 : i32
    %dma_start3A_70 = arith.constant 0 : i32
    %dma_start3A_71 = tpu.memref_slice %arg2[%dma_start3A_69, %dma_start3A_70] : memref<1015808x32xf32, #tpu.memory_space<hbm>> -> memref<1015808x32xf32, #tpu.memory_space<hbm>>
    tpu.enqueue_indirect_dma source(%dma_start3A_71 : memref<1015808x32xf32, #tpu.memory_space<hbm>>) target(%dma_start3A_67 : memref<128x32xf32, #tpu.memory_space<vmem>>) offsets(%dma_start3A_68 : memref<128xi32, #tpu.memory_space<vmem>>) semaphore(%arg19 : memref<!tpu.dma_semaphore, #tpu.memory_space<semaphore_mem>>)
    %multiple_of3A_72 = arith.constant 728 : i32
    %multiple_of3A_73 = tpu.assume_multiple %multiple_of3A_72, 8 : i32
    %dma_start3A_74 = arith.constant 128 : i32
    %dma_start3A_75 = arith.constant 0 : i32
    %dma_start3A_76 = tpu.memref_slice %arg10[%dma_start3A_74, %dma_start3A_75] : memref<200x32xf32, #tpu.memory_space<vmem>> -> memref<72x32xf32, #tpu.memory_space<vmem>>
    %dma_start3A_77 = tpu.memref_slice %arg6[%multiple_of3A_73] : memref<25600xi32, #tpu.memory_space<vmem>> -> memref<72xi32, #tpu.memory_space<vmem>>
    %dma_start3A_78 = arith.constant 0 : i32
    %dma_start3A_79 = arith.constant 0 : i32
    %dma_start3A_80 = tpu.memref_slice %arg2[%dma_start3A_78, %dma_start3A_79] : memref<1015808x32xf32, #tpu.memory_space<hbm>> -> memref<1015808x32xf32, #tpu.memory_space<hbm>>
    tpu.enqueue_indirect_dma source(%dma_start3A_80 : memref<1015808x32xf32, #tpu.memory_space<hbm>>) target(%dma_start3A_76 : memref<72x32xf32, #tpu.memory_space<vmem>>) offsets(%dma_start3A_77 : memref<72xi32, #tpu.memory_space<vmem>>) semaphore(%arg19 : memref<!tpu.dma_semaphore, #tpu.memory_space<semaphore_mem>>)
    %multiple_of3A_81 = arith.constant 800 : i32
    %multiple_of3A_82 = tpu.assume_multiple %multiple_of3A_81, 8 : i32
    %dma_start3A_83 = arith.constant 0 : i32
    %dma_start3A_84 = arith.constant 0 : i32
    %dma_start3A_85 = tpu.memref_slice %arg11[%dma_start3A_83, %dma_start3A_84] : memref<200x32xf32, #tpu.memory_space<vmem>> -> memref<128x32xf32, #tpu.memory_space<vmem>>
    %dma_start3A_86 = tpu.memref_slice %arg6[%multiple_of3A_82] : memref<25600xi32, #tpu.memory_space<vmem>> -> memref<128xi32, #tpu.memory_space<vmem>>
    %dma_start3A_87 = arith.constant 0 : i32
    %dma_start3A_88 = arith.constant 0 : i32
    %dma_start3A_89 = tpu.memref_slice %arg2[%dma_start3A_87, %dma_start3A_88] : memref<1015808x32xf32, #tpu.memory_space<hbm>> -> memref<1015808x32xf32, #tpu.memory_space<hbm>>
    tpu.enqueue_indirect_dma source(%dma_start3A_89 : memref<1015808x32xf32, #tpu.memory_space<hbm>>) target(%dma_start3A_85 : memref<128x32xf32, #tpu.memory_space<vmem>>) offsets(%dma_start3A_86 : memref<128xi32, #tpu.memory_space<vmem>>) semaphore(%arg20 : memref<!tpu.dma_semaphore, #tpu.memory_space<semaphore_mem>>)
    %multiple_of3A_90 = arith.constant 928 : i32
    %multiple_of3A_91 = tpu.assume_multiple %multiple_of3A_90, 8 : i32
    %dma_start3A_92 = arith.constant 128 : i32
    %dma_start3A_93 = arith.constant 0 : i32
    %dma_start3A_94 = tpu.memref_slice %arg11[%dma_start3A_92, %dma_start3A_93] : memref<200x32xf32, #tpu.memory_space<vmem>> -> memref<72x32xf32, #tpu.memory_space<vmem>>
    %dma_start3A_95 = tpu.memref_slice %arg6[%multiple_of3A_91] : memref<25600xi32, #tpu.memory_space<vmem>> -> memref<72xi32, #tpu.memory_space<vmem>>
    %dma_start3A_96 = arith.constant 0 : i32
    %dma_start3A_97 = arith.constant 0 : i32
    %dma_start3A_98 = tpu.memref_slice %arg2[%dma_start3A_96, %dma_start3A_97] : memref<1015808x32xf32, #tpu.memory_space<hbm>> -> memref<1015808x32xf32, #tpu.memory_space<hbm>>
    tpu.enqueue_indirect_dma source(%dma_start3A_98 : memref<1015808x32xf32, #tpu.memory_space<hbm>>) target(%dma_start3A_94 : memref<72x32xf32, #tpu.memory_space<vmem>>) offsets(%dma_start3A_95 : memref<72xi32, #tpu.memory_space<vmem>>) semaphore(%arg20 : memref<!tpu.dma_semaphore, #tpu.memory_space<semaphore_mem>>)
    %multiple_of3A_99 = arith.constant 1000 : i32
    %multiple_of3A_100 = tpu.assume_multiple %multiple_of3A_99, 8 : i32
    %dma_start3A_101 = arith.constant 0 : i32
    %dma_start3A_102 = arith.constant 0 : i32
    %dma_start3A_103 = tpu.memref_slice %arg12[%dma_start3A_101, %dma_start3A_102] : memref<200x32xf32, #tpu.memory_space<vmem>> -> memref<128x32xf32, #tpu.memory_space<vmem>>
    %dma_start3A_104 = tpu.memref_slice %arg6[%multiple_of3A_100] : memref<25600xi32, #tpu.memory_space<vmem>> -> memref<128xi32, #tpu.memory_space<vmem>>
    %dma_start3A_105 = arith.constant 0 : i32
    %dma_start3A_106 = arith.constant 0 : i32
    %dma_start3A_107 = tpu.memref_slice %arg2[%dma_start3A_105, %dma_start3A_106] : memref<1015808x32xf32, #tpu.memory_space<hbm>> -> memref<1015808x32xf32, #tpu.memory_space<hbm>>
    tpu.enqueue_indirect_dma source(%dma_start3A_107 : memref<1015808x32xf32, #tpu.memory_space<hbm>>) target(%dma_start3A_103 : memref<128x32xf32, #tpu.memory_space<vmem>>) offsets(%dma_start3A_104 : memref<128xi32, #tpu.memory_space<vmem>>) semaphore(%arg21 : memref<!tpu.dma_semaphore, #tpu.memory_space<semaphore_mem>>)
    %multiple_of3A_108 = arith.constant 1128 : i32
    %multiple_of3A_109 = tpu.assume_multiple %multiple_of3A_108, 8 : i32
    %dma_start3A_110 = arith.constant 128 : i32
    %dma_start3A_111 = arith.constant 0 : i32
    %dma_start3A_112 = tpu.memref_slice %arg12[%dma_start3A_110, %dma_start3A_111] : memref<200x32xf32, #tpu.memory_space<vmem>> -> memref<72x32xf32, #tpu.memory_space<vmem>>
    %dma_start3A_113 = tpu.memref_slice %arg6[%multiple_of3A_109] : memref<25600xi32, #tpu.memory_space<vmem>> -> memref<72xi32, #tpu.memory_space<vmem>>
    %dma_start3A_114 = arith.constant 0 : i32
    %dma_start3A_115 = arith.constant 0 : i32
    %dma_start3A_116 = tpu.memref_slice %arg2[%dma_start3A_114, %dma_start3A_115] : memref<1015808x32xf32, #tpu.memory_space<hbm>> -> memref<1015808x32xf32, #tpu.memory_space<hbm>>
    tpu.enqueue_indirect_dma source(%dma_start3A_116 : memref<1015808x32xf32, #tpu.memory_space<hbm>>) target(%dma_start3A_112 : memref<72x32xf32, #tpu.memory_space<vmem>>) offsets(%dma_start3A_113 : memref<72xi32, #tpu.memory_space<vmem>>) semaphore(%arg21 : memref<!tpu.dma_semaphore, #tpu.memory_space<semaphore_mem>>)
    %multiple_of3A_117 = arith.constant 1200 : i32
    %multiple_of3A_118 = tpu.assume_multiple %multiple_of3A_117, 8 : i32
    %dma_start3A_119 = arith.constant 0 : i32
    %dma_start3A_120 = arith.constant 0 : i32
    %dma_start3A_121 = tpu.memref_slice %arg13[%dma_start3A_119, %dma_start3A_120] : memref<200x32xf32, #tpu.memory_space<vmem>> -> memref<128x32xf32, #tpu.memory_space<vmem>>
    %dma_start3A_122 = tpu.memref_slice %arg6[%multiple_of3A_118] : memref<25600xi32, #tpu.memory_space<vmem>> -> memref<128xi32, #tpu.memory_space<vmem>>
    %dma_start3A_123 = arith.constant 0 : i32
    %dma_start3A_124 = arith.constant 0 : i32
    %dma_start3A_125 = tpu.memref_slice %arg2[%dma_start3A_123, %dma_start3A_124] : memref<1015808x32xf32, #tpu.memory_space<hbm>> -> memref<1015808x32xf32, #tpu.memory_space<hbm>>
    tpu.enqueue_indirect_dma source(%dma_start3A_125 : memref<1015808x32xf32, #tpu.memory_space<hbm>>) target(%dma_start3A_121 : memref<128x32xf32, #tpu.memory_space<vmem>>) offsets(%dma_start3A_122 : memref<128xi32, #tpu.memory_space<vmem>>) semaphore(%arg22 : memref<!tpu.dma_semaphore, #tpu.memory_space<semaphore_mem>>)
    %multiple_of3A_126 = arith.constant 1328 : i32
    %multiple_of3A_127 = tpu.assume_multiple %multiple_of3A_126, 8 : i32
    %dma_start3A_128 = arith.constant 128 : i32
    %dma_start3A_129 = arith.constant 0 : i32
    %dma_start3A_130 = tpu.memref_slice %arg13[%dma_start3A_128, %dma_start3A_129] : memref<200x32xf32, #tpu.memory_space<vmem>> -> memref<72x32xf32, #tpu.memory_space<vmem>>
    %dma_start3A_131 = tpu.memref_slice %arg6[%multiple_of3A_127] : memref<25600xi32, #tpu.memory_space<vmem>> -> memref<72xi32, #tpu.memory_space<vmem>>
    %dma_start3A_132 = arith.constant 0 : i32
    %dma_start3A_133 = arith.constant 0 : i32
    %dma_start3A_134 = tpu.memref_slice %arg2[%dma_start3A_132, %dma_start3A_133] : memref<1015808x32xf32, #tpu.memory_space<hbm>> -> memref<1015808x32xf32, #tpu.memory_space<hbm>>
    tpu.enqueue_indirect_dma source(%dma_start3A_134 : memref<1015808x32xf32, #tpu.memory_space<hbm>>) target(%dma_start3A_130 : memref<72x32xf32, #tpu.memory_space<vmem>>) offsets(%dma_start3A_131 : memref<72xi32, #tpu.memory_space<vmem>>) semaphore(%arg22 : memref<!tpu.dma_semaphore, #tpu.memory_space<semaphore_mem>>)
    %scan3A_135 = arith.constant 0 : i32
    %scan3A_136 = arith.constant 16 : i32
    %scan3A_137 = arith.addi %scan3A_135, %scan3A_136 : i32
    %scan3A_138 = arith.constant 1 : i32
    scf.for %scan3A_143 = %scan3A_135 to %scan3A_137 step %scan3A_138  : i32 {
      %mul3A_144 = arith.constant 8 : i32
      %mul3A_145 = arith.muli %scan3A_143, %mul3A_144 : i32
      %add3A_146 = arith.constant 0 : i32
      %add3A_147 = arith.addi %add3A_146, %mul3A_145 : i32
      %add3A_148 = arith.constant 0 : i32
      %add3A_149 = arith.addi %add3A_147, %add3A_148 : i32
      %add3A_150 = arith.constant 7 : i32
      %add3A_151 = arith.addi %add3A_149, %add3A_150 : i32
      %lt3A = arith.constant 128 : i32
      %lt3A_152 = arith.cmpi slt, %add3A_151, %lt3A : i32
      %convert_element_type3A = arith.extui %lt3A_152 : i1 to i32
      %cond3A = arith.constant 0 : i32
      %cond3A_153 = arith.cmpi ne, %convert_element_type3A, %cond3A : i32
      scf.if %cond3A_153 {
        %mul3A_422 = arith.constant 200 : i32
        %mul3A_423 = arith.muli %add3A_151, %mul3A_422 : i32
        %multiple_of3A_424 = tpu.assume_multiple %mul3A_423, 8 : i32
        %dma_start3A_425 = arith.constant 0 : i32
        %dma_start3A_426 = arith.constant 0 : i32
        %dma_start3A_427 = tpu.memref_slice %arg14[%dma_start3A_425, %dma_start3A_426] : memref<200x32xf32, #tpu.memory_space<vmem>> -> memref<128x32xf32, #tpu.memory_space<vmem>>
        %dma_start3A_428 = tpu.memref_slice %arg6[%multiple_of3A_424] : memref<25600xi32, #tpu.memory_space<vmem>> -> memref<128xi32, #tpu.memory_space<vmem>>
        %dma_start3A_429 = arith.constant 0 : i32
        %dma_start3A_430 = arith.constant 0 : i32
        %dma_start3A_431 = tpu.memref_slice %arg2[%dma_start3A_429, %dma_start3A_430] : memref<1015808x32xf32, #tpu.memory_space<hbm>> -> memref<1015808x32xf32, #tpu.memory_space<hbm>>
        tpu.enqueue_indirect_dma source(%dma_start3A_431 : memref<1015808x32xf32, #tpu.memory_space<hbm>>) target(%dma_start3A_427 : memref<128x32xf32, #tpu.memory_space<vmem>>) offsets(%dma_start3A_428 : memref<128xi32, #tpu.memory_space<vmem>>) semaphore(%arg23 : memref<!tpu.dma_semaphore, #tpu.memory_space<semaphore_mem>>)
        %mul3A_432 = arith.constant 200 : i32
        %mul3A_433 = arith.muli %add3A_151, %mul3A_432 : i32
        %add3A_434 = arith.constant 128 : i32
        %add3A_435 = arith.addi %mul3A_433, %add3A_434 : i32
        %multiple_of3A_436 = tpu.assume_multiple %add3A_435, 8 : i32
        %dma_start3A_437 = arith.constant 128 : i32
        %dma_start3A_438 = arith.constant 0 : i32
        %dma_start3A_439 = tpu.memref_slice %arg14[%dma_start3A_437, %dma_start3A_438] : memref<200x32xf32, #tpu.memory_space<vmem>> -> memref<72x32xf32, #tpu.memory_space<vmem>>
        %dma_start3A_440 = tpu.memref_slice %arg6[%multiple_of3A_436] : memref<25600xi32, #tpu.memory_space<vmem>> -> memref<72xi32, #tpu.memory_space<vmem>>
        %dma_start3A_441 = arith.constant 0 : i32
        %dma_start3A_442 = arith.constant 0 : i32
        %dma_start3A_443 = tpu.memref_slice %arg2[%dma_start3A_441, %dma_start3A_442] : memref<1015808x32xf32, #tpu.memory_space<hbm>> -> memref<1015808x32xf32, #tpu.memory_space<hbm>>
        tpu.enqueue_indirect_dma source(%dma_start3A_443 : memref<1015808x32xf32, #tpu.memory_space<hbm>>) target(%dma_start3A_439 : memref<72x32xf32, #tpu.memory_space<vmem>>) offsets(%dma_start3A_440 : memref<72xi32, #tpu.memory_space<vmem>>) semaphore(%arg23 : memref<!tpu.dma_semaphore, #tpu.memory_space<semaphore_mem>>)
      } else {
      }
      %dma_wait3A = arith.constant 0 : i32
      %dma_wait3A_154 = arith.constant 0 : i32
      %dma_wait3A_155 = tpu.memref_slice %arg2[%dma_wait3A, %dma_wait3A_154] : memref<1015808x32xf32, #tpu.memory_space<hbm>> -> memref<200x32xf32, #tpu.memory_space<hbm>>
      %dma_wait3A_156 = arith.constant 0 : i32
      %dma_wait3A_157 = arith.constant 0 : i32
      %dma_wait3A_158 = tpu.memref_slice %arg2[%dma_wait3A_156, %dma_wait3A_157] : memref<1015808x32xf32, #tpu.memory_space<hbm>> -> memref<200x32xf32, #tpu.memory_space<hbm>>
      tpu.wait_dma2 semaphore(%arg16 : memref<!tpu.dma_semaphore, #tpu.memory_space<semaphore_mem>>) src(%dma_wait3A_158 : memref<200x32xf32, #tpu.memory_space<hbm>>) dst(%arg7 : memref<200x32xf32, #tpu.memory_space<vmem>>)
      %broadcast_in_dim3A = arith.constant 0.000000e+00 : f32
      %broadcast_in_dim3A_159 = vector.broadcast %broadcast_in_dim3A : f32 to vector<16xf32>
      %scan3A_160 = arith.constant 0 : i32
      %scan3A_161 = arith.constant 200 : i32
      %scan3A_162 = arith.addi %scan3A_160, %scan3A_161 : i32
      %scan3A_163 = arith.constant 8 : i32
      %scan3A_164:4 = scf.for %scan3A_422 = %scan3A_160 to %scan3A_162 step %scan3A_163 iter_args(%scan3A_423 = %broadcast_in_dim3A_159, %scan3A_424 = %broadcast_in_dim3A_159, %scan3A_425 = %broadcast_in_dim3A_159, %scan3A_426 = %broadcast_in_dim3A_159) -> (vector<16xf32>, vector<16xf32>, vector<16xf32>, vector<16xf32>)  : i32 {
        %get3A = arith.index_cast %scan3A_422 : i32 to index
        %get3A_427 = arith.constant 0 : index
        %get3A_428 = tpu.vector_load %arg7[%get3A, %get3A_427] {strides = array<i32>} : memref<200x32xf32, #tpu.memory_space<vmem>>, vector<16xf32>,
        %get3A_429 = arith.index_cast %scan3A_422 : i32 to index
        %get3A_430 = arith.constant 16 : index
        %get3A_431 = tpu.vector_load %arg7[%get3A_429, %get3A_430] {strides = array<i32>} : memref<200x32xf32, #tpu.memory_space<vmem>>, vector<16xf32>,
        %bitcast_convert_type3A = tpu.bitcast %get3A_428 : vector<16xf32> -> vector<16xi32>
        %bitcast_convert_type3A_432 = tpu.bitcast %get3A_431 : vector<16xf32> -> vector<16xi32>
        %shift_left3A = arith.constant 16 : i32
        %shift_left3A_433 = vector.broadcast %shift_left3A : i32 to vector<16xi32>
        %shift_left3A_434 = arith.shli %bitcast_convert_type3A, %shift_left3A_433 : vector<16xi32>
        %bitcast_convert_type3A_435 = tpu.bitcast %shift_left3A_434 : vector<16xi32> -> vector<16xf32>
        %add3A_436 = arith.addf %scan3A_423, %bitcast_convert_type3A_435 : vector<16xf32>
        %shift_left3A_437 = arith.constant 16 : i32
        %shift_left3A_438 = vector.broadcast %shift_left3A_437 : i32 to vector<16xi32>
        %shift_left3A_439 = arith.shli %bitcast_convert_type3A_432, %shift_left3A_438 : vector<16xi32>
        %bitcast_convert_type3A_440 = tpu.bitcast %shift_left3A_439 : vector<16xi32> -> vector<16xf32>
        %add3A_441 = arith.addf %scan3A_424, %bitcast_convert_type3A_440 : vector<16xf32>
        %add3A_442 = arith.addf %scan3A_425, %get3A_428 : vector<16xf32>
        %add3A_443 = arith.addf %scan3A_426, %get3A_431 : vector<16xf32>
        %scan3A_444 = arith.constant 1 : i32
        %scan3A_445 = arith.addi %scan3A_422, %scan3A_444 : i32
        %get3A_446 = arith.index_cast %scan3A_445 : i32 to index
        %get3A_447 = arith.constant 0 : index
        %get3A_448 = tpu.vector_load %arg7[%get3A_446, %get3A_447] {strides = array<i32>} : memref<200x32xf32, #tpu.memory_space<vmem>>, vector<16xf32>,
        %get3A_449 = arith.index_cast %scan3A_445 : i32 to index
        %get3A_450 = arith.constant 16 : index
        %get3A_451 = tpu.vector_load %arg7[%get3A_449, %get3A_450] {strides = array<i32>} : memref<200x32xf32, #tpu.memory_space<vmem>>, vector<16xf32>,
        %bitcast_convert_type3A_452 = tpu.bitcast %get3A_448 : vector<16xf32> -> vector<16xi32>
        %bitcast_convert_type3A_453 = tpu.bitcast %get3A_451 : vector<16xf32> -> vector<16xi32>
        %shift_left3A_454 = arith.constant 16 : i32
        %shift_left3A_455 = vector.broadcast %shift_left3A_454 : i32 to vector<16xi32>
        %shift_left3A_456 = arith.shli %bitcast_convert_type3A_452, %shift_left3A_455 : vector<16xi32>
        %bitcast_convert_type3A_457 = tpu.bitcast %shift_left3A_456 : vector<16xi32> -> vector<16xf32>
        %add3A_458 = arith.addf %add3A_436, %bitcast_convert_type3A_457 : vector<16xf32>
        %shift_left3A_459 = arith.constant 16 : i32
        %shift_left3A_460 = vector.broadcast %shift_left3A_459 : i32 to vector<16xi32>
        %shift_left3A_461 = arith.shli %bitcast_convert_type3A_453, %shift_left3A_460 : vector<16xi32>
        %bitcast_convert_type3A_462 = tpu.bitcast %shift_left3A_461 : vector<16xi32> -> vector<16xf32>
        %add3A_463 = arith.addf %add3A_441, %bitcast_convert_type3A_462 : vector<16xf32>
        %add3A_464 = arith.addf %add3A_442, %get3A_448 : vector<16xf32>
        %add3A_465 = arith.addf %add3A_443, %get3A_451 : vector<16xf32>
        %scan3A_466 = arith.constant 2 : i32
        %scan3A_467 = arith.addi %scan3A_422, %scan3A_466 : i32
        %get3A_468 = arith.index_cast %scan3A_467 : i32 to index
        %get3A_469 = arith.constant 0 : index
        %get3A_470 = tpu.vector_load %arg7[%get3A_468, %get3A_469] {strides = array<i32>} : memref<200x32xf32, #tpu.memory_space<vmem>>, vector<16xf32>,
        %get3A_471 = arith.index_cast %scan3A_467 : i32 to index
        %get3A_472 = arith.constant 16 : index
        %get3A_473 = tpu.vector_load %arg7[%get3A_471, %get3A_472] {strides = array<i32>} : memref<200x32xf32, #tpu.memory_space<vmem>>, vector<16xf32>,
        %bitcast_convert_type3A_474 = tpu.bitcast %get3A_470 : vector<16xf32> -> vector<16xi32>
        %bitcast_convert_type3A_475 = tpu.bitcast %get3A_473 : vector<16xf32> -> vector<16xi32>
        %shift_left3A_476 = arith.constant 16 : i32
        %shift_left3A_477 = vector.broadcast %shift_left3A_476 : i32 to vector<16xi32>
        %shift_left3A_478 = arith.shli %bitcast_convert_type3A_474, %shift_left3A_477 : vector<16xi32>
        %bitcast_convert_type3A_479 = tpu.bitcast %shift_left3A_478 : vector<16xi32> -> vector<16xf32>
        %add3A_480 = arith.addf %add3A_458, %bitcast_convert_type3A_479 : vector<16xf32>
        %shift_left3A_481 = arith.constant 16 : i32
        %shift_left3A_482 = vector.broadcast %shift_left3A_481 : i32 to vector<16xi32>
        %shift_left3A_483 = arith.shli %bitcast_convert_type3A_475, %shift_left3A_482 : vector<16xi32>
        %bitcast_convert_type3A_484 = tpu.bitcast %shift_left3A_483 : vector<16xi32> -> vector<16xf32>
        %add3A_485 = arith.addf %add3A_463, %bitcast_convert_type3A_484 : vector<16xf32>
        %add3A_486 = arith.addf %add3A_464, %get3A_470 : vector<16xf32>
        %add3A_487 = arith.addf %add3A_465, %get3A_473 : vector<16xf32>
        %scan3A_488 = arith.constant 3 : i32
        %scan3A_489 = arith.addi %scan3A_422, %scan3A_488 : i32
        %get3A_490 = arith.index_cast %scan3A_489 : i32 to index
        %get3A_491 = arith.constant 0 : index
        %get3A_492 = tpu.vector_load %arg7[%get3A_490, %get3A_491] {strides = array<i32>} : memref<200x32xf32, #tpu.memory_space<vmem>>, vector<16xf32>,
        %get3A_493 = arith.index_cast %scan3A_489 : i32 to index
        %get3A_494 = arith.constant 16 : index
        %get3A_495 = tpu.vector_load %arg7[%get3A_493, %get3A_494] {strides = array<i32>} : memref<200x32xf32, #tpu.memory_space<vmem>>, vector<16xf32>,
        %bitcast_convert_type3A_496 = tpu.bitcast %get3A_492 : vector<16xf32> -> vector<16xi32>
        %bitcast_convert_type3A_497 = tpu.bitcast %get3A_495 : vector<16xf32> -> vector<16xi32>
        %shift_left3A_498 = arith.constant 16 : i32
        %shift_left3A_499 = vector.broadcast %shift_left3A_498 : i32 to vector<16xi32>
        %shift_left3A_500 = arith.shli %bitcast_convert_type3A_496, %shift_left3A_499 : vector<16xi32>
        %bitcast_convert_type3A_501 = tpu.bitcast %shift_left3A_500 : vector<16xi32> -> vector<16xf32>
        %add3A_502 = arith.addf %add3A_480, %bitcast_convert_type3A_501 : vector<16xf32>
        %shift_left3A_503 = arith.constant 16 : i32
        %shift_left3A_504 = vector.broadcast %shift_left3A_503 : i32 to vector<16xi32>
        %shift_left3A_505 = arith.shli %bitcast_convert_type3A_497, %shift_left3A_504 : vector<16xi32>
        %bitcast_convert_type3A_506 = tpu.bitcast %shift_left3A_505 : vector<16xi32> -> vector<16xf32>
        %add3A_507 = arith.addf %add3A_485, %bitcast_convert_type3A_506 : vector<16xf32>
        %add3A_508 = arith.addf %add3A_486, %get3A_492 : vector<16xf32>
        %add3A_509 = arith.addf %add3A_487, %get3A_495 : vector<16xf32>
        %scan3A_510 = arith.constant 4 : i32
        %scan3A_511 = arith.addi %scan3A_422, %scan3A_510 : i32
        %get3A_512 = arith.index_cast %scan3A_511 : i32 to index
        %get3A_513 = arith.constant 0 : index
        %get3A_514 = tpu.vector_load %arg7[%get3A_512, %get3A_513] {strides = array<i32>} : memref<200x32xf32, #tpu.memory_space<vmem>>, vector<16xf32>,
        %get3A_515 = arith.index_cast %scan3A_511 : i32 to index
        %get3A_516 = arith.constant 16 : index
        %get3A_517 = tpu.vector_load %arg7[%get3A_515, %get3A_516] {strides = array<i32>} : memref<200x32xf32, #tpu.memory_space<vmem>>, vector<16xf32>,
        %bitcast_convert_type3A_518 = tpu.bitcast %get3A_514 : vector<16xf32> -> vector<16xi32>
        %bitcast_convert_type3A_519 = tpu.bitcast %get3A_517 : vector<16xf32> -> vector<16xi32>
        %shift_left3A_520 = arith.constant 16 : i32
        %shift_left3A_521 = vector.broadcast %shift_left3A_520 : i32 to vector<16xi32>
        %shift_left3A_522 = arith.shli %bitcast_convert_type3A_518, %shift_left3A_521 : vector<16xi32>
        %bitcast_convert_type3A_523 = tpu.bitcast %shift_left3A_522 : vector<16xi32> -> vector<16xf32>
        %add3A_524 = arith.addf %add3A_502, %bitcast_convert_type3A_523 : vector<16xf32>
        %shift_left3A_525 = arith.constant 16 : i32
        %shift_left3A_526 = vector.broadcast %shift_left3A_525 : i32 to vector<16xi32>
        %shift_left3A_527 = arith.shli %bitcast_convert_type3A_519, %shift_left3A_526 : vector<16xi32>
        %bitcast_convert_type3A_528 = tpu.bitcast %shift_left3A_527 : vector<16xi32> -> vector<16xf32>
        %add3A_529 = arith.addf %add3A_507, %bitcast_convert_type3A_528 : vector<16xf32>
        %add3A_530 = arith.addf %add3A_508, %get3A_514 : vector<16xf32>
        %add3A_531 = arith.addf %add3A_509, %get3A_517 : vector<16xf32>
        %scan3A_532 = arith.constant 5 : i32
        %scan3A_533 = arith.addi %scan3A_422, %scan3A_532 : i32
        %get3A_534 = arith.index_cast %scan3A_533 : i32 to index
        %get3A_535 = arith.constant 0 : index
        %get3A_536 = tpu.vector_load %arg7[%get3A_534, %get3A_535] {strides = array<i32>} : memref<200x32xf32, #tpu.memory_space<vmem>>, vector<16xf32>,
        %get3A_537 = arith.index_cast %scan3A_533 : i32 to index
        %get3A_538 = arith.constant 16 : index
        %get3A_539 = tpu.vector_load %arg7[%get3A_537, %get3A_538] {strides = array<i32>} : memref<200x32xf32, #tpu.memory_space<vmem>>, vector<16xf32>,
        %bitcast_convert_type3A_540 = tpu.bitcast %get3A_536 : vector<16xf32> -> vector<16xi32>
        %bitcast_convert_type3A_541 = tpu.bitcast %get3A_539 : vector<16xf32> -> vector<16xi32>
        %shift_left3A_542 = arith.constant 16 : i32
        %shift_left3A_543 = vector.broadcast %shift_left3A_542 : i32 to vector<16xi32>
        %shift_left3A_544 = arith.shli %bitcast_convert_type3A_540, %shift_left3A_543 : vector<16xi32>
        %bitcast_convert_type3A_545 = tpu.bitcast %shift_left3A_544 : vector<16xi32> -> vector<16xf32>
        %add3A_546 = arith.addf %add3A_524, %bitcast_convert_type3A_545 : vector<16xf32>
        %shift_left3A_547 = arith.constant 16 : i32
        %shift_left3A_548 = vector.broadcast %shift_left3A_547 : i32 to vector<16xi32>
        %shift_left3A_549 = arith.shli %bitcast_convert_type3A_541, %shift_left3A_548 : vector<16xi32>
        %bitcast_convert_type3A_550 = tpu.bitcast %shift_left3A_549 : vector<16xi32> -> vector<16xf32>
        %add3A_551 = arith.addf %add3A_529, %bitcast_convert_type3A_550 : vector<16xf32>
        %add3A_552 = arith.addf %add3A_530, %get3A_536 : vector<16xf32>
        %add3A_553 = arith.addf %add3A_531, %get3A_539 : vector<16xf32>
        %scan3A_554 = arith.constant 6 : i32
        %scan3A_555 = arith.addi %scan3A_422, %scan3A_554 : i32
        %get3A_556 = arith.index_cast %scan3A_555 : i32 to index
        %get3A_557 = arith.constant 0 : index
        %get3A_558 = tpu.vector_load %arg7[%get3A_556, %get3A_557] {strides = array<i32>} : memref<200x32xf32, #tpu.memory_space<vmem>>, vector<16xf32>,
        %get3A_559 = arith.index_cast %scan3A_555 : i32 to index
        %get3A_560 = arith.constant 16 : index
        %get3A_561 = tpu.vector_load %arg7[%get3A_559, %get3A_560] {strides = array<i32>} : memref<200x32xf32, #tpu.memory_space<vmem>>, vector<16xf32>,
        %bitcast_convert_type3A_562 = tpu.bitcast %get3A_558 : vector<16xf32> -> vector<16xi32>
        %bitcast_convert_type3A_563 = tpu.bitcast %get3A_561 : vector<16xf32> -> vector<16xi32>
        %shift_left3A_564 = arith.constant 16 : i32
        %shift_left3A_565 = vector.broadcast %shift_left3A_564 : i32 to vector<16xi32>
        %shift_left3A_566 = arith.shli %bitcast_convert_type3A_562, %shift_left3A_565 : vector<16xi32>
        %bitcast_convert_type3A_567 = tpu.bitcast %shift_left3A_566 : vector<16xi32> -> vector<16xf32>
        %add3A_568 = arith.addf %add3A_546, %bitcast_convert_type3A_567 : vector<16xf32>
        %shift_left3A_569 = arith.constant 16 : i32
        %shift_left3A_570 = vector.broadcast %shift_left3A_569 : i32 to vector<16xi32>
        %shift_left3A_571 = arith.shli %bitcast_convert_type3A_563, %shift_left3A_570 : vector<16xi32>
        %bitcast_convert_type3A_572 = tpu.bitcast %shift_left3A_571 : vector<16xi32> -> vector<16xf32>
        %add3A_573 = arith.addf %add3A_551, %bitcast_convert_type3A_572 : vector<16xf32>
        %add3A_574 = arith.addf %add3A_552, %get3A_558 : vector<16xf32>
        %add3A_575 = arith.addf %add3A_553, %get3A_561 : vector<16xf32>
        %scan3A_576 = arith.constant 7 : i32
        %scan3A_577 = arith.addi %scan3A_422, %scan3A_576 : i32
        %get3A_578 = arith.index_cast %scan3A_577 : i32 to index
        %get3A_579 = arith.constant 0 : index
        %get3A_580 = tpu.vector_load %arg7[%get3A_578, %get3A_579] {strides = array<i32>} : memref<200x32xf32, #tpu.memory_space<vmem>>, vector<16xf32>,
        %get3A_581 = arith.index_cast %scan3A_577 : i32 to index
        %get3A_582 = arith.constant 16 : index
        %get3A_583 = tpu.vector_load %arg7[%get3A_581, %get3A_582] {strides = array<i32>} : memref<200x32xf32, #tpu.memory_space<vmem>>, vector<16xf32>,
        %bitcast_convert_type3A_584 = tpu.bitcast %get3A_580 : vector<16xf32> -> vector<16xi32>
        %bitcast_convert_type3A_585 = tpu.bitcast %get3A_583 : vector<16xf32> -> vector<16xi32>
        %shift_left3A_586 = arith.constant 16 : i32
        %shift_left3A_587 = vector.broadcast %shift_left3A_586 : i32 to vector<16xi32>
        %shift_left3A_588 = arith.shli %bitcast_convert_type3A_584, %shift_left3A_587 : vector<16xi32>
        %bitcast_convert_type3A_589 = tpu.bitcast %shift_left3A_588 : vector<16xi32> -> vector<16xf32>
        %add3A_590 = arith.addf %add3A_568, %bitcast_convert_type3A_589 : vector<16xf32>
        %shift_left3A_591 = arith.constant 16 : i32
        %shift_left3A_592 = vector.broadcast %shift_left3A_591 : i32 to vector<16xi32>
        %shift_left3A_593 = arith.shli %bitcast_convert_type3A_585, %shift_left3A_592 : vector<16xi32>
        %bitcast_convert_type3A_594 = tpu.bitcast %shift_left3A_593 : vector<16xi32> -> vector<16xf32>
        %add3A_595 = arith.addf %add3A_573, %bitcast_convert_type3A_594 : vector<16xf32>
        %add3A_596 = arith.addf %add3A_574, %get3A_580 : vector<16xf32>
        %add3A_597 = arith.addf %add3A_575, %get3A_583 : vector<16xf32>
        scf.yield %add3A_590, %add3A_595, %add3A_596, %add3A_597 : vector<16xf32>, vector<16xf32>, vector<16xf32>, vector<16xf32>
      }
      %scan3A_165 = arith.constant 200 : i32
      %swap3A = arith.index_cast %add3A_149 : i32 to index
      %swap3A_166 = arith.constant 0 : index
      %swap3A_167 = tpu.vector_load %arg15[%swap3A, %swap3A_166] {strides = array<i32>} : memref<128x64xf32, #tpu.memory_space<vmem>>, vector<16xf32>,
      tpu.vector_store %arg15[%swap3A, %swap3A_166], %scan3A_164#0 {strides = array<i32>} : memref<128x64xf32, #tpu.memory_space<vmem>>, vector<16xf32>,
      %swap3A_168 = arith.index_cast %add3A_149 : i32 to index
      %swap3A_169 = arith.constant 16 : index
      %swap3A_170 = tpu.vector_load %arg15[%swap3A_168, %swap3A_169] {strides = array<i32>} : memref<128x64xf32, #tpu.memory_space<vmem>>, vector<16xf32>,
      tpu.vector_store %arg15[%swap3A_168, %swap3A_169], %scan3A_164#1 {strides = array<i32>} : memref<128x64xf32, #tpu.memory_space<vmem>>, vector<16xf32>,
      %swap3A_171 = arith.index_cast %add3A_149 : i32 to index
      %swap3A_172 = arith.constant 32 : index
      %swap3A_173 = tpu.vector_load %arg15[%swap3A_171, %swap3A_172] {strides = array<i32>} : memref<128x64xf32, #tpu.memory_space<vmem>>, vector<16xf32>,
      tpu.vector_store %arg15[%swap3A_171, %swap3A_172], %scan3A_164#2 {strides = array<i32>} : memref<128x64xf32, #tpu.memory_space<vmem>>, vector<16xf32>,
      %swap3A_174 = arith.index_cast %add3A_149 : i32 to index
      %swap3A_175 = arith.constant 48 : index
      %swap3A_176 = tpu.vector_load %arg15[%swap3A_174, %swap3A_175] {strides = array<i32>} : memref<128x64xf32, #tpu.memory_space<vmem>>, vector<16xf32>,
      tpu.vector_store %arg15[%swap3A_174, %swap3A_175], %scan3A_164#3 {strides = array<i32>} : memref<128x64xf32, #tpu.memory_space<vmem>>, vector<16xf32>,
      %add3A_177 = arith.constant 1 : i32
      %add3A_178 = arith.addi %add3A_147, %add3A_177 : i32
      %add3A_179 = arith.constant 7 : i32
      %add3A_180 = arith.addi %add3A_178, %add3A_179 : i32
      %lt3A_181 = arith.constant 128 : i32
      %lt3A_182 = arith.cmpi slt, %add3A_180, %lt3A_181 : i32
      %convert_element_type3A_183 = arith.extui %lt3A_182 : i1 to i32
      %cond3A_184 = arith.constant 0 : i32
      %cond3A_185 = arith.cmpi ne, %convert_element_type3A_183, %cond3A_184 : i32
      scf.if %cond3A_185 {
        %mul3A_422 = arith.constant 200 : i32
        %mul3A_423 = arith.muli %add3A_180, %mul3A_422 : i32
        %multiple_of3A_424 = tpu.assume_multiple %mul3A_423, 8 : i32
        %dma_start3A_425 = arith.constant 0 : i32
        %dma_start3A_426 = arith.constant 0 : i32
        %dma_start3A_427 = tpu.memref_slice %arg7[%dma_start3A_425, %dma_start3A_426] : memref<200x32xf32, #tpu.memory_space<vmem>> -> memref<128x32xf32, #tpu.memory_space<vmem>>
        %dma_start3A_428 = tpu.memref_slice %arg6[%multiple_of3A_424] : memref<25600xi32, #tpu.memory_space<vmem>> -> memref<128xi32, #tpu.memory_space<vmem>>
        %dma_start3A_429 = arith.constant 0 : i32
        %dma_start3A_430 = arith.constant 0 : i32
        %dma_start3A_431 = tpu.memref_slice %arg2[%dma_start3A_429, %dma_start3A_430] : memref<1015808x32xf32, #tpu.memory_space<hbm>> -> memref<1015808x32xf32, #tpu.memory_space<hbm>>
        tpu.enqueue_indirect_dma source(%dma_start3A_431 : memref<1015808x32xf32, #tpu.memory_space<hbm>>) target(%dma_start3A_427 : memref<128x32xf32, #tpu.memory_space<vmem>>) offsets(%dma_start3A_428 : memref<128xi32, #tpu.memory_space<vmem>>) semaphore(%arg16 : memref<!tpu.dma_semaphore, #tpu.memory_space<semaphore_mem>>)
        %mul3A_432 = arith.constant 200 : i32
        %mul3A_433 = arith.muli %add3A_180, %mul3A_432 : i32
        %add3A_434 = arith.constant 128 : i32
        %add3A_435 = arith.addi %mul3A_433, %add3A_434 : i32
        %multiple_of3A_436 = tpu.assume_multiple %add3A_435, 8 : i32
        %dma_start3A_437 = arith.constant 128 : i32
        %dma_start3A_438 = arith.constant 0 : i32
        %dma_start3A_439 = tpu.memref_slice %arg7[%dma_start3A_437, %dma_start3A_438] : memref<200x32xf32, #tpu.memory_space<vmem>> -> memref<72x32xf32, #tpu.memory_space<vmem>>
        %dma_start3A_440 = tpu.memref_slice %arg6[%multiple_of3A_436] : memref<25600xi32, #tpu.memory_space<vmem>> -> memref<72xi32, #tpu.memory_space<vmem>>
        %dma_start3A_441 = arith.constant 0 : i32
        %dma_start3A_442 = arith.constant 0 : i32
        %dma_start3A_443 = tpu.memref_slice %arg2[%dma_start3A_441, %dma_start3A_442] : memref<1015808x32xf32, #tpu.memory_space<hbm>> -> memref<1015808x32xf32, #tpu.memory_space<hbm>>
        tpu.enqueue_indirect_dma source(%dma_start3A_443 : memref<1015808x32xf32, #tpu.memory_space<hbm>>) target(%dma_start3A_439 : memref<72x32xf32, #tpu.memory_space<vmem>>) offsets(%dma_start3A_440 : memref<72xi32, #tpu.memory_space<vmem>>) semaphore(%arg16 : memref<!tpu.dma_semaphore, #tpu.memory_space<semaphore_mem>>)
      } else {
      }
      %dma_wait3A_186 = arith.constant 0 : i32
      %dma_wait3A_187 = arith.constant 0 : i32
      %dma_wait3A_188 = tpu.memref_slice %arg2[%dma_wait3A_186, %dma_wait3A_187] : memref<1015808x32xf32, #tpu.memory_space<hbm>> -> memref<200x32xf32, #tpu.memory_space<hbm>>
      %dma_wait3A_189 = arith.constant 0 : i32
      %dma_wait3A_190 = arith.constant 0 : i32
      %dma_wait3A_191 = tpu.memref_slice %arg2[%dma_wait3A_189, %dma_wait3A_190] : memref<1015808x32xf32, #tpu.memory_space<hbm>> -> memref<200x32xf32, #tpu.memory_space<hbm>>
      tpu.wait_dma2 semaphore(%arg17 : memref<!tpu.dma_semaphore, #tpu.memory_space<semaphore_mem>>) src(%dma_wait3A_191 : memref<200x32xf32, #tpu.memory_space<hbm>>) dst(%arg8 : memref<200x32xf32, #tpu.memory_space<vmem>>)
      %broadcast_in_dim3A_192 = arith.constant 0.000000e+00 : f32
      %broadcast_in_dim3A_193 = vector.broadcast %broadcast_in_dim3A_192 : f32 to vector<16xf32>
      %scan3A_194 = arith.constant 0 : i32
      %scan3A_195 = arith.constant 200 : i32
      %scan3A_196 = arith.addi %scan3A_194, %scan3A_195 : i32
      %scan3A_197 = arith.constant 8 : i32
      %scan3A_198:4 = scf.for %scan3A_422 = %scan3A_194 to %scan3A_196 step %scan3A_197 iter_args(%scan3A_423 = %broadcast_in_dim3A_193, %scan3A_424 = %broadcast_in_dim3A_193, %scan3A_425 = %broadcast_in_dim3A_193, %scan3A_426 = %broadcast_in_dim3A_193) -> (vector<16xf32>, vector<16xf32>, vector<16xf32>, vector<16xf32>)  : i32 {
        %get3A = arith.index_cast %scan3A_422 : i32 to index
        %get3A_427 = arith.constant 0 : index
        %get3A_428 = tpu.vector_load %arg8[%get3A, %get3A_427] {strides = array<i32>} : memref<200x32xf32, #tpu.memory_space<vmem>>, vector<16xf32>,
        %get3A_429 = arith.index_cast %scan3A_422 : i32 to index
        %get3A_430 = arith.constant 16 : index
        %get3A_431 = tpu.vector_load %arg8[%get3A_429, %get3A_430] {strides = array<i32>} : memref<200x32xf32, #tpu.memory_space<vmem>>, vector<16xf32>,
        %bitcast_convert_type3A = tpu.bitcast %get3A_428 : vector<16xf32> -> vector<16xi32>
        %bitcast_convert_type3A_432 = tpu.bitcast %get3A_431 : vector<16xf32> -> vector<16xi32>
        %shift_left3A = arith.constant 16 : i32
        %shift_left3A_433 = vector.broadcast %shift_left3A : i32 to vector<16xi32>
        %shift_left3A_434 = arith.shli %bitcast_convert_type3A, %shift_left3A_433 : vector<16xi32>
        %bitcast_convert_type3A_435 = tpu.bitcast %shift_left3A_434 : vector<16xi32> -> vector<16xf32>
        %add3A_436 = arith.addf %scan3A_423, %bitcast_convert_type3A_435 : vector<16xf32>
        %shift_left3A_437 = arith.constant 16 : i32
        %shift_left3A_438 = vector.broadcast %shift_left3A_437 : i32 to vector<16xi32>
        %shift_left3A_439 = arith.shli %bitcast_convert_type3A_432, %shift_left3A_438 : vector<16xi32>
        %bitcast_convert_type3A_440 = tpu.bitcast %shift_left3A_439 : vector<16xi32> -> vector<16xf32>
        %add3A_441 = arith.addf %scan3A_424, %bitcast_convert_type3A_440 : vector<16xf32>
        %add3A_442 = arith.addf %scan3A_425, %get3A_428 : vector<16xf32>
        %add3A_443 = arith.addf %scan3A_426, %get3A_431 : vector<16xf32>
        %scan3A_444 = arith.constant 1 : i32
        %scan3A_445 = arith.addi %scan3A_422, %scan3A_444 : i32
        %get3A_446 = arith.index_cast %scan3A_445 : i32 to index
        %get3A_447 = arith.constant 0 : index
        %get3A_448 = tpu.vector_load %arg8[%get3A_446, %get3A_447] {strides = array<i32>} : memref<200x32xf32, #tpu.memory_space<vmem>>, vector<16xf32>,
        %get3A_449 = arith.index_cast %scan3A_445 : i32 to index
        %get3A_450 = arith.constant 16 : index
        %get3A_451 = tpu.vector_load %arg8[%get3A_449, %get3A_450] {strides = array<i32>} : memref<200x32xf32, #tpu.memory_space<vmem>>, vector<16xf32>,
        %bitcast_convert_type3A_452 = tpu.bitcast %get3A_448 : vector<16xf32> -> vector<16xi32>
        %bitcast_convert_type3A_453 = tpu.bitcast %get3A_451 : vector<16xf32> -> vector<16xi32>
        %shift_left3A_454 = arith.constant 16 : i32
        %shift_left3A_455 = vector.broadcast %shift_left3A_454 : i32 to vector<16xi32>
        %shift_left3A_456 = arith.shli %bitcast_convert_type3A_452, %shift_left3A_455 : vector<16xi32>
        %bitcast_convert_type3A_457 = tpu.bitcast %shift_left3A_456 : vector<16xi32> -> vector<16xf32>
        %add3A_458 = arith.addf %add3A_436, %bitcast_convert_type3A_457 : vector<16xf32>
        %shift_left3A_459 = arith.constant 16 : i32
        %shift_left3A_460 = vector.broadcast %shift_left3A_459 : i32 to vector<16xi32>
        %shift_left3A_461 = arith.shli %bitcast_convert_type3A_453, %shift_left3A_460 : vector<16xi32>
        %bitcast_convert_type3A_462 = tpu.bitcast %shift_left3A_461 : vector<16xi32> -> vector<16xf32>
        %add3A_463 = arith.addf %add3A_441, %bitcast_convert_type3A_462 : vector<16xf32>
        %add3A_464 = arith.addf %add3A_442, %get3A_448 : vector<16xf32>
        %add3A_465 = arith.addf %add3A_443, %get3A_451 : vector<16xf32>
        %scan3A_466 = arith.constant 2 : i32
        %scan3A_467 = arith.addi %scan3A_422, %scan3A_466 : i32
        %get3A_468 = arith.index_cast %scan3A_467 : i32 to index
        %get3A_469 = arith.constant 0 : index
        %get3A_470 = tpu.vector_load %arg8[%get3A_468, %get3A_469] {strides = array<i32>} : memref<200x32xf32, #tpu.memory_space<vmem>>, vector<16xf32>,
        %get3A_471 = arith.index_cast %scan3A_467 : i32 to index
        %get3A_472 = arith.constant 16 : index
        %get3A_473 = tpu.vector_load %arg8[%get3A_471, %get3A_472] {strides = array<i32>} : memref<200x32xf32, #tpu.memory_space<vmem>>, vector<16xf32>,
        %bitcast_convert_type3A_474 = tpu.bitcast %get3A_470 : vector<16xf32> -> vector<16xi32>
        %bitcast_convert_type3A_475 = tpu.bitcast %get3A_473 : vector<16xf32> -> vector<16xi32>
        %shift_left3A_476 = arith.constant 16 : i32
        %shift_left3A_477 = vector.broadcast %shift_left3A_476 : i32 to vector<16xi32>
        %shift_left3A_478 = arith.shli %bitcast_convert_type3A_474, %shift_left3A_477 : vector<16xi32>
        %bitcast_convert_type3A_479 = tpu.bitcast %shift_left3A_478 : vector<16xi32> -> vector<16xf32>
        %add3A_480 = arith.addf %add3A_458, %bitcast_convert_type3A_479 : vector<16xf32>
        %shift_left3A_481 = arith.constant 16 : i32
        %shift_left3A_482 = vector.broadcast %shift_left3A_481 : i32 to vector<16xi32>
        %shift_left3A_483 = arith.shli %bitcast_convert_type3A_475, %shift_left3A_482 : vector<16xi32>
        %bitcast_convert_type3A_484 = tpu.bitcast %shift_left3A_483 : vector<16xi32> -> vector<16xf32>
        %add3A_485 = arith.addf %add3A_463, %bitcast_convert_type3A_484 : vector<16xf32>
        %add3A_486 = arith.addf %add3A_464, %get3A_470 : vector<16xf32>
        %add3A_487 = arith.addf %add3A_465, %get3A_473 : vector<16xf32>
        %scan3A_488 = arith.constant 3 : i32
        %scan3A_489 = arith.addi %scan3A_422, %scan3A_488 : i32
        %get3A_490 = arith.index_cast %scan3A_489 : i32 to index
        %get3A_491 = arith.constant 0 : index
        %get3A_492 = tpu.vector_load %arg8[%get3A_490, %get3A_491] {strides = array<i32>} : memref<200x32xf32, #tpu.memory_space<vmem>>, vector<16xf32>,
        %get3A_493 = arith.index_cast %scan3A_489 : i32 to index
        %get3A_494 = arith.constant 16 : index
        %get3A_495 = tpu.vector_load %arg8[%get3A_493, %get3A_494] {strides = array<i32>} : memref<200x32xf32, #tpu.memory_space<vmem>>, vector<16xf32>,
        %bitcast_convert_type3A_496 = tpu.bitcast %get3A_492 : vector<16xf32> -> vector<16xi32>
        %bitcast_convert_type3A_497 = tpu.bitcast %get3A_495 : vector<16xf32> -> vector<16xi32>
        %shift_left3A_498 = arith.constant 16 : i32
        %shift_left3A_499 = vector.broadcast %shift_left3A_498 : i32 to vector<16xi32>
        %shift_left3A_500 = arith.shli %bitcast_convert_type3A_496, %shift_left3A_499 : vector<16xi32>
        %bitcast_convert_type3A_501 = tpu.bitcast %shift_left3A_500 : vector<16xi32> -> vector<16xf32>
        %add3A_502 = arith.addf %add3A_480, %bitcast_convert_type3A_501 : vector<16xf32>
        %shift_left3A_503 = arith.constant 16 : i32
        %shift_left3A_504 = vector.broadcast %shift_left3A_503 : i32 to vector<16xi32>
        %shift_left3A_505 = arith.shli %bitcast_convert_type3A_497, %shift_left3A_504 : vector<16xi32>
        %bitcast_convert_type3A_506 = tpu.bitcast %shift_left3A_505 : vector<16xi32> -> vector<16xf32>
        %add3A_507 = arith.addf %add3A_485, %bitcast_convert_type3A_506 : vector<16xf32>
        %add3A_508 = arith.addf %add3A_486, %get3A_492 : vector<16xf32>
        %add3A_509 = arith.addf %add3A_487, %get3A_495 : vector<16xf32>
        %scan3A_510 = arith.constant 4 : i32
        %scan3A_511 = arith.addi %scan3A_422, %scan3A_510 : i32
        %get3A_512 = arith.index_cast %scan3A_511 : i32 to index
        %get3A_513 = arith.constant 0 : index
        %get3A_514 = tpu.vector_load %arg8[%get3A_512, %get3A_513] {strides = array<i32>} : memref<200x32xf32, #tpu.memory_space<vmem>>, vector<16xf32>,
        %get3A_515 = arith.index_cast %scan3A_511 : i32 to index
        %get3A_516 = arith.constant 16 : index
        %get3A_517 = tpu.vector_load %arg8[%get3A_515, %get3A_516] {strides = array<i32>} : memref<200x32xf32, #tpu.memory_space<vmem>>, vector<16xf32>,
        %bitcast_convert_type3A_518 = tpu.bitcast %get3A_514 : vector<16xf32> -> vector<16xi32>
        %bitcast_convert_type3A_519 = tpu.bitcast %get3A_517 : vector<16xf32> -> vector<16xi32>
        %shift_left3A_520 = arith.constant 16 : i32
        %shift_left3A_521 = vector.broadcast %shift_left3A_520 : i32 to vector<16xi32>
        %shift_left3A_522 = arith.shli %bitcast_convert_type3A_518, %shift_left3A_521 : vector<16xi32>
        %bitcast_convert_type3A_523 = tpu.bitcast %shift_left3A_522 : vector<16xi32> -> vector<16xf32>
        %add3A_524 = arith.addf %add3A_502, %bitcast_convert_type3A_523 : vector<16xf32>
        %shift_left3A_525 = arith.constant 16 : i32
        %shift_left3A_526 = vector.broadcast %shift_left3A_525 : i32 to vector<16xi32>
        %shift_left3A_527 = arith.shli %bitcast_convert_type3A_519, %shift_left3A_526 : vector<16xi32>
        %bitcast_convert_type3A_528 = tpu.bitcast %shift_left3A_527 : vector<16xi32> -> vector<16xf32>
        %add3A_529 = arith.addf %add3A_507, %bitcast_convert_type3A_528 : vector<16xf32>
        %add3A_530 = arith.addf %add3A_508, %get3A_514 : vector<16xf32>
        %add3A_531 = arith.addf %add3A_509, %get3A_517 : vector<16xf32>
        %scan3A_532 = arith.constant 5 : i32
        %scan3A_533 = arith.addi %scan3A_422, %scan3A_532 : i32
        %get3A_534 = arith.index_cast %scan3A_533 : i32 to index
        %get3A_535 = arith.constant 0 : index
        %get3A_536 = tpu.vector_load %arg8[%get3A_534, %get3A_535] {strides = array<i32>} : memref<200x32xf32, #tpu.memory_space<vmem>>, vector<16xf32>,
        %get3A_537 = arith.index_cast %scan3A_533 : i32 to index
        %get3A_538 = arith.constant 16 : index
        %get3A_539 = tpu.vector_load %arg8[%get3A_537, %get3A_538] {strides = array<i32>} : memref<200x32xf32, #tpu.memory_space<vmem>>, vector<16xf32>,
        %bitcast_convert_type3A_540 = tpu.bitcast %get3A_536 : vector<16xf32> -> vector<16xi32>
        %bitcast_convert_type3A_541 = tpu.bitcast %get3A_539 : vector<16xf32> -> vector<16xi32>
        %shift_left3A_542 = arith.constant 16 : i32
        %shift_left3A_543 = vector.broadcast %shift_left3A_542 : i32 to vector<16xi32>
        %shift_left3A_544 = arith.shli %bitcast_convert_type3A_540, %shift_left3A_543 : vector<16xi32>
        %bitcast_convert_type3A_545 = tpu.bitcast %shift_left3A_544 : vector<16xi32> -> vector<16xf32>
        %add3A_546 = arith.addf %add3A_524, %bitcast_convert_type3A_545 : vector<16xf32>
        %shift_left3A_547 = arith.constant 16 : i32
        %shift_left3A_548 = vector.broadcast %shift_left3A_547 : i32 to vector<16xi32>
        %shift_left3A_549 = arith.shli %bitcast_convert_type3A_541, %shift_left3A_548 : vector<16xi32>
        %bitcast_convert_type3A_550 = tpu.bitcast %shift_left3A_549 : vector<16xi32> -> vector<16xf32>
        %add3A_551 = arith.addf %add3A_529, %bitcast_convert_type3A_550 : vector<16xf32>
        %add3A_552 = arith.addf %add3A_530, %get3A_536 : vector<16xf32>
        %add3A_553 = arith.addf %add3A_531, %get3A_539 : vector<16xf32>
        %scan3A_554 = arith.constant 6 : i32
        %scan3A_555 = arith.addi %scan3A_422, %scan3A_554 : i32
        %get3A_556 = arith.index_cast %scan3A_555 : i32 to index
        %get3A_557 = arith.constant 0 : index
        %get3A_558 = tpu.vector_load %arg8[%get3A_556, %get3A_557] {strides = array<i32>} : memref<200x32xf32, #tpu.memory_space<vmem>>, vector<16xf32>,
        %get3A_559 = arith.index_cast %scan3A_555 : i32 to index
        %get3A_560 = arith.constant 16 : index
        %get3A_561 = tpu.vector_load %arg8[%get3A_559, %get3A_560] {strides = array<i32>} : memref<200x32xf32, #tpu.memory_space<vmem>>, vector<16xf32>,
        %bitcast_convert_type3A_562 = tpu.bitcast %get3A_558 : vector<16xf32> -> vector<16xi32>
        %bitcast_convert_type3A_563 = tpu.bitcast %get3A_561 : vector<16xf32> -> vector<16xi32>
        %shift_left3A_564 = arith.constant 16 : i32
        %shift_left3A_565 = vector.broadcast %shift_left3A_564 : i32 to vector<16xi32>
        %shift_left3A_566 = arith.shli %bitcast_convert_type3A_562, %shift_left3A_565 : vector<16xi32>
        %bitcast_convert_type3A_567 = tpu.bitcast %shift_left3A_566 : vector<16xi32> -> vector<16xf32>
        %add3A_568 = arith.addf %add3A_546, %bitcast_convert_type3A_567 : vector<16xf32>
        %shift_left3A_569 = arith.constant 16 : i32
        %shift_left3A_570 = vector.broadcast %shift_left3A_569 : i32 to vector<16xi32>
        %shift_left3A_571 = arith.shli %bitcast_convert_type3A_563, %shift_left3A_570 : vector<16xi32>
        %bitcast_convert_type3A_572 = tpu.bitcast %shift_left3A_571 : vector<16xi32> -> vector<16xf32>
        %add3A_573 = arith.addf %add3A_551, %bitcast_convert_type3A_572 : vector<16xf32>
        %add3A_574 = arith.addf %add3A_552, %get3A_558 : vector<16xf32>
        %add3A_575 = arith.addf %add3A_553, %get3A_561 : vector<16xf32>
        %scan3A_576 = arith.constant 7 : i32
        %scan3A_577 = arith.addi %scan3A_422, %scan3A_576 : i32
        %get3A_578 = arith.index_cast %scan3A_577 : i32 to index
        %get3A_579 = arith.constant 0 : index
        %get3A_580 = tpu.vector_load %arg8[%get3A_578, %get3A_579] {strides = array<i32>} : memref<200x32xf32, #tpu.memory_space<vmem>>, vector<16xf32>,
        %get3A_581 = arith.index_cast %scan3A_577 : i32 to index
        %get3A_582 = arith.constant 16 : index
        %get3A_583 = tpu.vector_load %arg8[%get3A_581, %get3A_582] {strides = array<i32>} : memref<200x32xf32, #tpu.memory_space<vmem>>, vector<16xf32>,
        %bitcast_convert_type3A_584 = tpu.bitcast %get3A_580 : vector<16xf32> -> vector<16xi32>
        %bitcast_convert_type3A_585 = tpu.bitcast %get3A_583 : vector<16xf32> -> vector<16xi32>
        %shift_left3A_586 = arith.constant 16 : i32
        %shift_left3A_587 = vector.broadcast %shift_left3A_586 : i32 to vector<16xi32>
        %shift_left3A_588 = arith.shli %bitcast_convert_type3A_584, %shift_left3A_587 : vector<16xi32>
        %bitcast_convert_type3A_589 = tpu.bitcast %shift_left3A_588 : vector<16xi32> -> vector<16xf32>
        %add3A_590 = arith.addf %add3A_568, %bitcast_convert_type3A_589 : vector<16xf32>
        %shift_left3A_591 = arith.constant 16 : i32
        %shift_left3A_592 = vector.broadcast %shift_left3A_591 : i32 to vector<16xi32>
        %shift_left3A_593 = arith.shli %bitcast_convert_type3A_585, %shift_left3A_592 : vector<16xi32>
        %bitcast_convert_type3A_594 = tpu.bitcast %shift_left3A_593 : vector<16xi32> -> vector<16xf32>
        %add3A_595 = arith.addf %add3A_573, %bitcast_convert_type3A_594 : vector<16xf32>
        %add3A_596 = arith.addf %add3A_574, %get3A_580 : vector<16xf32>
        %add3A_597 = arith.addf %add3A_575, %get3A_583 : vector<16xf32>
        scf.yield %add3A_590, %add3A_595, %add3A_596, %add3A_597 : vector<16xf32>, vector<16xf32>, vector<16xf32>, vector<16xf32>
      }
      %scan3A_199 = arith.constant 200 : i32
      %swap3A_200 = arith.index_cast %add3A_178 : i32 to index
      %swap3A_201 = arith.constant 0 : index
      %swap3A_202 = tpu.vector_load %arg15[%swap3A_200, %swap3A_201] {strides = array<i32>} : memref<128x64xf32, #tpu.memory_space<vmem>>, vector<16xf32>,
      tpu.vector_store %arg15[%swap3A_200, %swap3A_201], %scan3A_198#0 {strides = array<i32>} : memref<128x64xf32, #tpu.memory_space<vmem>>, vector<16xf32>,
      %swap3A_203 = arith.index_cast %add3A_178 : i32 to index
      %swap3A_204 = arith.constant 16 : index
      %swap3A_205 = tpu.vector_load %arg15[%swap3A_203, %swap3A_204] {strides = array<i32>} : memref<128x64xf32, #tpu.memory_space<vmem>>, vector<16xf32>,
      tpu.vector_store %arg15[%swap3A_203, %swap3A_204], %scan3A_198#1 {strides = array<i32>} : memref<128x64xf32, #tpu.memory_space<vmem>>, vector<16xf32>,
      %swap3A_206 = arith.index_cast %add3A_178 : i32 to index
      %swap3A_207 = arith.constant 32 : index
      %swap3A_208 = tpu.vector_load %arg15[%swap3A_206, %swap3A_207] {strides = array<i32>} : memref<128x64xf32, #tpu.memory_space<vmem>>, vector<16xf32>,
      tpu.vector_store %arg15[%swap3A_206, %swap3A_207], %scan3A_198#2 {strides = array<i32>} : memref<128x64xf32, #tpu.memory_space<vmem>>, vector<16xf32>,
      %swap3A_209 = arith.index_cast %add3A_178 : i32 to index
      %swap3A_210 = arith.constant 48 : index
      %swap3A_211 = tpu.vector_load %arg15[%swap3A_209, %swap3A_210] {strides = array<i32>} : memref<128x64xf32, #tpu.memory_space<vmem>>, vector<16xf32>,
      tpu.vector_store %arg15[%swap3A_209, %swap3A_210], %scan3A_198#3 {strides = array<i32>} : memref<128x64xf32, #tpu.memory_space<vmem>>, vector<16xf32>,
      %add3A_212 = arith.constant 2 : i32
      %add3A_213 = arith.addi %add3A_147, %add3A_212 : i32
      %add3A_214 = arith.constant 7 : i32
      %add3A_215 = arith.addi %add3A_213, %add3A_214 : i32
      %lt3A_216 = arith.constant 128 : i32
      %lt3A_217 = arith.cmpi slt, %add3A_215, %lt3A_216 : i32
      %convert_element_type3A_218 = arith.extui %lt3A_217 : i1 to i32
      %cond3A_219 = arith.constant 0 : i32
      %cond3A_220 = arith.cmpi ne, %convert_element_type3A_218, %cond3A_219 : i32
      scf.if %cond3A_220 {
        %mul3A_422 = arith.constant 200 : i32
        %mul3A_423 = arith.muli %add3A_215, %mul3A_422 : i32
        %multiple_of3A_424 = tpu.assume_multiple %mul3A_423, 8 : i32
        %dma_start3A_425 = arith.constant 0 : i32
        %dma_start3A_426 = arith.constant 0 : i32
        %dma_start3A_427 = tpu.memref_slice %arg8[%dma_start3A_425, %dma_start3A_426] : memref<200x32xf32, #tpu.memory_space<vmem>> -> memref<128x32xf32, #tpu.memory_space<vmem>>
        %dma_start3A_428 = tpu.memref_slice %arg6[%multiple_of3A_424] : memref<25600xi32, #tpu.memory_space<vmem>> -> memref<128xi32, #tpu.memory_space<vmem>>
        %dma_start3A_429 = arith.constant 0 : i32
        %dma_start3A_430 = arith.constant 0 : i32
        %dma_start3A_431 = tpu.memref_slice %arg2[%dma_start3A_429, %dma_start3A_430] : memref<1015808x32xf32, #tpu.memory_space<hbm>> -> memref<1015808x32xf32, #tpu.memory_space<hbm>>
        tpu.enqueue_indirect_dma source(%dma_start3A_431 : memref<1015808x32xf32, #tpu.memory_space<hbm>>) target(%dma_start3A_427 : memref<128x32xf32, #tpu.memory_space<vmem>>) offsets(%dma_start3A_428 : memref<128xi32, #tpu.memory_space<vmem>>) semaphore(%arg17 : memref<!tpu.dma_semaphore, #tpu.memory_space<semaphore_mem>>)
        %mul3A_432 = arith.constant 200 : i32
        %mul3A_433 = arith.muli %add3A_215, %mul3A_432 : i32
        %add3A_434 = arith.constant 128 : i32
        %add3A_435 = arith.addi %mul3A_433, %add3A_434 : i32
        %multiple_of3A_436 = tpu.assume_multiple %add3A_435, 8 : i32
        %dma_start3A_437 = arith.constant 128 : i32
        %dma_start3A_438 = arith.constant 0 : i32
        %dma_start3A_439 = tpu.memref_slice %arg8[%dma_start3A_437, %dma_start3A_438] : memref<200x32xf32, #tpu.memory_space<vmem>> -> memref<72x32xf32, #tpu.memory_space<vmem>>
        %dma_start3A_440 = tpu.memref_slice %arg6[%multiple_of3A_436] : memref<25600xi32, #tpu.memory_space<vmem>> -> memref<72xi32, #tpu.memory_space<vmem>>
        %dma_start3A_441 = arith.constant 0 : i32
        %dma_start3A_442 = arith.constant 0 : i32
        %dma_start3A_443 = tpu.memref_slice %arg2[%dma_start3A_441, %dma_start3A_442] : memref<1015808x32xf32, #tpu.memory_space<hbm>> -> memref<1015808x32xf32, #tpu.memory_space<hbm>>
        tpu.enqueue_indirect_dma source(%dma_start3A_443 : memref<1015808x32xf32, #tpu.memory_space<hbm>>) target(%dma_start3A_439 : memref<72x32xf32, #tpu.memory_space<vmem>>) offsets(%dma_start3A_440 : memref<72xi32, #tpu.memory_space<vmem>>) semaphore(%arg17 : memref<!tpu.dma_semaphore, #tpu.memory_space<semaphore_mem>>)
      } else {
      }
      %dma_wait3A_221 = arith.constant 0 : i32
      %dma_wait3A_222 = arith.constant 0 : i32
      %dma_wait3A_223 = tpu.memref_slice %arg2[%dma_wait3A_221, %dma_wait3A_222] : memref<1015808x32xf32, #tpu.memory_space<hbm>> -> memref<200x32xf32, #tpu.memory_space<hbm>>
      %dma_wait3A_224 = arith.constant 0 : i32
      %dma_wait3A_225 = arith.constant 0 : i32
      %dma_wait3A_226 = tpu.memref_slice %arg2[%dma_wait3A_224, %dma_wait3A_225] : memref<1015808x32xf32, #tpu.memory_space<hbm>> -> memref<200x32xf32, #tpu.memory_space<hbm>>
      tpu.wait_dma2 semaphore(%arg18 : memref<!tpu.dma_semaphore, #tpu.memory_space<semaphore_mem>>) src(%dma_wait3A_226 : memref<200x32xf32, #tpu.memory_space<hbm>>) dst(%arg9 : memref<200x32xf32, #tpu.memory_space<vmem>>)
      %broadcast_in_dim3A_227 = arith.constant 0.000000e+00 : f32
      %broadcast_in_dim3A_228 = vector.broadcast %broadcast_in_dim3A_227 : f32 to vector<16xf32>
      %scan3A_229 = arith.constant 0 : i32
      %scan3A_230 = arith.constant 200 : i32
      %scan3A_231 = arith.addi %scan3A_229, %scan3A_230 : i32
      %scan3A_232 = arith.constant 8 : i32
      %scan3A_233:4 = scf.for %scan3A_422 = %scan3A_229 to %scan3A_231 step %scan3A_232 iter_args(%scan3A_423 = %broadcast_in_dim3A_228, %scan3A_424 = %broadcast_in_dim3A_228, %scan3A_425 = %broadcast_in_dim3A_228, %scan3A_426 = %broadcast_in_dim3A_228) -> (vector<16xf32>, vector<16xf32>, vector<16xf32>, vector<16xf32>)  : i32 {
        %get3A = arith.index_cast %scan3A_422 : i32 to index
        %get3A_427 = arith.constant 0 : index
        %get3A_428 = tpu.vector_load %arg9[%get3A, %get3A_427] {strides = array<i32>} : memref<200x32xf32, #tpu.memory_space<vmem>>, vector<16xf32>,
        %get3A_429 = arith.index_cast %scan3A_422 : i32 to index
        %get3A_430 = arith.constant 16 : index
        %get3A_431 = tpu.vector_load %arg9[%get3A_429, %get3A_430] {strides = array<i32>} : memref<200x32xf32, #tpu.memory_space<vmem>>, vector<16xf32>,
        %bitcast_convert_type3A = tpu.bitcast %get3A_428 : vector<16xf32> -> vector<16xi32>
        %bitcast_convert_type3A_432 = tpu.bitcast %get3A_431 : vector<16xf32> -> vector<16xi32>
        %shift_left3A = arith.constant 16 : i32
        %shift_left3A_433 = vector.broadcast %shift_left3A : i32 to vector<16xi32>
        %shift_left3A_434 = arith.shli %bitcast_convert_type3A, %shift_left3A_433 : vector<16xi32>
        %bitcast_convert_type3A_435 = tpu.bitcast %shift_left3A_434 : vector<16xi32> -> vector<16xf32>
        %add3A_436 = arith.addf %scan3A_423, %bitcast_convert_type3A_435 : vector<16xf32>
        %shift_left3A_437 = arith.constant 16 : i32
        %shift_left3A_438 = vector.broadcast %shift_left3A_437 : i32 to vector<16xi32>
        %shift_left3A_439 = arith.shli %bitcast_convert_type3A_432, %shift_left3A_438 : vector<16xi32>
        %bitcast_convert_type3A_440 = tpu.bitcast %shift_left3A_439 : vector<16xi32> -> vector<16xf32>
        %add3A_441 = arith.addf %scan3A_424, %bitcast_convert_type3A_440 : vector<16xf32>
        %add3A_442 = arith.addf %scan3A_425, %get3A_428 : vector<16xf32>
        %add3A_443 = arith.addf %scan3A_426, %get3A_431 : vector<16xf32>
        %scan3A_444 = arith.constant 1 : i32
        %scan3A_445 = arith.addi %scan3A_422, %scan3A_444 : i32
        %get3A_446 = arith.index_cast %scan3A_445 : i32 to index
        %get3A_447 = arith.constant 0 : index
        %get3A_448 = tpu.vector_load %arg9[%get3A_446, %get3A_447] {strides = array<i32>} : memref<200x32xf32, #tpu.memory_space<vmem>>, vector<16xf32>,
        %get3A_449 = arith.index_cast %scan3A_445 : i32 to index
        %get3A_450 = arith.constant 16 : index
        %get3A_451 = tpu.vector_load %arg9[%get3A_449, %get3A_450] {strides = array<i32>} : memref<200x32xf32, #tpu.memory_space<vmem>>, vector<16xf32>,
        %bitcast_convert_type3A_452 = tpu.bitcast %get3A_448 : vector<16xf32> -> vector<16xi32>
        %bitcast_convert_type3A_453 = tpu.bitcast %get3A_451 : vector<16xf32> -> vector<16xi32>
        %shift_left3A_454 = arith.constant 16 : i32
        %shift_left3A_455 = vector.broadcast %shift_left3A_454 : i32 to vector<16xi32>
        %shift_left3A_456 = arith.shli %bitcast_convert_type3A_452, %shift_left3A_455 : vector<16xi32>
        %bitcast_convert_type3A_457 = tpu.bitcast %shift_left3A_456 : vector<16xi32> -> vector<16xf32>
        %add3A_458 = arith.addf %add3A_436, %bitcast_convert_type3A_457 : vector<16xf32>
        %shift_left3A_459 = arith.constant 16 : i32
        %shift_left3A_460 = vector.broadcast %shift_left3A_459 : i32 to vector<16xi32>
        %shift_left3A_461 = arith.shli %bitcast_convert_type3A_453, %shift_left3A_460 : vector<16xi32>
        %bitcast_convert_type3A_462 = tpu.bitcast %shift_left3A_461 : vector<16xi32> -> vector<16xf32>
        %add3A_463 = arith.addf %add3A_441, %bitcast_convert_type3A_462 : vector<16xf32>
        %add3A_464 = arith.addf %add3A_442, %get3A_448 : vector<16xf32>
        %add3A_465 = arith.addf %add3A_443, %get3A_451 : vector<16xf32>
        %scan3A_466 = arith.constant 2 : i32
        %scan3A_467 = arith.addi %scan3A_422, %scan3A_466 : i32
        %get3A_468 = arith.index_cast %scan3A_467 : i32 to index
        %get3A_469 = arith.constant 0 : index
        %get3A_470 = tpu.vector_load %arg9[%get3A_468, %get3A_469] {strides = array<i32>} : memref<200x32xf32, #tpu.memory_space<vmem>>, vector<16xf32>,
        %get3A_471 = arith.index_cast %scan3A_467 : i32 to index
        %get3A_472 = arith.constant 16 : index
        %get3A_473 = tpu.vector_load %arg9[%get3A_471, %get3A_472] {strides = array<i32>} : memref<200x32xf32, #tpu.memory_space<vmem>>, vector<16xf32>,
        %bitcast_convert_type3A_474 = tpu.bitcast %get3A_470 : vector<16xf32> -> vector<16xi32>
        %bitcast_convert_type3A_475 = tpu.bitcast %get3A_473 : vector<16xf32> -> vector<16xi32>
        %shift_left3A_476 = arith.constant 16 : i32
        %shift_left3A_477 = vector.broadcast %shift_left3A_476 : i32 to vector<16xi32>
        %shift_left3A_478 = arith.shli %bitcast_convert_type3A_474, %shift_left3A_477 : vector<16xi32>
        %bitcast_convert_type3A_479 = tpu.bitcast %shift_left3A_478 : vector<16xi32> -> vector<16xf32>
        %add3A_480 = arith.addf %add3A_458, %bitcast_convert_type3A_479 : vector<16xf32>
        %shift_left3A_481 = arith.constant 16 : i32
        %shift_left3A_482 = vector.broadcast %shift_left3A_481 : i32 to vector<16xi32>
        %shift_left3A_483 = arith.shli %bitcast_convert_type3A_475, %shift_left3A_482 : vector<16xi32>
        %bitcast_convert_type3A_484 = tpu.bitcast %shift_left3A_483 : vector<16xi32> -> vector<16xf32>
        %add3A_485 = arith.addf %add3A_463, %bitcast_convert_type3A_484 : vector<16xf32>
        %add3A_486 = arith.addf %add3A_464, %get3A_470 : vector<16xf32>
        %add3A_487 = arith.addf %add3A_465, %get3A_473 : vector<16xf32>
        %scan3A_488 = arith.constant 3 : i32
        %scan3A_489 = arith.addi %scan3A_422, %scan3A_488 : i32
        %get3A_490 = arith.index_cast %scan3A_489 : i32 to index
        %get3A_491 = arith.constant 0 : index
        %get3A_492 = tpu.vector_load %arg9[%get3A_490, %get3A_491] {strides = array<i32>} : memref<200x32xf32, #tpu.memory_space<vmem>>, vector<16xf32>,
        %get3A_493 = arith.index_cast %scan3A_489 : i32 to index
        %get3A_494 = arith.constant 16 : index
        %get3A_495 = tpu.vector_load %arg9[%get3A_493, %get3A_494] {strides = array<i32>} : memref<200x32xf32, #tpu.memory_space<vmem>>, vector<16xf32>,
        %bitcast_convert_type3A_496 = tpu.bitcast %get3A_492 : vector<16xf32> -> vector<16xi32>
        %bitcast_convert_type3A_497 = tpu.bitcast %get3A_495 : vector<16xf32> -> vector<16xi32>
        %shift_left3A_498 = arith.constant 16 : i32
        %shift_left3A_499 = vector.broadcast %shift_left3A_498 : i32 to vector<16xi32>
        %shift_left3A_500 = arith.shli %bitcast_convert_type3A_496, %shift_left3A_499 : vector<16xi32>
        %bitcast_convert_type3A_501 = tpu.bitcast %shift_left3A_500 : vector<16xi32> -> vector<16xf32>
        %add3A_502 = arith.addf %add3A_480, %bitcast_convert_type3A_501 : vector<16xf32>
        %shift_left3A_503 = arith.constant 16 : i32
        %shift_left3A_504 = vector.broadcast %shift_left3A_503 : i32 to vector<16xi32>
        %shift_left3A_505 = arith.shli %bitcast_convert_type3A_497, %shift_left3A_504 : vector<16xi32>
        %bitcast_convert_type3A_506 = tpu.bitcast %shift_left3A_505 : vector<16xi32> -> vector<16xf32>
        %add3A_507 = arith.addf %add3A_485, %bitcast_convert_type3A_506 : vector<16xf32>
        %add3A_508 = arith.addf %add3A_486, %get3A_492 : vector<16xf32>
        %add3A_509 = arith.addf %add3A_487, %get3A_495 : vector<16xf32>
        %scan3A_510 = arith.constant 4 : i32
        %scan3A_511 = arith.addi %scan3A_422, %scan3A_510 : i32
        %get3A_512 = arith.index_cast %scan3A_511 : i32 to index
        %get3A_513 = arith.constant 0 : index
        %get3A_514 = tpu.vector_load %arg9[%get3A_512, %get3A_513] {strides = array<i32>} : memref<200x32xf32, #tpu.memory_space<vmem>>, vector<16xf32>,
        %get3A_515 = arith.index_cast %scan3A_511 : i32 to index
        %get3A_516 = arith.constant 16 : index
        %get3A_517 = tpu.vector_load %arg9[%get3A_515, %get3A_516] {strides = array<i32>} : memref<200x32xf32, #tpu.memory_space<vmem>>, vector<16xf32>,
        %bitcast_convert_type3A_518 = tpu.bitcast %get3A_514 : vector<16xf32> -> vector<16xi32>
        %bitcast_convert_type3A_519 = tpu.bitcast %get3A_517 : vector<16xf32> -> vector<16xi32>
        %shift_left3A_520 = arith.constant 16 : i32
        %shift_left3A_521 = vector.broadcast %shift_left3A_520 : i32 to vector<16xi32>
        %shift_left3A_522 = arith.shli %bitcast_convert_type3A_518, %shift_left3A_521 : vector<16xi32>
        %bitcast_convert_type3A_523 = tpu.bitcast %shift_left3A_522 : vector<16xi32> -> vector<16xf32>
        %add3A_524 = arith.addf %add3A_502, %bitcast_convert_type3A_523 : vector<16xf32>
        %shift_left3A_525 = arith.constant 16 : i32
        %shift_left3A_526 = vector.broadcast %shift_left3A_525 : i32 to vector<16xi32>
        %shift_left3A_527 = arith.shli %bitcast_convert_type3A_519, %shift_left3A_526 : vector<16xi32>
        %bitcast_convert_type3A_528 = tpu.bitcast %shift_left3A_527 : vector<16xi32> -> vector<16xf32>
        %add3A_529 = arith.addf %add3A_507, %bitcast_convert_type3A_528 : vector<16xf32>
        %add3A_530 = arith.addf %add3A_508, %get3A_514 : vector<16xf32>
        %add3A_531 = arith.addf %add3A_509, %get3A_517 : vector<16xf32>
        %scan3A_532 = arith.constant 5 : i32
        %scan3A_533 = arith.addi %scan3A_422, %scan3A_532 : i32
        %get3A_534 = arith.index_cast %scan3A_533 : i32 to index
        %get3A_535 = arith.constant 0 : index
        %get3A_536 = tpu.vector_load %arg9[%get3A_534, %get3A_535] {strides = array<i32>} : memref<200x32xf32, #tpu.memory_space<vmem>>, vector<16xf32>,
        %get3A_537 = arith.index_cast %scan3A_533 : i32 to index
        %get3A_538 = arith.constant 16 : index
        %get3A_539 = tpu.vector_load %arg9[%get3A_537, %get3A_538] {strides = array<i32>} : memref<200x32xf32, #tpu.memory_space<vmem>>, vector<16xf32>,
        %bitcast_convert_type3A_540 = tpu.bitcast %get3A_536 : vector<16xf32> -> vector<16xi32>
        %bitcast_convert_type3A_541 = tpu.bitcast %get3A_539 : vector<16xf32> -> vector<16xi32>
        %shift_left3A_542 = arith.constant 16 : i32
        %shift_left3A_543 = vector.broadcast %shift_left3A_542 : i32 to vector<16xi32>
        %shift_left3A_544 = arith.shli %bitcast_convert_type3A_540, %shift_left3A_543 : vector<16xi32>
        %bitcast_convert_type3A_545 = tpu.bitcast %shift_left3A_544 : vector<16xi32> -> vector<16xf32>
        %add3A_546 = arith.addf %add3A_524, %bitcast_convert_type3A_545 : vector<16xf32>
        %shift_left3A_547 = arith.constant 16 : i32
        %shift_left3A_548 = vector.broadcast %shift_left3A_547 : i32 to vector<16xi32>
        %shift_left3A_549 = arith.shli %bitcast_convert_type3A_541, %shift_left3A_548 : vector<16xi32>
        %bitcast_convert_type3A_550 = tpu.bitcast %shift_left3A_549 : vector<16xi32> -> vector<16xf32>
        %add3A_551 = arith.addf %add3A_529, %bitcast_convert_type3A_550 : vector<16xf32>
        %add3A_552 = arith.addf %add3A_530, %get3A_536 : vector<16xf32>
        %add3A_553 = arith.addf %add3A_531, %get3A_539 : vector<16xf32>
        %scan3A_554 = arith.constant 6 : i32
        %scan3A_555 = arith.addi %scan3A_422, %scan3A_554 : i32
        %get3A_556 = arith.index_cast %scan3A_555 : i32 to index
        %get3A_557 = arith.constant 0 : index
        %get3A_558 = tpu.vector_load %arg9[%get3A_556, %get3A_557] {strides = array<i32>} : memref<200x32xf32, #tpu.memory_space<vmem>>, vector<16xf32>,
        %get3A_559 = arith.index_cast %scan3A_555 : i32 to index
        %get3A_560 = arith.constant 16 : index
        %get3A_561 = tpu.vector_load %arg9[%get3A_559, %get3A_560] {strides = array<i32>} : memref<200x32xf32, #tpu.memory_space<vmem>>, vector<16xf32>,
        %bitcast_convert_type3A_562 = tpu.bitcast %get3A_558 : vector<16xf32> -> vector<16xi32>
        %bitcast_convert_type3A_563 = tpu.bitcast %get3A_561 : vector<16xf32> -> vector<16xi32>
        %shift_left3A_564 = arith.constant 16 : i32
        %shift_left3A_565 = vector.broadcast %shift_left3A_564 : i32 to vector<16xi32>
        %shift_left3A_566 = arith.shli %bitcast_convert_type3A_562, %shift_left3A_565 : vector<16xi32>
        %bitcast_convert_type3A_567 = tpu.bitcast %shift_left3A_566 : vector<16xi32> -> vector<16xf32>
        %add3A_568 = arith.addf %add3A_546, %bitcast_convert_type3A_567 : vector<16xf32>
        %shift_left3A_569 = arith.constant 16 : i32
        %shift_left3A_570 = vector.broadcast %shift_left3A_569 : i32 to vector<16xi32>
        %shift_left3A_571 = arith.shli %bitcast_convert_type3A_563, %shift_left3A_570 : vector<16xi32>
        %bitcast_convert_type3A_572 = tpu.bitcast %shift_left3A_571 : vector<16xi32> -> vector<16xf32>
        %add3A_573 = arith.addf %add3A_551, %bitcast_convert_type3A_572 : vector<16xf32>
        %add3A_574 = arith.addf %add3A_552, %get3A_558 : vector<16xf32>
        %add3A_575 = arith.addf %add3A_553, %get3A_561 : vector<16xf32>
        %scan3A_576 = arith.constant 7 : i32
        %scan3A_577 = arith.addi %scan3A_422, %scan3A_576 : i32
        %get3A_578 = arith.index_cast %scan3A_577 : i32 to index
        %get3A_579 = arith.constant 0 : index
        %get3A_580 = tpu.vector_load %arg9[%get3A_578, %get3A_579] {strides = array<i32>} : memref<200x32xf32, #tpu.memory_space<vmem>>, vector<16xf32>,
        %get3A_581 = arith.index_cast %scan3A_577 : i32 to index
        %get3A_582 = arith.constant 16 : index
        %get3A_583 = tpu.vector_load %arg9[%get3A_581, %get3A_582] {strides = array<i32>} : memref<200x32xf32, #tpu.memory_space<vmem>>, vector<16xf32>,
        %bitcast_convert_type3A_584 = tpu.bitcast %get3A_580 : vector<16xf32> -> vector<16xi32>
        %bitcast_convert_type3A_585 = tpu.bitcast %get3A_583 : vector<16xf32> -> vector<16xi32>
        %shift_left3A_586 = arith.constant 16 : i32
        %shift_left3A_587 = vector.broadcast %shift_left3A_586 : i32 to vector<16xi32>
        %shift_left3A_588 = arith.shli %bitcast_convert_type3A_584, %shift_left3A_587 : vector<16xi32>
        %bitcast_convert_type3A_589 = tpu.bitcast %shift_left3A_588 : vector<16xi32> -> vector<16xf32>
        %add3A_590 = arith.addf %add3A_568, %bitcast_convert_type3A_589 : vector<16xf32>
        %shift_left3A_591 = arith.constant 16 : i32
        %shift_left3A_592 = vector.broadcast %shift_left3A_591 : i32 to vector<16xi32>
        %shift_left3A_593 = arith.shli %bitcast_convert_type3A_585, %shift_left3A_592 : vector<16xi32>
        %bitcast_convert_type3A_594 = tpu.bitcast %shift_left3A_593 : vector<16xi32> -> vector<16xf32>
        %add3A_595 = arith.addf %add3A_573, %bitcast_convert_type3A_594 : vector<16xf32>
        %add3A_596 = arith.addf %add3A_574, %get3A_580 : vector<16xf32>
        %add3A_597 = arith.addf %add3A_575, %get3A_583 : vector<16xf32>
        scf.yield %add3A_590, %add3A_595, %add3A_596, %add3A_597 : vector<16xf32>, vector<16xf32>, vector<16xf32>, vector<16xf32>
      }
      %scan3A_234 = arith.constant 200 : i32
      %swap3A_235 = arith.index_cast %add3A_213 : i32 to index
      %swap3A_236 = arith.constant 0 : index
      %swap3A_237 = tpu.vector_load %arg15[%swap3A_235, %swap3A_236] {strides = array<i32>} : memref<128x64xf32, #tpu.memory_space<vmem>>, vector<16xf32>,
      tpu.vector_store %arg15[%swap3A_235, %swap3A_236], %scan3A_233#0 {strides = array<i32>} : memref<128x64xf32, #tpu.memory_space<vmem>>, vector<16xf32>,
      %swap3A_238 = arith.index_cast %add3A_213 : i32 to index
      %swap3A_239 = arith.constant 16 : index
      %swap3A_240 = tpu.vector_load %arg15[%swap3A_238, %swap3A_239] {strides = array<i32>} : memref<128x64xf32, #tpu.memory_space<vmem>>, vector<16xf32>,
      tpu.vector_store %arg15[%swap3A_238, %swap3A_239], %scan3A_233#1 {strides = array<i32>} : memref<128x64xf32, #tpu.memory_space<vmem>>, vector<16xf32>,
      %swap3A_241 = arith.index_cast %add3A_213 : i32 to index
      %swap3A_242 = arith.constant 32 : index
      %swap3A_243 = tpu.vector_load %arg15[%swap3A_241, %swap3A_242] {strides = array<i32>} : memref<128x64xf32, #tpu.memory_space<vmem>>, vector<16xf32>,
      tpu.vector_store %arg15[%swap3A_241, %swap3A_242], %scan3A_233#2 {strides = array<i32>} : memref<128x64xf32, #tpu.memory_space<vmem>>, vector<16xf32>,
      %swap3A_244 = arith.index_cast %add3A_213 : i32 to index
      %swap3A_245 = arith.constant 48 : index
      %swap3A_246 = tpu.vector_load %arg15[%swap3A_244, %swap3A_245] {strides = array<i32>} : memref<128x64xf32, #tpu.memory_space<vmem>>, vector<16xf32>,
      tpu.vector_store %arg15[%swap3A_244, %swap3A_245], %scan3A_233#3 {strides = array<i32>} : memref<128x64xf32, #tpu.memory_space<vmem>>, vector<16xf32>,
      %add3A_247 = arith.constant 3 : i32
      %add3A_248 = arith.addi %add3A_147, %add3A_247 : i32
      %add3A_249 = arith.constant 7 : i32
      %add3A_250 = arith.addi %add3A_248, %add3A_249 : i32
      %lt3A_251 = arith.constant 128 : i32
      %lt3A_252 = arith.cmpi slt, %add3A_250, %lt3A_251 : i32
      %convert_element_type3A_253 = arith.extui %lt3A_252 : i1 to i32
      %cond3A_254 = arith.constant 0 : i32
      %cond3A_255 = arith.cmpi ne, %convert_element_type3A_253, %cond3A_254 : i32
      scf.if %cond3A_255 {
        %mul3A_422 = arith.constant 200 : i32
        %mul3A_423 = arith.muli %add3A_250, %mul3A_422 : i32
        %multiple_of3A_424 = tpu.assume_multiple %mul3A_423, 8 : i32
        %dma_start3A_425 = arith.constant 0 : i32
        %dma_start3A_426 = arith.constant 0 : i32
        %dma_start3A_427 = tpu.memref_slice %arg9[%dma_start3A_425, %dma_start3A_426] : memref<200x32xf32, #tpu.memory_space<vmem>> -> memref<128x32xf32, #tpu.memory_space<vmem>>
        %dma_start3A_428 = tpu.memref_slice %arg6[%multiple_of3A_424] : memref<25600xi32, #tpu.memory_space<vmem>> -> memref<128xi32, #tpu.memory_space<vmem>>
        %dma_start3A_429 = arith.constant 0 : i32
        %dma_start3A_430 = arith.constant 0 : i32
        %dma_start3A_431 = tpu.memref_slice %arg2[%dma_start3A_429, %dma_start3A_430] : memref<1015808x32xf32, #tpu.memory_space<hbm>> -> memref<1015808x32xf32, #tpu.memory_space<hbm>>
        tpu.enqueue_indirect_dma source(%dma_start3A_431 : memref<1015808x32xf32, #tpu.memory_space<hbm>>) target(%dma_start3A_427 : memref<128x32xf32, #tpu.memory_space<vmem>>) offsets(%dma_start3A_428 : memref<128xi32, #tpu.memory_space<vmem>>) semaphore(%arg18 : memref<!tpu.dma_semaphore, #tpu.memory_space<semaphore_mem>>)
        %mul3A_432 = arith.constant 200 : i32
        %mul3A_433 = arith.muli %add3A_250, %mul3A_432 : i32
        %add3A_434 = arith.constant 128 : i32
        %add3A_435 = arith.addi %mul3A_433, %add3A_434 : i32
        %multiple_of3A_436 = tpu.assume_multiple %add3A_435, 8 : i32
        %dma_start3A_437 = arith.constant 128 : i32
        %dma_start3A_438 = arith.constant 0 : i32
        %dma_start3A_439 = tpu.memref_slice %arg9[%dma_start3A_437, %dma_start3A_438] : memref<200x32xf32, #tpu.memory_space<vmem>> -> memref<72x32xf32, #tpu.memory_space<vmem>>
        %dma_start3A_440 = tpu.memref_slice %arg6[%multiple_of3A_436] : memref<25600xi32, #tpu.memory_space<vmem>> -> memref<72xi32, #tpu.memory_space<vmem>>
        %dma_start3A_441 = arith.constant 0 : i32
        %dma_start3A_442 = arith.constant 0 : i32
        %dma_start3A_443 = tpu.memref_slice %arg2[%dma_start3A_441, %dma_start3A_442] : memref<1015808x32xf32, #tpu.memory_space<hbm>> -> memref<1015808x32xf32, #tpu.memory_space<hbm>>
        tpu.enqueue_indirect_dma source(%dma_start3A_443 : memref<1015808x32xf32, #tpu.memory_space<hbm>>) target(%dma_start3A_439 : memref<72x32xf32, #tpu.memory_space<vmem>>) offsets(%dma_start3A_440 : memref<72xi32, #tpu.memory_space<vmem>>) semaphore(%arg18 : memref<!tpu.dma_semaphore, #tpu.memory_space<semaphore_mem>>)
      } else {
      }
      %dma_wait3A_256 = arith.constant 0 : i32
      %dma_wait3A_257 = arith.constant 0 : i32
      %dma_wait3A_258 = tpu.memref_slice %arg2[%dma_wait3A_256, %dma_wait3A_257] : memref<1015808x32xf32, #tpu.memory_space<hbm>> -> memref<200x32xf32, #tpu.memory_space<hbm>>
      %dma_wait3A_259 = arith.constant 0 : i32
      %dma_wait3A_260 = arith.constant 0 : i32
      %dma_wait3A_261 = tpu.memref_slice %arg2[%dma_wait3A_259, %dma_wait3A_260] : memref<1015808x32xf32, #tpu.memory_space<hbm>> -> memref<200x32xf32, #tpu.memory_space<hbm>>
      tpu.wait_dma2 semaphore(%arg19 : memref<!tpu.dma_semaphore, #tpu.memory_space<semaphore_mem>>) src(%dma_wait3A_261 : memref<200x32xf32, #tpu.memory_space<hbm>>) dst(%arg10 : memref<200x32xf32, #tpu.memory_space<vmem>>)
      %broadcast_in_dim3A_262 = arith.constant 0.000000e+00 : f32
      %broadcast_in_dim3A_263 = vector.broadcast %broadcast_in_dim3A_262 : f32 to vector<16xf32>
      %scan3A_264 = arith.constant 0 : i32
      %scan3A_265 = arith.constant 200 : i32
      %scan3A_266 = arith.addi %scan3A_264, %scan3A_265 : i32
      %scan3A_267 = arith.constant 8 : i32
      %scan3A_268:4 = scf.for %scan3A_422 = %scan3A_264 to %scan3A_266 step %scan3A_267 iter_args(%scan3A_423 = %broadcast_in_dim3A_263, %scan3A_424 = %broadcast_in_dim3A_263, %scan3A_425 = %broadcast_in_dim3A_263, %scan3A_426 = %broadcast_in_dim3A_263) -> (vector<16xf32>, vector<16xf32>, vector<16xf32>, vector<16xf32>)  : i32 {
        %get3A = arith.index_cast %scan3A_422 : i32 to index
        %get3A_427 = arith.constant 0 : index
        %get3A_428 = tpu.vector_load %arg10[%get3A, %get3A_427] {strides = array<i32>} : memref<200x32xf32, #tpu.memory_space<vmem>>, vector<16xf32>,
        %get3A_429 = arith.index_cast %scan3A_422 : i32 to index
        %get3A_430 = arith.constant 16 : index
        %get3A_431 = tpu.vector_load %arg10[%get3A_429, %get3A_430] {strides = array<i32>} : memref<200x32xf32, #tpu.memory_space<vmem>>, vector<16xf32>,
        %bitcast_convert_type3A = tpu.bitcast %get3A_428 : vector<16xf32> -> vector<16xi32>
        %bitcast_convert_type3A_432 = tpu.bitcast %get3A_431 : vector<16xf32> -> vector<16xi32>
        %shift_left3A = arith.constant 16 : i32
        %shift_left3A_433 = vector.broadcast %shift_left3A : i32 to vector<16xi32>
        %shift_left3A_434 = arith.shli %bitcast_convert_type3A, %shift_left3A_433 : vector<16xi32>
        %bitcast_convert_type3A_435 = tpu.bitcast %shift_left3A_434 : vector<16xi32> -> vector<16xf32>
        %add3A_436 = arith.addf %scan3A_423, %bitcast_convert_type3A_435 : vector<16xf32>
        %shift_left3A_437 = arith.constant 16 : i32
        %shift_left3A_438 = vector.broadcast %shift_left3A_437 : i32 to vector<16xi32>
        %shift_left3A_439 = arith.shli %bitcast_convert_type3A_432, %shift_left3A_438 : vector<16xi32>
        %bitcast_convert_type3A_440 = tpu.bitcast %shift_left3A_439 : vector<16xi32> -> vector<16xf32>
        %add3A_441 = arith.addf %scan3A_424, %bitcast_convert_type3A_440 : vector<16xf32>
        %add3A_442 = arith.addf %scan3A_425, %get3A_428 : vector<16xf32>
        %add3A_443 = arith.addf %scan3A_426, %get3A_431 : vector<16xf32>
        %scan3A_444 = arith.constant 1 : i32
        %scan3A_445 = arith.addi %scan3A_422, %scan3A_444 : i32
        %get3A_446 = arith.index_cast %scan3A_445 : i32 to index
        %get3A_447 = arith.constant 0 : index
        %get3A_448 = tpu.vector_load %arg10[%get3A_446, %get3A_447] {strides = array<i32>} : memref<200x32xf32, #tpu.memory_space<vmem>>, vector<16xf32>,
        %get3A_449 = arith.index_cast %scan3A_445 : i32 to index
        %get3A_450 = arith.constant 16 : index
        %get3A_451 = tpu.vector_load %arg10[%get3A_449, %get3A_450] {strides = array<i32>} : memref<200x32xf32, #tpu.memory_space<vmem>>, vector<16xf32>,
        %bitcast_convert_type3A_452 = tpu.bitcast %get3A_448 : vector<16xf32> -> vector<16xi32>
        %bitcast_convert_type3A_453 = tpu.bitcast %get3A_451 : vector<16xf32> -> vector<16xi32>
        %shift_left3A_454 = arith.constant 16 : i32
        %shift_left3A_455 = vector.broadcast %shift_left3A_454 : i32 to vector<16xi32>
        %shift_left3A_456 = arith.shli %bitcast_convert_type3A_452, %shift_left3A_455 : vector<16xi32>
        %bitcast_convert_type3A_457 = tpu.bitcast %shift_left3A_456 : vector<16xi32> -> vector<16xf32>
        %add3A_458 = arith.addf %add3A_436, %bitcast_convert_type3A_457 : vector<16xf32>
        %shift_left3A_459 = arith.constant 16 : i32
        %shift_left3A_460 = vector.broadcast %shift_left3A_459 : i32 to vector<16xi32>
        %shift_left3A_461 = arith.shli %bitcast_convert_type3A_453, %shift_left3A_460 : vector<16xi32>
        %bitcast_convert_type3A_462 = tpu.bitcast %shift_left3A_461 : vector<16xi32> -> vector<16xf32>
        %add3A_463 = arith.addf %add3A_441, %bitcast_convert_type3A_462 : vector<16xf32>
        %add3A_464 = arith.addf %add3A_442, %get3A_448 : vector<16xf32>
        %add3A_465 = arith.addf %add3A_443, %get3A_451 : vector<16xf32>
        %scan3A_466 = arith.constant 2 : i32
        %scan3A_467 = arith.addi %scan3A_422, %scan3A_466 : i32
        %get3A_468 = arith.index_cast %scan3A_467 : i32 to index
        %get3A_469 = arith.constant 0 : index
        %get3A_470 = tpu.vector_load %arg10[%get3A_468, %get3A_469] {strides = array<i32>} : memref<200x32xf32, #tpu.memory_space<vmem>>, vector<16xf32>,
        %get3A_471 = arith.index_cast %scan3A_467 : i32 to index
        %get3A_472 = arith.constant 16 : index
        %get3A_473 = tpu.vector_load %arg10[%get3A_471, %get3A_472] {strides = array<i32>} : memref<200x32xf32, #tpu.memory_space<vmem>>, vector<16xf32>,
        %bitcast_convert_type3A_474 = tpu.bitcast %get3A_470 : vector<16xf32> -> vector<16xi32>
        %bitcast_convert_type3A_475 = tpu.bitcast %get3A_473 : vector<16xf32> -> vector<16xi32>
        %shift_left3A_476 = arith.constant 16 : i32
        %shift_left3A_477 = vector.broadcast %shift_left3A_476 : i32 to vector<16xi32>
        %shift_left3A_478 = arith.shli %bitcast_convert_type3A_474, %shift_left3A_477 : vector<16xi32>
        %bitcast_convert_type3A_479 = tpu.bitcast %shift_left3A_478 : vector<16xi32> -> vector<16xf32>
        %add3A_480 = arith.addf %add3A_458, %bitcast_convert_type3A_479 : vector<16xf32>
        %shift_left3A_481 = arith.constant 16 : i32
        %shift_left3A_482 = vector.broadcast %shift_left3A_481 : i32 to vector<16xi32>
        %shift_left3A_483 = arith.shli %bitcast_convert_type3A_475, %shift_left3A_482 : vector<16xi32>
        %bitcast_convert_type3A_484 = tpu.bitcast %shift_left3A_483 : vector<16xi32> -> vector<16xf32>
        %add3A_485 = arith.addf %add3A_463, %bitcast_convert_type3A_484 : vector<16xf32>
        %add3A_486 = arith.addf %add3A_464, %get3A_470 : vector<16xf32>
        %add3A_487 = arith.addf %add3A_465, %get3A_473 : vector<16xf32>
        %scan3A_488 = arith.constant 3 : i32
        %scan3A_489 = arith.addi %scan3A_422, %scan3A_488 : i32
        %get3A_490 = arith.index_cast %scan3A_489 : i32 to index
        %get3A_491 = arith.constant 0 : index
        %get3A_492 = tpu.vector_load %arg10[%get3A_490, %get3A_491] {strides = array<i32>} : memref<200x32xf32, #tpu.memory_space<vmem>>, vector<16xf32>,
        %get3A_493 = arith.index_cast %scan3A_489 : i32 to index
        %get3A_494 = arith.constant 16 : index
        %get3A_495 = tpu.vector_load %arg10[%get3A_493, %get3A_494] {strides = array<i32>} : memref<200x32xf32, #tpu.memory_space<vmem>>, vector<16xf32>,
        %bitcast_convert_type3A_496 = tpu.bitcast %get3A_492 : vector<16xf32> -> vector<16xi32>
        %bitcast_convert_type3A_497 = tpu.bitcast %get3A_495 : vector<16xf32> -> vector<16xi32>
        %shift_left3A_498 = arith.constant 16 : i32
        %shift_left3A_499 = vector.broadcast %shift_left3A_498 : i32 to vector<16xi32>
        %shift_left3A_500 = arith.shli %bitcast_convert_type3A_496, %shift_left3A_499 : vector<16xi32>
        %bitcast_convert_type3A_501 = tpu.bitcast %shift_left3A_500 : vector<16xi32> -> vector<16xf32>
        %add3A_502 = arith.addf %add3A_480, %bitcast_convert_type3A_501 : vector<16xf32>
        %shift_left3A_503 = arith.constant 16 : i32
        %shift_left3A_504 = vector.broadcast %shift_left3A_503 : i32 to vector<16xi32>
        %shift_left3A_505 = arith.shli %bitcast_convert_type3A_497, %shift_left3A_504 : vector<16xi32>
        %bitcast_convert_type3A_506 = tpu.bitcast %shift_left3A_505 : vector<16xi32> -> vector<16xf32>
        %add3A_507 = arith.addf %add3A_485, %bitcast_convert_type3A_506 : vector<16xf32>
        %add3A_508 = arith.addf %add3A_486, %get3A_492 : vector<16xf32>
        %add3A_509 = arith.addf %add3A_487, %get3A_495 : vector<16xf32>
        %scan3A_510 = arith.constant 4 : i32
        %scan3A_511 = arith.addi %scan3A_422, %scan3A_510 : i32
        %get3A_512 = arith.index_cast %scan3A_511 : i32 to index
        %get3A_513 = arith.constant 0 : index
        %get3A_514 = tpu.vector_load %arg10[%get3A_512, %get3A_513] {strides = array<i32>} : memref<200x32xf32, #tpu.memory_space<vmem>>, vector<16xf32>,
        %get3A_515 = arith.index_cast %scan3A_511 : i32 to index
        %get3A_516 = arith.constant 16 : index
        %get3A_517 = tpu.vector_load %arg10[%get3A_515, %get3A_516] {strides = array<i32>} : memref<200x32xf32, #tpu.memory_space<vmem>>, vector<16xf32>,
        %bitcast_convert_type3A_518 = tpu.bitcast %get3A_514 : vector<16xf32> -> vector<16xi32>
        %bitcast_convert_type3A_519 = tpu.bitcast %get3A_517 : vector<16xf32> -> vector<16xi32>
        %shift_left3A_520 = arith.constant 16 : i32
        %shift_left3A_521 = vector.broadcast %shift_left3A_520 : i32 to vector<16xi32>
        %shift_left3A_522 = arith.shli %bitcast_convert_type3A_518, %shift_left3A_521 : vector<16xi32>
        %bitcast_convert_type3A_523 = tpu.bitcast %shift_left3A_522 : vector<16xi32> -> vector<16xf32>
        %add3A_524 = arith.addf %add3A_502, %bitcast_convert_type3A_523 : vector<16xf32>
        %shift_left3A_525 = arith.constant 16 : i32
        %shift_left3A_526 = vector.broadcast %shift_left3A_525 : i32 to vector<16xi32>
        %shift_left3A_527 = arith.shli %bitcast_convert_type3A_519, %shift_left3A_526 : vector<16xi32>
        %bitcast_convert_type3A_528 = tpu.bitcast %shift_left3A_527 : vector<16xi32> -> vector<16xf32>
        %add3A_529 = arith.addf %add3A_507, %bitcast_convert_type3A_528 : vector<16xf32>
        %add3A_530 = arith.addf %add3A_508, %get3A_514 : vector<16xf32>
        %add3A_531 = arith.addf %add3A_509, %get3A_517 : vector<16xf32>
        %scan3A_532 = arith.constant 5 : i32
        %scan3A_533 = arith.addi %scan3A_422, %scan3A_532 : i32
        %get3A_534 = arith.index_cast %scan3A_533 : i32 to index
        %get3A_535 = arith.constant 0 : index
        %get3A_536 = tpu.vector_load %arg10[%get3A_534, %get3A_535] {strides = array<i32>} : memref<200x32xf32, #tpu.memory_space<vmem>>, vector<16xf32>,
        %get3A_537 = arith.index_cast %scan3A_533 : i32 to index
        %get3A_538 = arith.constant 16 : index
        %get3A_539 = tpu.vector_load %arg10[%get3A_537, %get3A_538] {strides = array<i32>} : memref<200x32xf32, #tpu.memory_space<vmem>>, vector<16xf32>,
        %bitcast_convert_type3A_540 = tpu.bitcast %get3A_536 : vector<16xf32> -> vector<16xi32>
        %bitcast_convert_type3A_541 = tpu.bitcast %get3A_539 : vector<16xf32> -> vector<16xi32>
        %shift_left3A_542 = arith.constant 16 : i32
        %shift_left3A_543 = vector.broadcast %shift_left3A_542 : i32 to vector<16xi32>
        %shift_left3A_544 = arith.shli %bitcast_convert_type3A_540, %shift_left3A_543 : vector<16xi32>
        %bitcast_convert_type3A_545 = tpu.bitcast %shift_left3A_544 : vector<16xi32> -> vector<16xf32>
        %add3A_546 = arith.addf %add3A_524, %bitcast_convert_type3A_545 : vector<16xf32>
        %shift_left3A_547 = arith.constant 16 : i32
        %shift_left3A_548 = vector.broadcast %shift_left3A_547 : i32 to vector<16xi32>
        %shift_left3A_549 = arith.shli %bitcast_convert_type3A_541, %shift_left3A_548 : vector<16xi32>
        %bitcast_convert_type3A_550 = tpu.bitcast %shift_left3A_549 : vector<16xi32> -> vector<16xf32>
        %add3A_551 = arith.addf %add3A_529, %bitcast_convert_type3A_550 : vector<16xf32>
        %add3A_552 = arith.addf %add3A_530, %get3A_536 : vector<16xf32>
        %add3A_553 = arith.addf %add3A_531, %get3A_539 : vector<16xf32>
        %scan3A_554 = arith.constant 6 : i32
        %scan3A_555 = arith.addi %scan3A_422, %scan3A_554 : i32
        %get3A_556 = arith.index_cast %scan3A_555 : i32 to index
        %get3A_557 = arith.constant 0 : index
        %get3A_558 = tpu.vector_load %arg10[%get3A_556, %get3A_557] {strides = array<i32>} : memref<200x32xf32, #tpu.memory_space<vmem>>, vector<16xf32>,
        %get3A_559 = arith.index_cast %scan3A_555 : i32 to index
        %get3A_560 = arith.constant 16 : index
        %get3A_561 = tpu.vector_load %arg10[%get3A_559, %get3A_560] {strides = array<i32>} : memref<200x32xf32, #tpu.memory_space<vmem>>, vector<16xf32>,
        %bitcast_convert_type3A_562 = tpu.bitcast %get3A_558 : vector<16xf32> -> vector<16xi32>
        %bitcast_convert_type3A_563 = tpu.bitcast %get3A_561 : vector<16xf32> -> vector<16xi32>
        %shift_left3A_564 = arith.constant 16 : i32
        %shift_left3A_565 = vector.broadcast %shift_left3A_564 : i32 to vector<16xi32>
        %shift_left3A_566 = arith.shli %bitcast_convert_type3A_562, %shift_left3A_565 : vector<16xi32>
        %bitcast_convert_type3A_567 = tpu.bitcast %shift_left3A_566 : vector<16xi32> -> vector<16xf32>
        %add3A_568 = arith.addf %add3A_546, %bitcast_convert_type3A_567 : vector<16xf32>
        %shift_left3A_569 = arith.constant 16 : i32
        %shift_left3A_570 = vector.broadcast %shift_left3A_569 : i32 to vector<16xi32>
        %shift_left3A_571 = arith.shli %bitcast_convert_type3A_563, %shift_left3A_570 : vector<16xi32>
        %bitcast_convert_type3A_572 = tpu.bitcast %shift_left3A_571 : vector<16xi32> -> vector<16xf32>
        %add3A_573 = arith.addf %add3A_551, %bitcast_convert_type3A_572 : vector<16xf32>
        %add3A_574 = arith.addf %add3A_552, %get3A_558 : vector<16xf32>
        %add3A_575 = arith.addf %add3A_553, %get3A_561 : vector<16xf32>
        %scan3A_576 = arith.constant 7 : i32
        %scan3A_577 = arith.addi %scan3A_422, %scan3A_576 : i32
        %get3A_578 = arith.index_cast %scan3A_577 : i32 to index
        %get3A_579 = arith.constant 0 : index
        %get3A_580 = tpu.vector_load %arg10[%get3A_578, %get3A_579] {strides = array<i32>} : memref<200x32xf32, #tpu.memory_space<vmem>>, vector<16xf32>,
        %get3A_581 = arith.index_cast %scan3A_577 : i32 to index
        %get3A_582 = arith.constant 16 : index
        %get3A_583 = tpu.vector_load %arg10[%get3A_581, %get3A_582] {strides = array<i32>} : memref<200x32xf32, #tpu.memory_space<vmem>>, vector<16xf32>,
        %bitcast_convert_type3A_584 = tpu.bitcast %get3A_580 : vector<16xf32> -> vector<16xi32>
        %bitcast_convert_type3A_585 = tpu.bitcast %get3A_583 : vector<16xf32> -> vector<16xi32>
        %shift_left3A_586 = arith.constant 16 : i32
        %shift_left3A_587 = vector.broadcast %shift_left3A_586 : i32 to vector<16xi32>
        %shift_left3A_588 = arith.shli %bitcast_convert_type3A_584, %shift_left3A_587 : vector<16xi32>
        %bitcast_convert_type3A_589 = tpu.bitcast %shift_left3A_588 : vector<16xi32> -> vector<16xf32>
        %add3A_590 = arith.addf %add3A_568, %bitcast_convert_type3A_589 : vector<16xf32>
        %shift_left3A_591 = arith.constant 16 : i32
        %shift_left3A_592 = vector.broadcast %shift_left3A_591 : i32 to vector<16xi32>
        %shift_left3A_593 = arith.shli %bitcast_convert_type3A_585, %shift_left3A_592 : vector<16xi32>
        %bitcast_convert_type3A_594 = tpu.bitcast %shift_left3A_593 : vector<16xi32> -> vector<16xf32>
        %add3A_595 = arith.addf %add3A_573, %bitcast_convert_type3A_594 : vector<16xf32>
        %add3A_596 = arith.addf %add3A_574, %get3A_580 : vector<16xf32>
        %add3A_597 = arith.addf %add3A_575, %get3A_583 : vector<16xf32>
        scf.yield %add3A_590, %add3A_595, %add3A_596, %add3A_597 : vector<16xf32>, vector<16xf32>, vector<16xf32>, vector<16xf32>
      }
      %scan3A_269 = arith.constant 200 : i32
      %swap3A_270 = arith.index_cast %add3A_248 : i32 to index
      %swap3A_271 = arith.constant 0 : index
      %swap3A_272 = tpu.vector_load %arg15[%swap3A_270, %swap3A_271] {strides = array<i32>} : memref<128x64xf32, #tpu.memory_space<vmem>>, vector<16xf32>,
      tpu.vector_store %arg15[%swap3A_270, %swap3A_271], %scan3A_268#0 {strides = array<i32>} : memref<128x64xf32, #tpu.memory_space<vmem>>, vector<16xf32>,
      %swap3A_273 = arith.index_cast %add3A_248 : i32 to index
      %swap3A_274 = arith.constant 16 : index
      %swap3A_275 = tpu.vector_load %arg15[%swap3A_273, %swap3A_274] {strides = array<i32>} : memref<128x64xf32, #tpu.memory_space<vmem>>, vector<16xf32>,
      tpu.vector_store %arg15[%swap3A_273, %swap3A_274], %scan3A_268#1 {strides = array<i32>} : memref<128x64xf32, #tpu.memory_space<vmem>>, vector<16xf32>,
      %swap3A_276 = arith.index_cast %add3A_248 : i32 to index
      %swap3A_277 = arith.constant 32 : index
      %swap3A_278 = tpu.vector_load %arg15[%swap3A_276, %swap3A_277] {strides = array<i32>} : memref<128x64xf32, #tpu.memory_space<vmem>>, vector<16xf32>,
      tpu.vector_store %arg15[%swap3A_276, %swap3A_277], %scan3A_268#2 {strides = array<i32>} : memref<128x64xf32, #tpu.memory_space<vmem>>, vector<16xf32>,
      %swap3A_279 = arith.index_cast %add3A_248 : i32 to index
      %swap3A_280 = arith.constant 48 : index
      %swap3A_281 = tpu.vector_load %arg15[%swap3A_279, %swap3A_280] {strides = array<i32>} : memref<128x64xf32, #tpu.memory_space<vmem>>, vector<16xf32>,
      tpu.vector_store %arg15[%swap3A_279, %swap3A_280], %scan3A_268#3 {strides = array<i32>} : memref<128x64xf32, #tpu.memory_space<vmem>>, vector<16xf32>,
      %add3A_282 = arith.constant 4 : i32
      %add3A_283 = arith.addi %add3A_147, %add3A_282 : i32
      %add3A_284 = arith.constant 7 : i32
      %add3A_285 = arith.addi %add3A_283, %add3A_284 : i32
      %lt3A_286 = arith.constant 128 : i32
      %lt3A_287 = arith.cmpi slt, %add3A_285, %lt3A_286 : i32
      %convert_element_type3A_288 = arith.extui %lt3A_287 : i1 to i32
      %cond3A_289 = arith.constant 0 : i32
      %cond3A_290 = arith.cmpi ne, %convert_element_type3A_288, %cond3A_289 : i32
      scf.if %cond3A_290 {
        %mul3A_422 = arith.constant 200 : i32
        %mul3A_423 = arith.muli %add3A_285, %mul3A_422 : i32
        %multiple_of3A_424 = tpu.assume_multiple %mul3A_423, 8 : i32
        %dma_start3A_425 = arith.constant 0 : i32
        %dma_start3A_426 = arith.constant 0 : i32
        %dma_start3A_427 = tpu.memref_slice %arg10[%dma_start3A_425, %dma_start3A_426] : memref<200x32xf32, #tpu.memory_space<vmem>> -> memref<128x32xf32, #tpu.memory_space<vmem>>
        %dma_start3A_428 = tpu.memref_slice %arg6[%multiple_of3A_424] : memref<25600xi32, #tpu.memory_space<vmem>> -> memref<128xi32, #tpu.memory_space<vmem>>
        %dma_start3A_429 = arith.constant 0 : i32
        %dma_start3A_430 = arith.constant 0 : i32
        %dma_start3A_431 = tpu.memref_slice %arg2[%dma_start3A_429, %dma_start3A_430] : memref<1015808x32xf32, #tpu.memory_space<hbm>> -> memref<1015808x32xf32, #tpu.memory_space<hbm>>
        tpu.enqueue_indirect_dma source(%dma_start3A_431 : memref<1015808x32xf32, #tpu.memory_space<hbm>>) target(%dma_start3A_427 : memref<128x32xf32, #tpu.memory_space<vmem>>) offsets(%dma_start3A_428 : memref<128xi32, #tpu.memory_space<vmem>>) semaphore(%arg19 : memref<!tpu.dma_semaphore, #tpu.memory_space<semaphore_mem>>)
        %mul3A_432 = arith.constant 200 : i32
        %mul3A_433 = arith.muli %add3A_285, %mul3A_432 : i32
        %add3A_434 = arith.constant 128 : i32
        %add3A_435 = arith.addi %mul3A_433, %add3A_434 : i32
        %multiple_of3A_436 = tpu.assume_multiple %add3A_435, 8 : i32
        %dma_start3A_437 = arith.constant 128 : i32
        %dma_start3A_438 = arith.constant 0 : i32
        %dma_start3A_439 = tpu.memref_slice %arg10[%dma_start3A_437, %dma_start3A_438] : memref<200x32xf32, #tpu.memory_space<vmem>> -> memref<72x32xf32, #tpu.memory_space<vmem>>
        %dma_start3A_440 = tpu.memref_slice %arg6[%multiple_of3A_436] : memref<25600xi32, #tpu.memory_space<vmem>> -> memref<72xi32, #tpu.memory_space<vmem>>
        %dma_start3A_441 = arith.constant 0 : i32
        %dma_start3A_442 = arith.constant 0 : i32
        %dma_start3A_443 = tpu.memref_slice %arg2[%dma_start3A_441, %dma_start3A_442] : memref<1015808x32xf32, #tpu.memory_space<hbm>> -> memref<1015808x32xf32, #tpu.memory_space<hbm>>
        tpu.enqueue_indirect_dma source(%dma_start3A_443 : memref<1015808x32xf32, #tpu.memory_space<hbm>>) target(%dma_start3A_439 : memref<72x32xf32, #tpu.memory_space<vmem>>) offsets(%dma_start3A_440 : memref<72xi32, #tpu.memory_space<vmem>>) semaphore(%arg19 : memref<!tpu.dma_semaphore, #tpu.memory_space<semaphore_mem>>)
      } else {
      }
      %dma_wait3A_291 = arith.constant 0 : i32
      %dma_wait3A_292 = arith.constant 0 : i32
      %dma_wait3A_293 = tpu.memref_slice %arg2[%dma_wait3A_291, %dma_wait3A_292] : memref<1015808x32xf32, #tpu.memory_space<hbm>> -> memref<200x32xf32, #tpu.memory_space<hbm>>
      %dma_wait3A_294 = arith.constant 0 : i32
      %dma_wait3A_295 = arith.constant 0 : i32
      %dma_wait3A_296 = tpu.memref_slice %arg2[%dma_wait3A_294, %dma_wait3A_295] : memref<1015808x32xf32, #tpu.memory_space<hbm>> -> memref<200x32xf32, #tpu.memory_space<hbm>>
      tpu.wait_dma2 semaphore(%arg20 : memref<!tpu.dma_semaphore, #tpu.memory_space<semaphore_mem>>) src(%dma_wait3A_296 : memref<200x32xf32, #tpu.memory_space<hbm>>) dst(%arg11 : memref<200x32xf32, #tpu.memory_space<vmem>>)
      %broadcast_in_dim3A_297 = arith.constant 0.000000e+00 : f32
      %broadcast_in_dim3A_298 = vector.broadcast %broadcast_in_dim3A_297 : f32 to vector<16xf32>
      %scan3A_299 = arith.constant 0 : i32
      %scan3A_300 = arith.constant 200 : i32
      %scan3A_301 = arith.addi %scan3A_299, %scan3A_300 : i32
      %scan3A_302 = arith.constant 8 : i32
      %scan3A_303:4 = scf.for %scan3A_422 = %scan3A_299 to %scan3A_301 step %scan3A_302 iter_args(%scan3A_423 = %broadcast_in_dim3A_298, %scan3A_424 = %broadcast_in_dim3A_298, %scan3A_425 = %broadcast_in_dim3A_298, %scan3A_426 = %broadcast_in_dim3A_298) -> (vector<16xf32>, vector<16xf32>, vector<16xf32>, vector<16xf32>)  : i32 {
        %get3A = arith.index_cast %scan3A_422 : i32 to index
        %get3A_427 = arith.constant 0 : index
        %get3A_428 = tpu.vector_load %arg11[%get3A, %get3A_427] {strides = array<i32>} : memref<200x32xf32, #tpu.memory_space<vmem>>, vector<16xf32>,
        %get3A_429 = arith.index_cast %scan3A_422 : i32 to index
        %get3A_430 = arith.constant 16 : index
        %get3A_431 = tpu.vector_load %arg11[%get3A_429, %get3A_430] {strides = array<i32>} : memref<200x32xf32, #tpu.memory_space<vmem>>, vector<16xf32>,
        %bitcast_convert_type3A = tpu.bitcast %get3A_428 : vector<16xf32> -> vector<16xi32>
        %bitcast_convert_type3A_432 = tpu.bitcast %get3A_431 : vector<16xf32> -> vector<16xi32>
        %shift_left3A = arith.constant 16 : i32
        %shift_left3A_433 = vector.broadcast %shift_left3A : i32 to vector<16xi32>
        %shift_left3A_434 = arith.shli %bitcast_convert_type3A, %shift_left3A_433 : vector<16xi32>
        %bitcast_convert_type3A_435 = tpu.bitcast %shift_left3A_434 : vector<16xi32> -> vector<16xf32>
        %add3A_436 = arith.addf %scan3A_423, %bitcast_convert_type3A_435 : vector<16xf32>
        %shift_left3A_437 = arith.constant 16 : i32
        %shift_left3A_438 = vector.broadcast %shift_left3A_437 : i32 to vector<16xi32>
        %shift_left3A_439 = arith.shli %bitcast_convert_type3A_432, %shift_left3A_438 : vector<16xi32>
        %bitcast_convert_type3A_440 = tpu.bitcast %shift_left3A_439 : vector<16xi32> -> vector<16xf32>
        %add3A_441 = arith.addf %scan3A_424, %bitcast_convert_type3A_440 : vector<16xf32>
        %add3A_442 = arith.addf %scan3A_425, %get3A_428 : vector<16xf32>
        %add3A_443 = arith.addf %scan3A_426, %get3A_431 : vector<16xf32>
        %scan3A_444 = arith.constant 1 : i32
        %scan3A_445 = arith.addi %scan3A_422, %scan3A_444 : i32
        %get3A_446 = arith.index_cast %scan3A_445 : i32 to index
        %get3A_447 = arith.constant 0 : index
        %get3A_448 = tpu.vector_load %arg11[%get3A_446, %get3A_447] {strides = array<i32>} : memref<200x32xf32, #tpu.memory_space<vmem>>, vector<16xf32>,
        %get3A_449 = arith.index_cast %scan3A_445 : i32 to index
        %get3A_450 = arith.constant 16 : index
        %get3A_451 = tpu.vector_load %arg11[%get3A_449, %get3A_450] {strides = array<i32>} : memref<200x32xf32, #tpu.memory_space<vmem>>, vector<16xf32>,
        %bitcast_convert_type3A_452 = tpu.bitcast %get3A_448 : vector<16xf32> -> vector<16xi32>
        %bitcast_convert_type3A_453 = tpu.bitcast %get3A_451 : vector<16xf32> -> vector<16xi32>
        %shift_left3A_454 = arith.constant 16 : i32
        %shift_left3A_455 = vector.broadcast %shift_left3A_454 : i32 to vector<16xi32>
        %shift_left3A_456 = arith.shli %bitcast_convert_type3A_452, %shift_left3A_455 : vector<16xi32>
        %bitcast_convert_type3A_457 = tpu.bitcast %shift_left3A_456 : vector<16xi32> -> vector<16xf32>
        %add3A_458 = arith.addf %add3A_436, %bitcast_convert_type3A_457 : vector<16xf32>
        %shift_left3A_459 = arith.constant 16 : i32
        %shift_left3A_460 = vector.broadcast %shift_left3A_459 : i32 to vector<16xi32>
        %shift_left3A_461 = arith.shli %bitcast_convert_type3A_453, %shift_left3A_460 : vector<16xi32>
        %bitcast_convert_type3A_462 = tpu.bitcast %shift_left3A_461 : vector<16xi32> -> vector<16xf32>
        %add3A_463 = arith.addf %add3A_441, %bitcast_convert_type3A_462 : vector<16xf32>
        %add3A_464 = arith.addf %add3A_442, %get3A_448 : vector<16xf32>
        %add3A_465 = arith.addf %add3A_443, %get3A_451 : vector<16xf32>
        %scan3A_466 = arith.constant 2 : i32
        %scan3A_467 = arith.addi %scan3A_422, %scan3A_466 : i32
        %get3A_468 = arith.index_cast %scan3A_467 : i32 to index
        %get3A_469 = arith.constant 0 : index
        %get3A_470 = tpu.vector_load %arg11[%get3A_468, %get3A_469] {strides = array<i32>} : memref<200x32xf32, #tpu.memory_space<vmem>>, vector<16xf32>,
        %get3A_471 = arith.index_cast %scan3A_467 : i32 to index
        %get3A_472 = arith.constant 16 : index
        %get3A_473 = tpu.vector_load %arg11[%get3A_471, %get3A_472] {strides = array<i32>} : memref<200x32xf32, #tpu.memory_space<vmem>>, vector<16xf32>,
        %bitcast_convert_type3A_474 = tpu.bitcast %get3A_470 : vector<16xf32> -> vector<16xi32>
        %bitcast_convert_type3A_475 = tpu.bitcast %get3A_473 : vector<16xf32> -> vector<16xi32>
        %shift_left3A_476 = arith.constant 16 : i32
        %shift_left3A_477 = vector.broadcast %shift_left3A_476 : i32 to vector<16xi32>
        %shift_left3A_478 = arith.shli %bitcast_convert_type3A_474, %shift_left3A_477 : vector<16xi32>
        %bitcast_convert_type3A_479 = tpu.bitcast %shift_left3A_478 : vector<16xi32> -> vector<16xf32>
        %add3A_480 = arith.addf %add3A_458, %bitcast_convert_type3A_479 : vector<16xf32>
        %shift_left3A_481 = arith.constant 16 : i32
        %shift_left3A_482 = vector.broadcast %shift_left3A_481 : i32 to vector<16xi32>
        %shift_left3A_483 = arith.shli %bitcast_convert_type3A_475, %shift_left3A_482 : vector<16xi32>
        %bitcast_convert_type3A_484 = tpu.bitcast %shift_left3A_483 : vector<16xi32> -> vector<16xf32>
        %add3A_485 = arith.addf %add3A_463, %bitcast_convert_type3A_484 : vector<16xf32>
        %add3A_486 = arith.addf %add3A_464, %get3A_470 : vector<16xf32>
        %add3A_487 = arith.addf %add3A_465, %get3A_473 : vector<16xf32>
        %scan3A_488 = arith.constant 3 : i32
        %scan3A_489 = arith.addi %scan3A_422, %scan3A_488 : i32
        %get3A_490 = arith.index_cast %scan3A_489 : i32 to index
        %get3A_491 = arith.constant 0 : index
        %get3A_492 = tpu.vector_load %arg11[%get3A_490, %get3A_491] {strides = array<i32>} : memref<200x32xf32, #tpu.memory_space<vmem>>, vector<16xf32>,
        %get3A_493 = arith.index_cast %scan3A_489 : i32 to index
        %get3A_494 = arith.constant 16 : index
        %get3A_495 = tpu.vector_load %arg11[%get3A_493, %get3A_494] {strides = array<i32>} : memref<200x32xf32, #tpu.memory_space<vmem>>, vector<16xf32>,
        %bitcast_convert_type3A_496 = tpu.bitcast %get3A_492 : vector<16xf32> -> vector<16xi32>
        %bitcast_convert_type3A_497 = tpu.bitcast %get3A_495 : vector<16xf32> -> vector<16xi32>
        %shift_left3A_498 = arith.constant 16 : i32
        %shift_left3A_499 = vector.broadcast %shift_left3A_498 : i32 to vector<16xi32>
        %shift_left3A_500 = arith.shli %bitcast_convert_type3A_496, %shift_left3A_499 : vector<16xi32>
        %bitcast_convert_type3A_501 = tpu.bitcast %shift_left3A_500 : vector<16xi32> -> vector<16xf32>
        %add3A_502 = arith.addf %add3A_480, %bitcast_convert_type3A_501 : vector<16xf32>
        %shift_left3A_503 = arith.constant 16 : i32
        %shift_left3A_504 = vector.broadcast %shift_left3A_503 : i32 to vector<16xi32>
        %shift_left3A_505 = arith.shli %bitcast_convert_type3A_497, %shift_left3A_504 : vector<16xi32>
        %bitcast_convert_type3A_506 = tpu.bitcast %shift_left3A_505 : vector<16xi32> -> vector<16xf32>
        %add3A_507 = arith.addf %add3A_485, %bitcast_convert_type3A_506 : vector<16xf32>
        %add3A_508 = arith.addf %add3A_486, %get3A_492 : vector<16xf32>
        %add3A_509 = arith.addf %add3A_487, %get3A_495 : vector<16xf32>
        %scan3A_510 = arith.constant 4 : i32
        %scan3A_511 = arith.addi %scan3A_422, %scan3A_510 : i32
        %get3A_512 = arith.index_cast %scan3A_511 : i32 to index
        %get3A_513 = arith.constant 0 : index
        %get3A_514 = tpu.vector_load %arg11[%get3A_512, %get3A_513] {strides = array<i32>} : memref<200x32xf32, #tpu.memory_space<vmem>>, vector<16xf32>,
        %get3A_515 = arith.index_cast %scan3A_511 : i32 to index
        %get3A_516 = arith.constant 16 : index
        %get3A_517 = tpu.vector_load %arg11[%get3A_515, %get3A_516] {strides = array<i32>} : memref<200x32xf32, #tpu.memory_space<vmem>>, vector<16xf32>,
        %bitcast_convert_type3A_518 = tpu.bitcast %get3A_514 : vector<16xf32> -> vector<16xi32>
        %bitcast_convert_type3A_519 = tpu.bitcast %get3A_517 : vector<16xf32> -> vector<16xi32>
        %shift_left3A_520 = arith.constant 16 : i32
        %shift_left3A_521 = vector.broadcast %shift_left3A_520 : i32 to vector<16xi32>
        %shift_left3A_522 = arith.shli %bitcast_convert_type3A_518, %shift_left3A_521 : vector<16xi32>
        %bitcast_convert_type3A_523 = tpu.bitcast %shift_left3A_522 : vector<16xi32> -> vector<16xf32>
        %add3A_524 = arith.addf %add3A_502, %bitcast_convert_type3A_523 : vector<16xf32>
        %shift_left3A_525 = arith.constant 16 : i32
        %shift_left3A_526 = vector.broadcast %shift_left3A_525 : i32 to vector<16xi32>
        %shift_left3A_527 = arith.shli %bitcast_convert_type3A_519, %shift_left3A_526 : vector<16xi32>
        %bitcast_convert_type3A_528 = tpu.bitcast %shift_left3A_527 : vector<16xi32> -> vector<16xf32>
        %add3A_529 = arith.addf %add3A_507, %bitcast_convert_type3A_528 : vector<16xf32>
        %add3A_530 = arith.addf %add3A_508, %get3A_514 : vector<16xf32>
        %add3A_531 = arith.addf %add3A_509, %get3A_517 : vector<16xf32>
        %scan3A_532 = arith.constant 5 : i32
        %scan3A_533 = arith.addi %scan3A_422, %scan3A_532 : i32
        %get3A_534 = arith.index_cast %scan3A_533 : i32 to index
        %get3A_535 = arith.constant 0 : index
        %get3A_536 = tpu.vector_load %arg11[%get3A_534, %get3A_535] {strides = array<i32>} : memref<200x32xf32, #tpu.memory_space<vmem>>, vector<16xf32>,
        %get3A_537 = arith.index_cast %scan3A_533 : i32 to index
        %get3A_538 = arith.constant 16 : index
        %get3A_539 = tpu.vector_load %arg11[%get3A_537, %get3A_538] {strides = array<i32>} : memref<200x32xf32, #tpu.memory_space<vmem>>, vector<16xf32>,
        %bitcast_convert_type3A_540 = tpu.bitcast %get3A_536 : vector<16xf32> -> vector<16xi32>
        %bitcast_convert_type3A_541 = tpu.bitcast %get3A_539 : vector<16xf32> -> vector<16xi32>
        %shift_left3A_542 = arith.constant 16 : i32
        %shift_left3A_543 = vector.broadcast %shift_left3A_542 : i32 to vector<16xi32>
        %shift_left3A_544 = arith.shli %bitcast_convert_type3A_540, %shift_left3A_543 : vector<16xi32>
        %bitcast_convert_type3A_545 = tpu.bitcast %shift_left3A_544 : vector<16xi32> -> vector<16xf32>
        %add3A_546 = arith.addf %add3A_524, %bitcast_convert_type3A_545 : vector<16xf32>
        %shift_left3A_547 = arith.constant 16 : i32
        %shift_left3A_548 = vector.broadcast %shift_left3A_547 : i32 to vector<16xi32>
        %shift_left3A_549 = arith.shli %bitcast_convert_type3A_541, %shift_left3A_548 : vector<16xi32>
        %bitcast_convert_type3A_550 = tpu.bitcast %shift_left3A_549 : vector<16xi32> -> vector<16xf32>
        %add3A_551 = arith.addf %add3A_529, %bitcast_convert_type3A_550 : vector<16xf32>
        %add3A_552 = arith.addf %add3A_530, %get3A_536 : vector<16xf32>
        %add3A_553 = arith.addf %add3A_531, %get3A_539 : vector<16xf32>
        %scan3A_554 = arith.constant 6 : i32
        %scan3A_555 = arith.addi %scan3A_422, %scan3A_554 : i32
        %get3A_556 = arith.index_cast %scan3A_555 : i32 to index
        %get3A_557 = arith.constant 0 : index
        %get3A_558 = tpu.vector_load %arg11[%get3A_556, %get3A_557] {strides = array<i32>} : memref<200x32xf32, #tpu.memory_space<vmem>>, vector<16xf32>,
        %get3A_559 = arith.index_cast %scan3A_555 : i32 to index
        %get3A_560 = arith.constant 16 : index
        %get3A_561 = tpu.vector_load %arg11[%get3A_559, %get3A_560] {strides = array<i32>} : memref<200x32xf32, #tpu.memory_space<vmem>>, vector<16xf32>,
        %bitcast_convert_type3A_562 = tpu.bitcast %get3A_558 : vector<16xf32> -> vector<16xi32>
        %bitcast_convert_type3A_563 = tpu.bitcast %get3A_561 : vector<16xf32> -> vector<16xi32>
        %shift_left3A_564 = arith.constant 16 : i32
        %shift_left3A_565 = vector.broadcast %shift_left3A_564 : i32 to vector<16xi32>
        %shift_left3A_566 = arith.shli %bitcast_convert_type3A_562, %shift_left3A_565 : vector<16xi32>
        %bitcast_convert_type3A_567 = tpu.bitcast %shift_left3A_566 : vector<16xi32> -> vector<16xf32>
        %add3A_568 = arith.addf %add3A_546, %bitcast_convert_type3A_567 : vector<16xf32>
        %shift_left3A_569 = arith.constant 16 : i32
        %shift_left3A_570 = vector.broadcast %shift_left3A_569 : i32 to vector<16xi32>
        %shift_left3A_571 = arith.shli %bitcast_convert_type3A_563, %shift_left3A_570 : vector<16xi32>
        %bitcast_convert_type3A_572 = tpu.bitcast %shift_left3A_571 : vector<16xi32> -> vector<16xf32>
        %add3A_573 = arith.addf %add3A_551, %bitcast_convert_type3A_572 : vector<16xf32>
        %add3A_574 = arith.addf %add3A_552, %get3A_558 : vector<16xf32>
        %add3A_575 = arith.addf %add3A_553, %get3A_561 : vector<16xf32>
        %scan3A_576 = arith.constant 7 : i32
        %scan3A_577 = arith.addi %scan3A_422, %scan3A_576 : i32
        %get3A_578 = arith.index_cast %scan3A_577 : i32 to index
        %get3A_579 = arith.constant 0 : index
        %get3A_580 = tpu.vector_load %arg11[%get3A_578, %get3A_579] {strides = array<i32>} : memref<200x32xf32, #tpu.memory_space<vmem>>, vector<16xf32>,
        %get3A_581 = arith.index_cast %scan3A_577 : i32 to index
        %get3A_582 = arith.constant 16 : index
        %get3A_583 = tpu.vector_load %arg11[%get3A_581, %get3A_582] {strides = array<i32>} : memref<200x32xf32, #tpu.memory_space<vmem>>, vector<16xf32>,
        %bitcast_convert_type3A_584 = tpu.bitcast %get3A_580 : vector<16xf32> -> vector<16xi32>
        %bitcast_convert_type3A_585 = tpu.bitcast %get3A_583 : vector<16xf32> -> vector<16xi32>
        %shift_left3A_586 = arith.constant 16 : i32
        %shift_left3A_587 = vector.broadcast %shift_left3A_586 : i32 to vector<16xi32>
        %shift_left3A_588 = arith.shli %bitcast_convert_type3A_584, %shift_left3A_587 : vector<16xi32>
        %bitcast_convert_type3A_589 = tpu.bitcast %shift_left3A_588 : vector<16xi32> -> vector<16xf32>
        %add3A_590 = arith.addf %add3A_568, %bitcast_convert_type3A_589 : vector<16xf32>
        %shift_left3A_591 = arith.constant 16 : i32
        %shift_left3A_592 = vector.broadcast %shift_left3A_591 : i32 to vector<16xi32>
        %shift_left3A_593 = arith.shli %bitcast_convert_type3A_585, %shift_left3A_592 : vector<16xi32>
        %bitcast_convert_type3A_594 = tpu.bitcast %shift_left3A_593 : vector<16xi32> -> vector<16xf32>
        %add3A_595 = arith.addf %add3A_573, %bitcast_convert_type3A_594 : vector<16xf32>
        %add3A_596 = arith.addf %add3A_574, %get3A_580 : vector<16xf32>
        %add3A_597 = arith.addf %add3A_575, %get3A_583 : vector<16xf32>
        scf.yield %add3A_590, %add3A_595, %add3A_596, %add3A_597 : vector<16xf32>, vector<16xf32>, vector<16xf32>, vector<16xf32>
      }
      %scan3A_304 = arith.constant 200 : i32
      %swap3A_305 = arith.index_cast %add3A_283 : i32 to index
      %swap3A_306 = arith.constant 0 : index
      %swap3A_307 = tpu.vector_load %arg15[%swap3A_305, %swap3A_306] {strides = array<i32>} : memref<128x64xf32, #tpu.memory_space<vmem>>, vector<16xf32>,
      tpu.vector_store %arg15[%swap3A_305, %swap3A_306], %scan3A_303#0 {strides = array<i32>} : memref<128x64xf32, #tpu.memory_space<vmem>>, vector<16xf32>,
      %swap3A_308 = arith.index_cast %add3A_283 : i32 to index
      %swap3A_309 = arith.constant 16 : index
      %swap3A_310 = tpu.vector_load %arg15[%swap3A_308, %swap3A_309] {strides = array<i32>} : memref<128x64xf32, #tpu.memory_space<vmem>>, vector<16xf32>,
      tpu.vector_store %arg15[%swap3A_308, %swap3A_309], %scan3A_303#1 {strides = array<i32>} : memref<128x64xf32, #tpu.memory_space<vmem>>, vector<16xf32>,
      %swap3A_311 = arith.index_cast %add3A_283 : i32 to index
      %swap3A_312 = arith.constant 32 : index
      %swap3A_313 = tpu.vector_load %arg15[%swap3A_311, %swap3A_312] {strides = array<i32>} : memref<128x64xf32, #tpu.memory_space<vmem>>, vector<16xf32>,
      tpu.vector_store %arg15[%swap3A_311, %swap3A_312], %scan3A_303#2 {strides = array<i32>} : memref<128x64xf32, #tpu.memory_space<vmem>>, vector<16xf32>,
      %swap3A_314 = arith.index_cast %add3A_283 : i32 to index
      %swap3A_315 = arith.constant 48 : index
      %swap3A_316 = tpu.vector_load %arg15[%swap3A_314, %swap3A_315] {strides = array<i32>} : memref<128x64xf32, #tpu.memory_space<vmem>>, vector<16xf32>,
      tpu.vector_store %arg15[%swap3A_314, %swap3A_315], %scan3A_303#3 {strides = array<i32>} : memref<128x64xf32, #tpu.memory_space<vmem>>, vector<16xf32>,
      %add3A_317 = arith.constant 5 : i32
      %add3A_318 = arith.addi %add3A_147, %add3A_317 : i32
      %add3A_319 = arith.constant 7 : i32
      %add3A_320 = arith.addi %add3A_318, %add3A_319 : i32
      %lt3A_321 = arith.constant 128 : i32
      %lt3A_322 = arith.cmpi slt, %add3A_320, %lt3A_321 : i32
      %convert_element_type3A_323 = arith.extui %lt3A_322 : i1 to i32
      %cond3A_324 = arith.constant 0 : i32
      %cond3A_325 = arith.cmpi ne, %convert_element_type3A_323, %cond3A_324 : i32
      scf.if %cond3A_325 {
        %mul3A_422 = arith.constant 200 : i32
        %mul3A_423 = arith.muli %add3A_320, %mul3A_422 : i32
        %multiple_of3A_424 = tpu.assume_multiple %mul3A_423, 8 : i32
        %dma_start3A_425 = arith.constant 0 : i32
        %dma_start3A_426 = arith.constant 0 : i32
        %dma_start3A_427 = tpu.memref_slice %arg11[%dma_start3A_425, %dma_start3A_426] : memref<200x32xf32, #tpu.memory_space<vmem>> -> memref<128x32xf32, #tpu.memory_space<vmem>>
        %dma_start3A_428 = tpu.memref_slice %arg6[%multiple_of3A_424] : memref<25600xi32, #tpu.memory_space<vmem>> -> memref<128xi32, #tpu.memory_space<vmem>>
        %dma_start3A_429 = arith.constant 0 : i32
        %dma_start3A_430 = arith.constant 0 : i32
        %dma_start3A_431 = tpu.memref_slice %arg2[%dma_start3A_429, %dma_start3A_430] : memref<1015808x32xf32, #tpu.memory_space<hbm>> -> memref<1015808x32xf32, #tpu.memory_space<hbm>>
        tpu.enqueue_indirect_dma source(%dma_start3A_431 : memref<1015808x32xf32, #tpu.memory_space<hbm>>) target(%dma_start3A_427 : memref<128x32xf32, #tpu.memory_space<vmem>>) offsets(%dma_start3A_428 : memref<128xi32, #tpu.memory_space<vmem>>) semaphore(%arg20 : memref<!tpu.dma_semaphore, #tpu.memory_space<semaphore_mem>>)
        %mul3A_432 = arith.constant 200 : i32
        %mul3A_433 = arith.muli %add3A_320, %mul3A_432 : i32
        %add3A_434 = arith.constant 128 : i32
        %add3A_435 = arith.addi %mul3A_433, %add3A_434 : i32
        %multiple_of3A_436 = tpu.assume_multiple %add3A_435, 8 : i32
        %dma_start3A_437 = arith.constant 128 : i32
        %dma_start3A_438 = arith.constant 0 : i32
        %dma_start3A_439 = tpu.memref_slice %arg11[%dma_start3A_437, %dma_start3A_438] : memref<200x32xf32, #tpu.memory_space<vmem>> -> memref<72x32xf32, #tpu.memory_space<vmem>>
        %dma_start3A_440 = tpu.memref_slice %arg6[%multiple_of3A_436] : memref<25600xi32, #tpu.memory_space<vmem>> -> memref<72xi32, #tpu.memory_space<vmem>>
        %dma_start3A_441 = arith.constant 0 : i32
        %dma_start3A_442 = arith.constant 0 : i32
        %dma_start3A_443 = tpu.memref_slice %arg2[%dma_start3A_441, %dma_start3A_442] : memref<1015808x32xf32, #tpu.memory_space<hbm>> -> memref<1015808x32xf32, #tpu.memory_space<hbm>>
        tpu.enqueue_indirect_dma source(%dma_start3A_443 : memref<1015808x32xf32, #tpu.memory_space<hbm>>) target(%dma_start3A_439 : memref<72x32xf32, #tpu.memory_space<vmem>>) offsets(%dma_start3A_440 : memref<72xi32, #tpu.memory_space<vmem>>) semaphore(%arg20 : memref<!tpu.dma_semaphore, #tpu.memory_space<semaphore_mem>>)
      } else {
      }
      %dma_wait3A_326 = arith.constant 0 : i32
      %dma_wait3A_327 = arith.constant 0 : i32
      %dma_wait3A_328 = tpu.memref_slice %arg2[%dma_wait3A_326, %dma_wait3A_327] : memref<1015808x32xf32, #tpu.memory_space<hbm>> -> memref<200x32xf32, #tpu.memory_space<hbm>>
      %dma_wait3A_329 = arith.constant 0 : i32
      %dma_wait3A_330 = arith.constant 0 : i32
      %dma_wait3A_331 = tpu.memref_slice %arg2[%dma_wait3A_329, %dma_wait3A_330] : memref<1015808x32xf32, #tpu.memory_space<hbm>> -> memref<200x32xf32, #tpu.memory_space<hbm>>
      tpu.wait_dma2 semaphore(%arg21 : memref<!tpu.dma_semaphore, #tpu.memory_space<semaphore_mem>>) src(%dma_wait3A_331 : memref<200x32xf32, #tpu.memory_space<hbm>>) dst(%arg12 : memref<200x32xf32, #tpu.memory_space<vmem>>)
      %broadcast_in_dim3A_332 = arith.constant 0.000000e+00 : f32
      %broadcast_in_dim3A_333 = vector.broadcast %broadcast_in_dim3A_332 : f32 to vector<16xf32>
      %scan3A_334 = arith.constant 0 : i32
      %scan3A_335 = arith.constant 200 : i32
      %scan3A_336 = arith.addi %scan3A_334, %scan3A_335 : i32
      %scan3A_337 = arith.constant 8 : i32
      %scan3A_338:4 = scf.for %scan3A_422 = %scan3A_334 to %scan3A_336 step %scan3A_337 iter_args(%scan3A_423 = %broadcast_in_dim3A_333, %scan3A_424 = %broadcast_in_dim3A_333, %scan3A_425 = %broadcast_in_dim3A_333, %scan3A_426 = %broadcast_in_dim3A_333) -> (vector<16xf32>, vector<16xf32>, vector<16xf32>, vector<16xf32>)  : i32 {
        %get3A = arith.index_cast %scan3A_422 : i32 to index
        %get3A_427 = arith.constant 0 : index
        %get3A_428 = tpu.vector_load %arg12[%get3A, %get3A_427] {strides = array<i32>} : memref<200x32xf32, #tpu.memory_space<vmem>>, vector<16xf32>,
        %get3A_429 = arith.index_cast %scan3A_422 : i32 to index
        %get3A_430 = arith.constant 16 : index
        %get3A_431 = tpu.vector_load %arg12[%get3A_429, %get3A_430] {strides = array<i32>} : memref<200x32xf32, #tpu.memory_space<vmem>>, vector<16xf32>,
        %bitcast_convert_type3A = tpu.bitcast %get3A_428 : vector<16xf32> -> vector<16xi32>
        %bitcast_convert_type3A_432 = tpu.bitcast %get3A_431 : vector<16xf32> -> vector<16xi32>
        %shift_left3A = arith.constant 16 : i32
        %shift_left3A_433 = vector.broadcast %shift_left3A : i32 to vector<16xi32>
        %shift_left3A_434 = arith.shli %bitcast_convert_type3A, %shift_left3A_433 : vector<16xi32>
        %bitcast_convert_type3A_435 = tpu.bitcast %shift_left3A_434 : vector<16xi32> -> vector<16xf32>
        %add3A_436 = arith.addf %scan3A_423, %bitcast_convert_type3A_435 : vector<16xf32>
        %shift_left3A_437 = arith.constant 16 : i32
        %shift_left3A_438 = vector.broadcast %shift_left3A_437 : i32 to vector<16xi32>
        %shift_left3A_439 = arith.shli %bitcast_convert_type3A_432, %shift_left3A_438 : vector<16xi32>
        %bitcast_convert_type3A_440 = tpu.bitcast %shift_left3A_439 : vector<16xi32> -> vector<16xf32>
        %add3A_441 = arith.addf %scan3A_424, %bitcast_convert_type3A_440 : vector<16xf32>
        %add3A_442 = arith.addf %scan3A_425, %get3A_428 : vector<16xf32>
        %add3A_443 = arith.addf %scan3A_426, %get3A_431 : vector<16xf32>
        %scan3A_444 = arith.constant 1 : i32
        %scan3A_445 = arith.addi %scan3A_422, %scan3A_444 : i32
        %get3A_446 = arith.index_cast %scan3A_445 : i32 to index
        %get3A_447 = arith.constant 0 : index
        %get3A_448 = tpu.vector_load %arg12[%get3A_446, %get3A_447] {strides = array<i32>} : memref<200x32xf32, #tpu.memory_space<vmem>>, vector<16xf32>,
        %get3A_449 = arith.index_cast %scan3A_445 : i32 to index
        %get3A_450 = arith.constant 16 : index
        %get3A_451 = tpu.vector_load %arg12[%get3A_449, %get3A_450] {strides = array<i32>} : memref<200x32xf32, #tpu.memory_space<vmem>>, vector<16xf32>,
        %bitcast_convert_type3A_452 = tpu.bitcast %get3A_448 : vector<16xf32> -> vector<16xi32>
        %bitcast_convert_type3A_453 = tpu.bitcast %get3A_451 : vector<16xf32> -> vector<16xi32>
        %shift_left3A_454 = arith.constant 16 : i32
        %shift_left3A_455 = vector.broadcast %shift_left3A_454 : i32 to vector<16xi32>
        %shift_left3A_456 = arith.shli %bitcast_convert_type3A_452, %shift_left3A_455 : vector<16xi32>
        %bitcast_convert_type3A_457 = tpu.bitcast %shift_left3A_456 : vector<16xi32> -> vector<16xf32>
        %add3A_458 = arith.addf %add3A_436, %bitcast_convert_type3A_457 : vector<16xf32>
        %shift_left3A_459 = arith.constant 16 : i32
        %shift_left3A_460 = vector.broadcast %shift_left3A_459 : i32 to vector<16xi32>
        %shift_left3A_461 = arith.shli %bitcast_convert_type3A_453, %shift_left3A_460 : vector<16xi32>
        %bitcast_convert_type3A_462 = tpu.bitcast %shift_left3A_461 : vector<16xi32> -> vector<16xf32>
        %add3A_463 = arith.addf %add3A_441, %bitcast_convert_type3A_462 : vector<16xf32>
        %add3A_464 = arith.addf %add3A_442, %get3A_448 : vector<16xf32>
        %add3A_465 = arith.addf %add3A_443, %get3A_451 : vector<16xf32>
        %scan3A_466 = arith.constant 2 : i32
        %scan3A_467 = arith.addi %scan3A_422, %scan3A_466 : i32
        %get3A_468 = arith.index_cast %scan3A_467 : i32 to index
        %get3A_469 = arith.constant 0 : index
        %get3A_470 = tpu.vector_load %arg12[%get3A_468, %get3A_469] {strides = array<i32>} : memref<200x32xf32, #tpu.memory_space<vmem>>, vector<16xf32>,
        %get3A_471 = arith.index_cast %scan3A_467 : i32 to index
        %get3A_472 = arith.constant 16 : index
        %get3A_473 = tpu.vector_load %arg12[%get3A_471, %get3A_472] {strides = array<i32>} : memref<200x32xf32, #tpu.memory_space<vmem>>, vector<16xf32>,
        %bitcast_convert_type3A_474 = tpu.bitcast %get3A_470 : vector<16xf32> -> vector<16xi32>
        %bitcast_convert_type3A_475 = tpu.bitcast %get3A_473 : vector<16xf32> -> vector<16xi32>
        %shift_left3A_476 = arith.constant 16 : i32
        %shift_left3A_477 = vector.broadcast %shift_left3A_476 : i32 to vector<16xi32>
        %shift_left3A_478 = arith.shli %bitcast_convert_type3A_474, %shift_left3A_477 : vector<16xi32>
        %bitcast_convert_type3A_479 = tpu.bitcast %shift_left3A_478 : vector<16xi32> -> vector<16xf32>
        %add3A_480 = arith.addf %add3A_458, %bitcast_convert_type3A_479 : vector<16xf32>
        %shift_left3A_481 = arith.constant 16 : i32
        %shift_left3A_482 = vector.broadcast %shift_left3A_481 : i32 to vector<16xi32>
        %shift_left3A_483 = arith.shli %bitcast_convert_type3A_475, %shift_left3A_482 : vector<16xi32>
        %bitcast_convert_type3A_484 = tpu.bitcast %shift_left3A_483 : vector<16xi32> -> vector<16xf32>
        %add3A_485 = arith.addf %add3A_463, %bitcast_convert_type3A_484 : vector<16xf32>
        %add3A_486 = arith.addf %add3A_464, %get3A_470 : vector<16xf32>
        %add3A_487 = arith.addf %add3A_465, %get3A_473 : vector<16xf32>
        %scan3A_488 = arith.constant 3 : i32
        %scan3A_489 = arith.addi %scan3A_422, %scan3A_488 : i32
        %get3A_490 = arith.index_cast %scan3A_489 : i32 to index
        %get3A_491 = arith.constant 0 : index
        %get3A_492 = tpu.vector_load %arg12[%get3A_490, %get3A_491] {strides = array<i32>} : memref<200x32xf32, #tpu.memory_space<vmem>>, vector<16xf32>,
        %get3A_493 = arith.index_cast %scan3A_489 : i32 to index
        %get3A_494 = arith.constant 16 : index
        %get3A_495 = tpu.vector_load %arg12[%get3A_493, %get3A_494] {strides = array<i32>} : memref<200x32xf32, #tpu.memory_space<vmem>>, vector<16xf32>,
        %bitcast_convert_type3A_496 = tpu.bitcast %get3A_492 : vector<16xf32> -> vector<16xi32>
        %bitcast_convert_type3A_497 = tpu.bitcast %get3A_495 : vector<16xf32> -> vector<16xi32>
        %shift_left3A_498 = arith.constant 16 : i32
        %shift_left3A_499 = vector.broadcast %shift_left3A_498 : i32 to vector<16xi32>
        %shift_left3A_500 = arith.shli %bitcast_convert_type3A_496, %shift_left3A_499 : vector<16xi32>
        %bitcast_convert_type3A_501 = tpu.bitcast %shift_left3A_500 : vector<16xi32> -> vector<16xf32>
        %add3A_502 = arith.addf %add3A_480, %bitcast_convert_type3A_501 : vector<16xf32>
        %shift_left3A_503 = arith.constant 16 : i32
        %shift_left3A_504 = vector.broadcast %shift_left3A_503 : i32 to vector<16xi32>
        %shift_left3A_505 = arith.shli %bitcast_convert_type3A_497, %shift_left3A_504 : vector<16xi32>
        %bitcast_convert_type3A_506 = tpu.bitcast %shift_left3A_505 : vector<16xi32> -> vector<16xf32>
        %add3A_507 = arith.addf %add3A_485, %bitcast_convert_type3A_506 : vector<16xf32>
        %add3A_508 = arith.addf %add3A_486, %get3A_492 : vector<16xf32>
        %add3A_509 = arith.addf %add3A_487, %get3A_495 : vector<16xf32>
        %scan3A_510 = arith.constant 4 : i32
        %scan3A_511 = arith.addi %scan3A_422, %scan3A_510 : i32
        %get3A_512 = arith.index_cast %scan3A_511 : i32 to index
        %get3A_513 = arith.constant 0 : index
        %get3A_514 = tpu.vector_load %arg12[%get3A_512, %get3A_513] {strides = array<i32>} : memref<200x32xf32, #tpu.memory_space<vmem>>, vector<16xf32>,
        %get3A_515 = arith.index_cast %scan3A_511 : i32 to index
        %get3A_516 = arith.constant 16 : index
        %get3A_517 = tpu.vector_load %arg12[%get3A_515, %get3A_516] {strides = array<i32>} : memref<200x32xf32, #tpu.memory_space<vmem>>, vector<16xf32>,
        %bitcast_convert_type3A_518 = tpu.bitcast %get3A_514 : vector<16xf32> -> vector<16xi32>
        %bitcast_convert_type3A_519 = tpu.bitcast %get3A_517 : vector<16xf32> -> vector<16xi32>
        %shift_left3A_520 = arith.constant 16 : i32
        %shift_left3A_521 = vector.broadcast %shift_left3A_520 : i32 to vector<16xi32>
        %shift_left3A_522 = arith.shli %bitcast_convert_type3A_518, %shift_left3A_521 : vector<16xi32>
        %bitcast_convert_type3A_523 = tpu.bitcast %shift_left3A_522 : vector<16xi32> -> vector<16xf32>
        %add3A_524 = arith.addf %add3A_502, %bitcast_convert_type3A_523 : vector<16xf32>
        %shift_left3A_525 = arith.constant 16 : i32
        %shift_left3A_526 = vector.broadcast %shift_left3A_525 : i32 to vector<16xi32>
        %shift_left3A_527 = arith.shli %bitcast_convert_type3A_519, %shift_left3A_526 : vector<16xi32>
        %bitcast_convert_type3A_528 = tpu.bitcast %shift_left3A_527 : vector<16xi32> -> vector<16xf32>
        %add3A_529 = arith.addf %add3A_507, %bitcast_convert_type3A_528 : vector<16xf32>
        %add3A_530 = arith.addf %add3A_508, %get3A_514 : vector<16xf32>
        %add3A_531 = arith.addf %add3A_509, %get3A_517 : vector<16xf32>
        %scan3A_532 = arith.constant 5 : i32
        %scan3A_533 = arith.addi %scan3A_422, %scan3A_532 : i32
        %get3A_534 = arith.index_cast %scan3A_533 : i32 to index
        %get3A_535 = arith.constant 0 : index
        %get3A_536 = tpu.vector_load %arg12[%get3A_534, %get3A_535] {strides = array<i32>} : memref<200x32xf32, #tpu.memory_space<vmem>>, vector<16xf32>,
        %get3A_537 = arith.index_cast %scan3A_533 : i32 to index
        %get3A_538 = arith.constant 16 : index
        %get3A_539 = tpu.vector_load %arg12[%get3A_537, %get3A_538] {strides = array<i32>} : memref<200x32xf32, #tpu.memory_space<vmem>>, vector<16xf32>,
        %bitcast_convert_type3A_540 = tpu.bitcast %get3A_536 : vector<16xf32> -> vector<16xi32>
        %bitcast_convert_type3A_541 = tpu.bitcast %get3A_539 : vector<16xf32> -> vector<16xi32>
        %shift_left3A_542 = arith.constant 16 : i32
        %shift_left3A_543 = vector.broadcast %shift_left3A_542 : i32 to vector<16xi32>
        %shift_left3A_544 = arith.shli %bitcast_convert_type3A_540, %shift_left3A_543 : vector<16xi32>
        %bitcast_convert_type3A_545 = tpu.bitcast %shift_left3A_544 : vector<16xi32> -> vector<16xf32>
        %add3A_546 = arith.addf %add3A_524, %bitcast_convert_type3A_545 : vector<16xf32>
        %shift_left3A_547 = arith.constant 16 : i32
        %shift_left3A_548 = vector.broadcast %shift_left3A_547 : i32 to vector<16xi32>
        %shift_left3A_549 = arith.shli %bitcast_convert_type3A_541, %shift_left3A_548 : vector<16xi32>
        %bitcast_convert_type3A_550 = tpu.bitcast %shift_left3A_549 : vector<16xi32> -> vector<16xf32>
        %add3A_551 = arith.addf %add3A_529, %bitcast_convert_type3A_550 : vector<16xf32>
        %add3A_552 = arith.addf %add3A_530, %get3A_536 : vector<16xf32>
        %add3A_553 = arith.addf %add3A_531, %get3A_539 : vector<16xf32>
        %scan3A_554 = arith.constant 6 : i32
        %scan3A_555 = arith.addi %scan3A_422, %scan3A_554 : i32
        %get3A_556 = arith.index_cast %scan3A_555 : i32 to index
        %get3A_557 = arith.constant 0 : index
        %get3A_558 = tpu.vector_load %arg12[%get3A_556, %get3A_557] {strides = array<i32>} : memref<200x32xf32, #tpu.memory_space<vmem>>, vector<16xf32>,
        %get3A_559 = arith.index_cast %scan3A_555 : i32 to index
        %get3A_560 = arith.constant 16 : index
        %get3A_561 = tpu.vector_load %arg12[%get3A_559, %get3A_560] {strides = array<i32>} : memref<200x32xf32, #tpu.memory_space<vmem>>, vector<16xf32>,
        %bitcast_convert_type3A_562 = tpu.bitcast %get3A_558 : vector<16xf32> -> vector<16xi32>
        %bitcast_convert_type3A_563 = tpu.bitcast %get3A_561 : vector<16xf32> -> vector<16xi32>
        %shift_left3A_564 = arith.constant 16 : i32
        %shift_left3A_565 = vector.broadcast %shift_left3A_564 : i32 to vector<16xi32>
        %shift_left3A_566 = arith.shli %bitcast_convert_type3A_562, %shift_left3A_565 : vector<16xi32>
        %bitcast_convert_type3A_567 = tpu.bitcast %shift_left3A_566 : vector<16xi32> -> vector<16xf32>
        %add3A_568 = arith.addf %add3A_546, %bitcast_convert_type3A_567 : vector<16xf32>
        %shift_left3A_569 = arith.constant 16 : i32
        %shift_left3A_570 = vector.broadcast %shift_left3A_569 : i32 to vector<16xi32>
        %shift_left3A_571 = arith.shli %bitcast_convert_type3A_563, %shift_left3A_570 : vector<16xi32>
        %bitcast_convert_type3A_572 = tpu.bitcast %shift_left3A_571 : vector<16xi32> -> vector<16xf32>
        %add3A_573 = arith.addf %add3A_551, %bitcast_convert_type3A_572 : vector<16xf32>
        %add3A_574 = arith.addf %add3A_552, %get3A_558 : vector<16xf32>
        %add3A_575 = arith.addf %add3A_553, %get3A_561 : vector<16xf32>
        %scan3A_576 = arith.constant 7 : i32
        %scan3A_577 = arith.addi %scan3A_422, %scan3A_576 : i32
        %get3A_578 = arith.index_cast %scan3A_577 : i32 to index
        %get3A_579 = arith.constant 0 : index
        %get3A_580 = tpu.vector_load %arg12[%get3A_578, %get3A_579] {strides = array<i32>} : memref<200x32xf32, #tpu.memory_space<vmem>>, vector<16xf32>,
        %get3A_581 = arith.index_cast %scan3A_577 : i32 to index
        %get3A_582 = arith.constant 16 : index
        %get3A_583 = tpu.vector_load %arg12[%get3A_581, %get3A_582] {strides = array<i32>} : memref<200x32xf32, #tpu.memory_space<vmem>>, vector<16xf32>,
        %bitcast_convert_type3A_584 = tpu.bitcast %get3A_580 : vector<16xf32> -> vector<16xi32>
        %bitcast_convert_type3A_585 = tpu.bitcast %get3A_583 : vector<16xf32> -> vector<16xi32>
        %shift_left3A_586 = arith.constant 16 : i32
        %shift_left3A_587 = vector.broadcast %shift_left3A_586 : i32 to vector<16xi32>
        %shift_left3A_588 = arith.shli %bitcast_convert_type3A_584, %shift_left3A_587 : vector<16xi32>
        %bitcast_convert_type3A_589 = tpu.bitcast %shift_left3A_588 : vector<16xi32> -> vector<16xf32>
        %add3A_590 = arith.addf %add3A_568, %bitcast_convert_type3A_589 : vector<16xf32>
        %shift_left3A_591 = arith.constant 16 : i32
        %shift_left3A_592 = vector.broadcast %shift_left3A_591 : i32 to vector<16xi32>
        %shift_left3A_593 = arith.shli %bitcast_convert_type3A_585, %shift_left3A_592 : vector<16xi32>
        %bitcast_convert_type3A_594 = tpu.bitcast %shift_left3A_593 : vector<16xi32> -> vector<16xf32>
        %add3A_595 = arith.addf %add3A_573, %bitcast_convert_type3A_594 : vector<16xf32>
        %add3A_596 = arith.addf %add3A_574, %get3A_580 : vector<16xf32>
        %add3A_597 = arith.addf %add3A_575, %get3A_583 : vector<16xf32>
        scf.yield %add3A_590, %add3A_595, %add3A_596, %add3A_597 : vector<16xf32>, vector<16xf32>, vector<16xf32>, vector<16xf32>
      }
      %scan3A_339 = arith.constant 200 : i32
      %swap3A_340 = arith.index_cast %add3A_318 : i32 to index
      %swap3A_341 = arith.constant 0 : index
      %swap3A_342 = tpu.vector_load %arg15[%swap3A_340, %swap3A_341] {strides = array<i32>} : memref<128x64xf32, #tpu.memory_space<vmem>>, vector<16xf32>,
      tpu.vector_store %arg15[%swap3A_340, %swap3A_341], %scan3A_338#0 {strides = array<i32>} : memref<128x64xf32, #tpu.memory_space<vmem>>, vector<16xf32>,
      %swap3A_343 = arith.index_cast %add3A_318 : i32 to index
      %swap3A_344 = arith.constant 16 : index
      %swap3A_345 = tpu.vector_load %arg15[%swap3A_343, %swap3A_344] {strides = array<i32>} : memref<128x64xf32, #tpu.memory_space<vmem>>, vector<16xf32>,
      tpu.vector_store %arg15[%swap3A_343, %swap3A_344], %scan3A_338#1 {strides = array<i32>} : memref<128x64xf32, #tpu.memory_space<vmem>>, vector<16xf32>,
      %swap3A_346 = arith.index_cast %add3A_318 : i32 to index
      %swap3A_347 = arith.constant 32 : index
      %swap3A_348 = tpu.vector_load %arg15[%swap3A_346, %swap3A_347] {strides = array<i32>} : memref<128x64xf32, #tpu.memory_space<vmem>>, vector<16xf32>,
      tpu.vector_store %arg15[%swap3A_346, %swap3A_347], %scan3A_338#2 {strides = array<i32>} : memref<128x64xf32, #tpu.memory_space<vmem>>, vector<16xf32>,
      %swap3A_349 = arith.index_cast %add3A_318 : i32 to index
      %swap3A_350 = arith.constant 48 : index
      %swap3A_351 = tpu.vector_load %arg15[%swap3A_349, %swap3A_350] {strides = array<i32>} : memref<128x64xf32, #tpu.memory_space<vmem>>, vector<16xf32>,
      tpu.vector_store %arg15[%swap3A_349, %swap3A_350], %scan3A_338#3 {strides = array<i32>} : memref<128x64xf32, #tpu.memory_space<vmem>>, vector<16xf32>,
      %add3A_352 = arith.constant 6 : i32
      %add3A_353 = arith.addi %add3A_147, %add3A_352 : i32
      %add3A_354 = arith.constant 7 : i32
      %add3A_355 = arith.addi %add3A_353, %add3A_354 : i32
      %lt3A_356 = arith.constant 128 : i32
      %lt3A_357 = arith.cmpi slt, %add3A_355, %lt3A_356 : i32
      %convert_element_type3A_358 = arith.extui %lt3A_357 : i1 to i32
      %cond3A_359 = arith.constant 0 : i32
      %cond3A_360 = arith.cmpi ne, %convert_element_type3A_358, %cond3A_359 : i32
      scf.if %cond3A_360 {
        %mul3A_422 = arith.constant 200 : i32
        %mul3A_423 = arith.muli %add3A_355, %mul3A_422 : i32
        %multiple_of3A_424 = tpu.assume_multiple %mul3A_423, 8 : i32
        %dma_start3A_425 = arith.constant 0 : i32
        %dma_start3A_426 = arith.constant 0 : i32
        %dma_start3A_427 = tpu.memref_slice %arg12[%dma_start3A_425, %dma_start3A_426] : memref<200x32xf32, #tpu.memory_space<vmem>> -> memref<128x32xf32, #tpu.memory_space<vmem>>
        %dma_start3A_428 = tpu.memref_slice %arg6[%multiple_of3A_424] : memref<25600xi32, #tpu.memory_space<vmem>> -> memref<128xi32, #tpu.memory_space<vmem>>
        %dma_start3A_429 = arith.constant 0 : i32
        %dma_start3A_430 = arith.constant 0 : i32
        %dma_start3A_431 = tpu.memref_slice %arg2[%dma_start3A_429, %dma_start3A_430] : memref<1015808x32xf32, #tpu.memory_space<hbm>> -> memref<1015808x32xf32, #tpu.memory_space<hbm>>
        tpu.enqueue_indirect_dma source(%dma_start3A_431 : memref<1015808x32xf32, #tpu.memory_space<hbm>>) target(%dma_start3A_427 : memref<128x32xf32, #tpu.memory_space<vmem>>) offsets(%dma_start3A_428 : memref<128xi32, #tpu.memory_space<vmem>>) semaphore(%arg21 : memref<!tpu.dma_semaphore, #tpu.memory_space<semaphore_mem>>)
        %mul3A_432 = arith.constant 200 : i32
        %mul3A_433 = arith.muli %add3A_355, %mul3A_432 : i32
        %add3A_434 = arith.constant 128 : i32
        %add3A_435 = arith.addi %mul3A_433, %add3A_434 : i32
        %multiple_of3A_436 = tpu.assume_multiple %add3A_435, 8 : i32
        %dma_start3A_437 = arith.constant 128 : i32
        %dma_start3A_438 = arith.constant 0 : i32
        %dma_start3A_439 = tpu.memref_slice %arg12[%dma_start3A_437, %dma_start3A_438] : memref<200x32xf32, #tpu.memory_space<vmem>> -> memref<72x32xf32, #tpu.memory_space<vmem>>
        %dma_start3A_440 = tpu.memref_slice %arg6[%multiple_of3A_436] : memref<25600xi32, #tpu.memory_space<vmem>> -> memref<72xi32, #tpu.memory_space<vmem>>
        %dma_start3A_441 = arith.constant 0 : i32
        %dma_start3A_442 = arith.constant 0 : i32
        %dma_start3A_443 = tpu.memref_slice %arg2[%dma_start3A_441, %dma_start3A_442] : memref<1015808x32xf32, #tpu.memory_space<hbm>> -> memref<1015808x32xf32, #tpu.memory_space<hbm>>
        tpu.enqueue_indirect_dma source(%dma_start3A_443 : memref<1015808x32xf32, #tpu.memory_space<hbm>>) target(%dma_start3A_439 : memref<72x32xf32, #tpu.memory_space<vmem>>) offsets(%dma_start3A_440 : memref<72xi32, #tpu.memory_space<vmem>>) semaphore(%arg21 : memref<!tpu.dma_semaphore, #tpu.memory_space<semaphore_mem>>)
      } else {
      }
      %dma_wait3A_361 = arith.constant 0 : i32
      %dma_wait3A_362 = arith.constant 0 : i32
      %dma_wait3A_363 = tpu.memref_slice %arg2[%dma_wait3A_361, %dma_wait3A_362] : memref<1015808x32xf32, #tpu.memory_space<hbm>> -> memref<200x32xf32, #tpu.memory_space<hbm>>
      %dma_wait3A_364 = arith.constant 0 : i32
      %dma_wait3A_365 = arith.constant 0 : i32
      %dma_wait3A_366 = tpu.memref_slice %arg2[%dma_wait3A_364, %dma_wait3A_365] : memref<1015808x32xf32, #tpu.memory_space<hbm>> -> memref<200x32xf32, #tpu.memory_space<hbm>>
      tpu.wait_dma2 semaphore(%arg22 : memref<!tpu.dma_semaphore, #tpu.memory_space<semaphore_mem>>) src(%dma_wait3A_366 : memref<200x32xf32, #tpu.memory_space<hbm>>) dst(%arg13 : memref<200x32xf32, #tpu.memory_space<vmem>>)
      %broadcast_in_dim3A_367 = arith.constant 0.000000e+00 : f32
      %broadcast_in_dim3A_368 = vector.broadcast %broadcast_in_dim3A_367 : f32 to vector<16xf32>
      %scan3A_369 = arith.constant 0 : i32
      %scan3A_370 = arith.constant 200 : i32
      %scan3A_371 = arith.addi %scan3A_369, %scan3A_370 : i32
      %scan3A_372 = arith.constant 8 : i32
      %scan3A_373:4 = scf.for %scan3A_422 = %scan3A_369 to %scan3A_371 step %scan3A_372 iter_args(%scan3A_423 = %broadcast_in_dim3A_368, %scan3A_424 = %broadcast_in_dim3A_368, %scan3A_425 = %broadcast_in_dim3A_368, %scan3A_426 = %broadcast_in_dim3A_368) -> (vector<16xf32>, vector<16xf32>, vector<16xf32>, vector<16xf32>)  : i32 {
        %get3A = arith.index_cast %scan3A_422 : i32 to index
        %get3A_427 = arith.constant 0 : index
        %get3A_428 = tpu.vector_load %arg13[%get3A, %get3A_427] {strides = array<i32>} : memref<200x32xf32, #tpu.memory_space<vmem>>, vector<16xf32>,
        %get3A_429 = arith.index_cast %scan3A_422 : i32 to index
        %get3A_430 = arith.constant 16 : index
        %get3A_431 = tpu.vector_load %arg13[%get3A_429, %get3A_430] {strides = array<i32>} : memref<200x32xf32, #tpu.memory_space<vmem>>, vector<16xf32>,
        %bitcast_convert_type3A = tpu.bitcast %get3A_428 : vector<16xf32> -> vector<16xi32>
        %bitcast_convert_type3A_432 = tpu.bitcast %get3A_431 : vector<16xf32> -> vector<16xi32>
        %shift_left3A = arith.constant 16 : i32
        %shift_left3A_433 = vector.broadcast %shift_left3A : i32 to vector<16xi32>
        %shift_left3A_434 = arith.shli %bitcast_convert_type3A, %shift_left3A_433 : vector<16xi32>
        %bitcast_convert_type3A_435 = tpu.bitcast %shift_left3A_434 : vector<16xi32> -> vector<16xf32>
        %add3A_436 = arith.addf %scan3A_423, %bitcast_convert_type3A_435 : vector<16xf32>
        %shift_left3A_437 = arith.constant 16 : i32
        %shift_left3A_438 = vector.broadcast %shift_left3A_437 : i32 to vector<16xi32>
        %shift_left3A_439 = arith.shli %bitcast_convert_type3A_432, %shift_left3A_438 : vector<16xi32>
        %bitcast_convert_type3A_440 = tpu.bitcast %shift_left3A_439 : vector<16xi32> -> vector<16xf32>
        %add3A_441 = arith.addf %scan3A_424, %bitcast_convert_type3A_440 : vector<16xf32>
        %add3A_442 = arith.addf %scan3A_425, %get3A_428 : vector<16xf32>
        %add3A_443 = arith.addf %scan3A_426, %get3A_431 : vector<16xf32>
        %scan3A_444 = arith.constant 1 : i32
        %scan3A_445 = arith.addi %scan3A_422, %scan3A_444 : i32
        %get3A_446 = arith.index_cast %scan3A_445 : i32 to index
        %get3A_447 = arith.constant 0 : index
        %get3A_448 = tpu.vector_load %arg13[%get3A_446, %get3A_447] {strides = array<i32>} : memref<200x32xf32, #tpu.memory_space<vmem>>, vector<16xf32>,
        %get3A_449 = arith.index_cast %scan3A_445 : i32 to index
        %get3A_450 = arith.constant 16 : index
        %get3A_451 = tpu.vector_load %arg13[%get3A_449, %get3A_450] {strides = array<i32>} : memref<200x32xf32, #tpu.memory_space<vmem>>, vector<16xf32>,
        %bitcast_convert_type3A_452 = tpu.bitcast %get3A_448 : vector<16xf32> -> vector<16xi32>
        %bitcast_convert_type3A_453 = tpu.bitcast %get3A_451 : vector<16xf32> -> vector<16xi32>
        %shift_left3A_454 = arith.constant 16 : i32
        %shift_left3A_455 = vector.broadcast %shift_left3A_454 : i32 to vector<16xi32>
        %shift_left3A_456 = arith.shli %bitcast_convert_type3A_452, %shift_left3A_455 : vector<16xi32>
        %bitcast_convert_type3A_457 = tpu.bitcast %shift_left3A_456 : vector<16xi32> -> vector<16xf32>
        %add3A_458 = arith.addf %add3A_436, %bitcast_convert_type3A_457 : vector<16xf32>
        %shift_left3A_459 = arith.constant 16 : i32
        %shift_left3A_460 = vector.broadcast %shift_left3A_459 : i32 to vector<16xi32>
        %shift_left3A_461 = arith.shli %bitcast_convert_type3A_453, %shift_left3A_460 : vector<16xi32>
        %bitcast_convert_type3A_462 = tpu.bitcast %shift_left3A_461 : vector<16xi32> -> vector<16xf32>
        %add3A_463 = arith.addf %add3A_441, %bitcast_convert_type3A_462 : vector<16xf32>
        %add3A_464 = arith.addf %add3A_442, %get3A_448 : vector<16xf32>
        %add3A_465 = arith.addf %add3A_443, %get3A_451 : vector<16xf32>
        %scan3A_466 = arith.constant 2 : i32
        %scan3A_467 = arith.addi %scan3A_422, %scan3A_466 : i32
        %get3A_468 = arith.index_cast %scan3A_467 : i32 to index
        %get3A_469 = arith.constant 0 : index
        %get3A_470 = tpu.vector_load %arg13[%get3A_468, %get3A_469] {strides = array<i32>} : memref<200x32xf32, #tpu.memory_space<vmem>>, vector<16xf32>,
        %get3A_471 = arith.index_cast %scan3A_467 : i32 to index
        %get3A_472 = arith.constant 16 : index
        %get3A_473 = tpu.vector_load %arg13[%get3A_471, %get3A_472] {strides = array<i32>} : memref<200x32xf32, #tpu.memory_space<vmem>>, vector<16xf32>,
        %bitcast_convert_type3A_474 = tpu.bitcast %get3A_470 : vector<16xf32> -> vector<16xi32>
        %bitcast_convert_type3A_475 = tpu.bitcast %get3A_473 : vector<16xf32> -> vector<16xi32>
        %shift_left3A_476 = arith.constant 16 : i32
        %shift_left3A_477 = vector.broadcast %shift_left3A_476 : i32 to vector<16xi32>
        %shift_left3A_478 = arith.shli %bitcast_convert_type3A_474, %shift_left3A_477 : vector<16xi32>
        %bitcast_convert_type3A_479 = tpu.bitcast %shift_left3A_478 : vector<16xi32> -> vector<16xf32>
        %add3A_480 = arith.addf %add3A_458, %bitcast_convert_type3A_479 : vector<16xf32>
        %shift_left3A_481 = arith.constant 16 : i32
        %shift_left3A_482 = vector.broadcast %shift_left3A_481 : i32 to vector<16xi32>
        %shift_left3A_483 = arith.shli %bitcast_convert_type3A_475, %shift_left3A_482 : vector<16xi32>
        %bitcast_convert_type3A_484 = tpu.bitcast %shift_left3A_483 : vector<16xi32> -> vector<16xf32>
        %add3A_485 = arith.addf %add3A_463, %bitcast_convert_type3A_484 : vector<16xf32>
        %add3A_486 = arith.addf %add3A_464, %get3A_470 : vector<16xf32>
        %add3A_487 = arith.addf %add3A_465, %get3A_473 : vector<16xf32>
        %scan3A_488 = arith.constant 3 : i32
        %scan3A_489 = arith.addi %scan3A_422, %scan3A_488 : i32
        %get3A_490 = arith.index_cast %scan3A_489 : i32 to index
        %get3A_491 = arith.constant 0 : index
        %get3A_492 = tpu.vector_load %arg13[%get3A_490, %get3A_491] {strides = array<i32>} : memref<200x32xf32, #tpu.memory_space<vmem>>, vector<16xf32>,
        %get3A_493 = arith.index_cast %scan3A_489 : i32 to index
        %get3A_494 = arith.constant 16 : index
        %get3A_495 = tpu.vector_load %arg13[%get3A_493, %get3A_494] {strides = array<i32>} : memref<200x32xf32, #tpu.memory_space<vmem>>, vector<16xf32>,
        %bitcast_convert_type3A_496 = tpu.bitcast %get3A_492 : vector<16xf32> -> vector<16xi32>
        %bitcast_convert_type3A_497 = tpu.bitcast %get3A_495 : vector<16xf32> -> vector<16xi32>
        %shift_left3A_498 = arith.constant 16 : i32
        %shift_left3A_499 = vector.broadcast %shift_left3A_498 : i32 to vector<16xi32>
        %shift_left3A_500 = arith.shli %bitcast_convert_type3A_496, %shift_left3A_499 : vector<16xi32>
        %bitcast_convert_type3A_501 = tpu.bitcast %shift_left3A_500 : vector<16xi32> -> vector<16xf32>
        %add3A_502 = arith.addf %add3A_480, %bitcast_convert_type3A_501 : vector<16xf32>
        %shift_left3A_503 = arith.constant 16 : i32
        %shift_left3A_504 = vector.broadcast %shift_left3A_503 : i32 to vector<16xi32>
        %shift_left3A_505 = arith.shli %bitcast_convert_type3A_497, %shift_left3A_504 : vector<16xi32>
        %bitcast_convert_type3A_506 = tpu.bitcast %shift_left3A_505 : vector<16xi32> -> vector<16xf32>
        %add3A_507 = arith.addf %add3A_485, %bitcast_convert_type3A_506 : vector<16xf32>
        %add3A_508 = arith.addf %add3A_486, %get3A_492 : vector<16xf32>
        %add3A_509 = arith.addf %add3A_487, %get3A_495 : vector<16xf32>
        %scan3A_510 = arith.constant 4 : i32
        %scan3A_511 = arith.addi %scan3A_422, %scan3A_510 : i32
        %get3A_512 = arith.index_cast %scan3A_511 : i32 to index
        %get3A_513 = arith.constant 0 : index
        %get3A_514 = tpu.vector_load %arg13[%get3A_512, %get3A_513] {strides = array<i32>} : memref<200x32xf32, #tpu.memory_space<vmem>>, vector<16xf32>,
        %get3A_515 = arith.index_cast %scan3A_511 : i32 to index
        %get3A_516 = arith.constant 16 : index
        %get3A_517 = tpu.vector_load %arg13[%get3A_515, %get3A_516] {strides = array<i32>} : memref<200x32xf32, #tpu.memory_space<vmem>>, vector<16xf32>,
        %bitcast_convert_type3A_518 = tpu.bitcast %get3A_514 : vector<16xf32> -> vector<16xi32>
        %bitcast_convert_type3A_519 = tpu.bitcast %get3A_517 : vector<16xf32> -> vector<16xi32>
        %shift_left3A_520 = arith.constant 16 : i32
        %shift_left3A_521 = vector.broadcast %shift_left3A_520 : i32 to vector<16xi32>
        %shift_left3A_522 = arith.shli %bitcast_convert_type3A_518, %shift_left3A_521 : vector<16xi32>
        %bitcast_convert_type3A_523 = tpu.bitcast %shift_left3A_522 : vector<16xi32> -> vector<16xf32>
        %add3A_524 = arith.addf %add3A_502, %bitcast_convert_type3A_523 : vector<16xf32>
        %shift_left3A_525 = arith.constant 16 : i32
        %shift_left3A_526 = vector.broadcast %shift_left3A_525 : i32 to vector<16xi32>
        %shift_left3A_527 = arith.shli %bitcast_convert_type3A_519, %shift_left3A_526 : vector<16xi32>
        %bitcast_convert_type3A_528 = tpu.bitcast %shift_left3A_527 : vector<16xi32> -> vector<16xf32>
        %add3A_529 = arith.addf %add3A_507, %bitcast_convert_type3A_528 : vector<16xf32>
        %add3A_530 = arith.addf %add3A_508, %get3A_514 : vector<16xf32>
        %add3A_531 = arith.addf %add3A_509, %get3A_517 : vector<16xf32>
        %scan3A_532 = arith.constant 5 : i32
        %scan3A_533 = arith.addi %scan3A_422, %scan3A_532 : i32
        %get3A_534 = arith.index_cast %scan3A_533 : i32 to index
        %get3A_535 = arith.constant 0 : index
        %get3A_536 = tpu.vector_load %arg13[%get3A_534, %get3A_535] {strides = array<i32>} : memref<200x32xf32, #tpu.memory_space<vmem>>, vector<16xf32>,
        %get3A_537 = arith.index_cast %scan3A_533 : i32 to index
        %get3A_538 = arith.constant 16 : index
        %get3A_539 = tpu.vector_load %arg13[%get3A_537, %get3A_538] {strides = array<i32>} : memref<200x32xf32, #tpu.memory_space<vmem>>, vector<16xf32>,
        %bitcast_convert_type3A_540 = tpu.bitcast %get3A_536 : vector<16xf32> -> vector<16xi32>
        %bitcast_convert_type3A_541 = tpu.bitcast %get3A_539 : vector<16xf32> -> vector<16xi32>
        %shift_left3A_542 = arith.constant 16 : i32
        %shift_left3A_543 = vector.broadcast %shift_left3A_542 : i32 to vector<16xi32>
        %shift_left3A_544 = arith.shli %bitcast_convert_type3A_540, %shift_left3A_543 : vector<16xi32>
        %bitcast_convert_type3A_545 = tpu.bitcast %shift_left3A_544 : vector<16xi32> -> vector<16xf32>
        %add3A_546 = arith.addf %add3A_524, %bitcast_convert_type3A_545 : vector<16xf32>
        %shift_left3A_547 = arith.constant 16 : i32
        %shift_left3A_548 = vector.broadcast %shift_left3A_547 : i32 to vector<16xi32>
        %shift_left3A_549 = arith.shli %bitcast_convert_type3A_541, %shift_left3A_548 : vector<16xi32>
        %bitcast_convert_type3A_550 = tpu.bitcast %shift_left3A_549 : vector<16xi32> -> vector<16xf32>
        %add3A_551 = arith.addf %add3A_529, %bitcast_convert_type3A_550 : vector<16xf32>
        %add3A_552 = arith.addf %add3A_530, %get3A_536 : vector<16xf32>
        %add3A_553 = arith.addf %add3A_531, %get3A_539 : vector<16xf32>
        %scan3A_554 = arith.constant 6 : i32
        %scan3A_555 = arith.addi %scan3A_422, %scan3A_554 : i32
        %get3A_556 = arith.index_cast %scan3A_555 : i32 to index
        %get3A_557 = arith.constant 0 : index
        %get3A_558 = tpu.vector_load %arg13[%get3A_556, %get3A_557] {strides = array<i32>} : memref<200x32xf32, #tpu.memory_space<vmem>>, vector<16xf32>,
        %get3A_559 = arith.index_cast %scan3A_555 : i32 to index
        %get3A_560 = arith.constant 16 : index
        %get3A_561 = tpu.vector_load %arg13[%get3A_559, %get3A_560] {strides = array<i32>} : memref<200x32xf32, #tpu.memory_space<vmem>>, vector<16xf32>,
        %bitcast_convert_type3A_562 = tpu.bitcast %get3A_558 : vector<16xf32> -> vector<16xi32>
        %bitcast_convert_type3A_563 = tpu.bitcast %get3A_561 : vector<16xf32> -> vector<16xi32>
        %shift_left3A_564 = arith.constant 16 : i32
        %shift_left3A_565 = vector.broadcast %shift_left3A_564 : i32 to vector<16xi32>
        %shift_left3A_566 = arith.shli %bitcast_convert_type3A_562, %shift_left3A_565 : vector<16xi32>
        %bitcast_convert_type3A_567 = tpu.bitcast %shift_left3A_566 : vector<16xi32> -> vector<16xf32>
        %add3A_568 = arith.addf %add3A_546, %bitcast_convert_type3A_567 : vector<16xf32>
        %shift_left3A_569 = arith.constant 16 : i32
        %shift_left3A_570 = vector.broadcast %shift_left3A_569 : i32 to vector<16xi32>
        %shift_left3A_571 = arith.shli %bitcast_convert_type3A_563, %shift_left3A_570 : vector<16xi32>
        %bitcast_convert_type3A_572 = tpu.bitcast %shift_left3A_571 : vector<16xi32> -> vector<16xf32>
        %add3A_573 = arith.addf %add3A_551, %bitcast_convert_type3A_572 : vector<16xf32>
        %add3A_574 = arith.addf %add3A_552, %get3A_558 : vector<16xf32>
        %add3A_575 = arith.addf %add3A_553, %get3A_561 : vector<16xf32>
        %scan3A_576 = arith.constant 7 : i32
        %scan3A_577 = arith.addi %scan3A_422, %scan3A_576 : i32
        %get3A_578 = arith.index_cast %scan3A_577 : i32 to index
        %get3A_579 = arith.constant 0 : index
        %get3A_580 = tpu.vector_load %arg13[%get3A_578, %get3A_579] {strides = array<i32>} : memref<200x32xf32, #tpu.memory_space<vmem>>, vector<16xf32>,
        %get3A_581 = arith.index_cast %scan3A_577 : i32 to index
        %get3A_582 = arith.constant 16 : index
        %get3A_583 = tpu.vector_load %arg13[%get3A_581, %get3A_582] {strides = array<i32>} : memref<200x32xf32, #tpu.memory_space<vmem>>, vector<16xf32>,
        %bitcast_convert_type3A_584 = tpu.bitcast %get3A_580 : vector<16xf32> -> vector<16xi32>
        %bitcast_convert_type3A_585 = tpu.bitcast %get3A_583 : vector<16xf32> -> vector<16xi32>
        %shift_left3A_586 = arith.constant 16 : i32
        %shift_left3A_587 = vector.broadcast %shift_left3A_586 : i32 to vector<16xi32>
        %shift_left3A_588 = arith.shli %bitcast_convert_type3A_584, %shift_left3A_587 : vector<16xi32>
        %bitcast_convert_type3A_589 = tpu.bitcast %shift_left3A_588 : vector<16xi32> -> vector<16xf32>
        %add3A_590 = arith.addf %add3A_568, %bitcast_convert_type3A_589 : vector<16xf32>
        %shift_left3A_591 = arith.constant 16 : i32
        %shift_left3A_592 = vector.broadcast %shift_left3A_591 : i32 to vector<16xi32>
        %shift_left3A_593 = arith.shli %bitcast_convert_type3A_585, %shift_left3A_592 : vector<16xi32>
        %bitcast_convert_type3A_594 = tpu.bitcast %shift_left3A_593 : vector<16xi32> -> vector<16xf32>
        %add3A_595 = arith.addf %add3A_573, %bitcast_convert_type3A_594 : vector<16xf32>
        %add3A_596 = arith.addf %add3A_574, %get3A_580 : vector<16xf32>
        %add3A_597 = arith.addf %add3A_575, %get3A_583 : vector<16xf32>
        scf.yield %add3A_590, %add3A_595, %add3A_596, %add3A_597 : vector<16xf32>, vector<16xf32>, vector<16xf32>, vector<16xf32>
      }
      %scan3A_374 = arith.constant 200 : i32
      %swap3A_375 = arith.index_cast %add3A_353 : i32 to index
      %swap3A_376 = arith.constant 0 : index
      %swap3A_377 = tpu.vector_load %arg15[%swap3A_375, %swap3A_376] {strides = array<i32>} : memref<128x64xf32, #tpu.memory_space<vmem>>, vector<16xf32>,
      tpu.vector_store %arg15[%swap3A_375, %swap3A_376], %scan3A_373#0 {strides = array<i32>} : memref<128x64xf32, #tpu.memory_space<vmem>>, vector<16xf32>,
      %swap3A_378 = arith.index_cast %add3A_353 : i32 to index
      %swap3A_379 = arith.constant 16 : index
      %swap3A_380 = tpu.vector_load %arg15[%swap3A_378, %swap3A_379] {strides = array<i32>} : memref<128x64xf32, #tpu.memory_space<vmem>>, vector<16xf32>,
      tpu.vector_store %arg15[%swap3A_378, %swap3A_379], %scan3A_373#1 {strides = array<i32>} : memref<128x64xf32, #tpu.memory_space<vmem>>, vector<16xf32>,
      %swap3A_381 = arith.index_cast %add3A_353 : i32 to index
      %swap3A_382 = arith.constant 32 : index
      %swap3A_383 = tpu.vector_load %arg15[%swap3A_381, %swap3A_382] {strides = array<i32>} : memref<128x64xf32, #tpu.memory_space<vmem>>, vector<16xf32>,
      tpu.vector_store %arg15[%swap3A_381, %swap3A_382], %scan3A_373#2 {strides = array<i32>} : memref<128x64xf32, #tpu.memory_space<vmem>>, vector<16xf32>,
      %swap3A_384 = arith.index_cast %add3A_353 : i32 to index
      %swap3A_385 = arith.constant 48 : index
      %swap3A_386 = tpu.vector_load %arg15[%swap3A_384, %swap3A_385] {strides = array<i32>} : memref<128x64xf32, #tpu.memory_space<vmem>>, vector<16xf32>,
      tpu.vector_store %arg15[%swap3A_384, %swap3A_385], %scan3A_373#3 {strides = array<i32>} : memref<128x64xf32, #tpu.memory_space<vmem>>, vector<16xf32>,
      %add3A_387 = arith.constant 7 : i32
      %add3A_388 = arith.addi %add3A_147, %add3A_387 : i32
      %add3A_389 = arith.constant 7 : i32
      %add3A_390 = arith.addi %add3A_388, %add3A_389 : i32
      %lt3A_391 = arith.constant 128 : i32
      %lt3A_392 = arith.cmpi slt, %add3A_390, %lt3A_391 : i32
      %convert_element_type3A_393 = arith.extui %lt3A_392 : i1 to i32
      %cond3A_394 = arith.constant 0 : i32
      %cond3A_395 = arith.cmpi ne, %convert_element_type3A_393, %cond3A_394 : i32
      scf.if %cond3A_395 {
        %mul3A_422 = arith.constant 200 : i32
        %mul3A_423 = arith.muli %add3A_390, %mul3A_422 : i32
        %multiple_of3A_424 = tpu.assume_multiple %mul3A_423, 8 : i32
        %dma_start3A_425 = arith.constant 0 : i32
        %dma_start3A_426 = arith.constant 0 : i32
        %dma_start3A_427 = tpu.memref_slice %arg13[%dma_start3A_425, %dma_start3A_426] : memref<200x32xf32, #tpu.memory_space<vmem>> -> memref<128x32xf32, #tpu.memory_space<vmem>>
        %dma_start3A_428 = tpu.memref_slice %arg6[%multiple_of3A_424] : memref<25600xi32, #tpu.memory_space<vmem>> -> memref<128xi32, #tpu.memory_space<vmem>>
        %dma_start3A_429 = arith.constant 0 : i32
        %dma_start3A_430 = arith.constant 0 : i32
        %dma_start3A_431 = tpu.memref_slice %arg2[%dma_start3A_429, %dma_start3A_430] : memref<1015808x32xf32, #tpu.memory_space<hbm>> -> memref<1015808x32xf32, #tpu.memory_space<hbm>>
        tpu.enqueue_indirect_dma source(%dma_start3A_431 : memref<1015808x32xf32, #tpu.memory_space<hbm>>) target(%dma_start3A_427 : memref<128x32xf32, #tpu.memory_space<vmem>>) offsets(%dma_start3A_428 : memref<128xi32, #tpu.memory_space<vmem>>) semaphore(%arg22 : memref<!tpu.dma_semaphore, #tpu.memory_space<semaphore_mem>>)
        %mul3A_432 = arith.constant 200 : i32
        %mul3A_433 = arith.muli %add3A_390, %mul3A_432 : i32
        %add3A_434 = arith.constant 128 : i32
        %add3A_435 = arith.addi %mul3A_433, %add3A_434 : i32
        %multiple_of3A_436 = tpu.assume_multiple %add3A_435, 8 : i32
        %dma_start3A_437 = arith.constant 128 : i32
        %dma_start3A_438 = arith.constant 0 : i32
        %dma_start3A_439 = tpu.memref_slice %arg13[%dma_start3A_437, %dma_start3A_438] : memref<200x32xf32, #tpu.memory_space<vmem>> -> memref<72x32xf32, #tpu.memory_space<vmem>>
        %dma_start3A_440 = tpu.memref_slice %arg6[%multiple_of3A_436] : memref<25600xi32, #tpu.memory_space<vmem>> -> memref<72xi32, #tpu.memory_space<vmem>>
        %dma_start3A_441 = arith.constant 0 : i32
        %dma_start3A_442 = arith.constant 0 : i32
        %dma_start3A_443 = tpu.memref_slice %arg2[%dma_start3A_441, %dma_start3A_442] : memref<1015808x32xf32, #tpu.memory_space<hbm>> -> memref<1015808x32xf32, #tpu.memory_space<hbm>>
        tpu.enqueue_indirect_dma source(%dma_start3A_443 : memref<1015808x32xf32, #tpu.memory_space<hbm>>) target(%dma_start3A_439 : memref<72x32xf32, #tpu.memory_space<vmem>>) offsets(%dma_start3A_440 : memref<72xi32, #tpu.memory_space<vmem>>) semaphore(%arg22 : memref<!tpu.dma_semaphore, #tpu.memory_space<semaphore_mem>>)
      } else {
      }
      %dma_wait3A_396 = arith.constant 0 : i32
      %dma_wait3A_397 = arith.constant 0 : i32
      %dma_wait3A_398 = tpu.memref_slice %arg2[%dma_wait3A_396, %dma_wait3A_397] : memref<1015808x32xf32, #tpu.memory_space<hbm>> -> memref<200x32xf32, #tpu.memory_space<hbm>>
      %dma_wait3A_399 = arith.constant 0 : i32
      %dma_wait3A_400 = arith.constant 0 : i32
      %dma_wait3A_401 = tpu.memref_slice %arg2[%dma_wait3A_399, %dma_wait3A_400] : memref<1015808x32xf32, #tpu.memory_space<hbm>> -> memref<200x32xf32, #tpu.memory_space<hbm>>
      tpu.wait_dma2 semaphore(%arg23 : memref<!tpu.dma_semaphore, #tpu.memory_space<semaphore_mem>>) src(%dma_wait3A_401 : memref<200x32xf32, #tpu.memory_space<hbm>>) dst(%arg14 : memref<200x32xf32, #tpu.memory_space<vmem>>)
      %broadcast_in_dim3A_402 = arith.constant 0.000000e+00 : f32
      %broadcast_in_dim3A_403 = vector.broadcast %broadcast_in_dim3A_402 : f32 to vector<16xf32>
      %scan3A_404 = arith.constant 0 : i32
      %scan3A_405 = arith.constant 200 : i32
      %scan3A_406 = arith.addi %scan3A_404, %scan3A_405 : i32
      %scan3A_407 = arith.constant 8 : i32
      %scan3A_408:4 = scf.for %scan3A_422 = %scan3A_404 to %scan3A_406 step %scan3A_407 iter_args(%scan3A_423 = %broadcast_in_dim3A_403, %scan3A_424 = %broadcast_in_dim3A_403, %scan3A_425 = %broadcast_in_dim3A_403, %scan3A_426 = %broadcast_in_dim3A_403) -> (vector<16xf32>, vector<16xf32>, vector<16xf32>, vector<16xf32>)  : i32 {
        %get3A = arith.index_cast %scan3A_422 : i32 to index
        %get3A_427 = arith.constant 0 : index
        %get3A_428 = tpu.vector_load %arg14[%get3A, %get3A_427] {strides = array<i32>} : memref<200x32xf32, #tpu.memory_space<vmem>>, vector<16xf32>,
        %get3A_429 = arith.index_cast %scan3A_422 : i32 to index
        %get3A_430 = arith.constant 16 : index
        %get3A_431 = tpu.vector_load %arg14[%get3A_429, %get3A_430] {strides = array<i32>} : memref<200x32xf32, #tpu.memory_space<vmem>>, vector<16xf32>,
        %bitcast_convert_type3A = tpu.bitcast %get3A_428 : vector<16xf32> -> vector<16xi32>
        %bitcast_convert_type3A_432 = tpu.bitcast %get3A_431 : vector<16xf32> -> vector<16xi32>
        %shift_left3A = arith.constant 16 : i32
        %shift_left3A_433 = vector.broadcast %shift_left3A : i32 to vector<16xi32>
        %shift_left3A_434 = arith.shli %bitcast_convert_type3A, %shift_left3A_433 : vector<16xi32>
        %bitcast_convert_type3A_435 = tpu.bitcast %shift_left3A_434 : vector<16xi32> -> vector<16xf32>
        %add3A_436 = arith.addf %scan3A_423, %bitcast_convert_type3A_435 : vector<16xf32>
        %shift_left3A_437 = arith.constant 16 : i32
        %shift_left3A_438 = vector.broadcast %shift_left3A_437 : i32 to vector<16xi32>
        %shift_left3A_439 = arith.shli %bitcast_convert_type3A_432, %shift_left3A_438 : vector<16xi32>
        %bitcast_convert_type3A_440 = tpu.bitcast %shift_left3A_439 : vector<16xi32> -> vector<16xf32>
        %add3A_441 = arith.addf %scan3A_424, %bitcast_convert_type3A_440 : vector<16xf32>
        %add3A_442 = arith.addf %scan3A_425, %get3A_428 : vector<16xf32>
        %add3A_443 = arith.addf %scan3A_426, %get3A_431 : vector<16xf32>
        %scan3A_444 = arith.constant 1 : i32
        %scan3A_445 = arith.addi %scan3A_422, %scan3A_444 : i32
        %get3A_446 = arith.index_cast %scan3A_445 : i32 to index
        %get3A_447 = arith.constant 0 : index
        %get3A_448 = tpu.vector_load %arg14[%get3A_446, %get3A_447] {strides = array<i32>} : memref<200x32xf32, #tpu.memory_space<vmem>>, vector<16xf32>,
        %get3A_449 = arith.index_cast %scan3A_445 : i32 to index
        %get3A_450 = arith.constant 16 : index
        %get3A_451 = tpu.vector_load %arg14[%get3A_449, %get3A_450] {strides = array<i32>} : memref<200x32xf32, #tpu.memory_space<vmem>>, vector<16xf32>,
        %bitcast_convert_type3A_452 = tpu.bitcast %get3A_448 : vector<16xf32> -> vector<16xi32>
        %bitcast_convert_type3A_453 = tpu.bitcast %get3A_451 : vector<16xf32> -> vector<16xi32>
        %shift_left3A_454 = arith.constant 16 : i32
        %shift_left3A_455 = vector.broadcast %shift_left3A_454 : i32 to vector<16xi32>
        %shift_left3A_456 = arith.shli %bitcast_convert_type3A_452, %shift_left3A_455 : vector<16xi32>
        %bitcast_convert_type3A_457 = tpu.bitcast %shift_left3A_456 : vector<16xi32> -> vector<16xf32>
        %add3A_458 = arith.addf %add3A_436, %bitcast_convert_type3A_457 : vector<16xf32>
        %shift_left3A_459 = arith.constant 16 : i32
        %shift_left3A_460 = vector.broadcast %shift_left3A_459 : i32 to vector<16xi32>
        %shift_left3A_461 = arith.shli %bitcast_convert_type3A_453, %shift_left3A_460 : vector<16xi32>
        %bitcast_convert_type3A_462 = tpu.bitcast %shift_left3A_461 : vector<16xi32> -> vector<16xf32>
        %add3A_463 = arith.addf %add3A_441, %bitcast_convert_type3A_462 : vector<16xf32>
        %add3A_464 = arith.addf %add3A_442, %get3A_448 : vector<16xf32>
        %add3A_465 = arith.addf %add3A_443, %get3A_451 : vector<16xf32>
        %scan3A_466 = arith.constant 2 : i32
        %scan3A_467 = arith.addi %scan3A_422, %scan3A_466 : i32
        %get3A_468 = arith.index_cast %scan3A_467 : i32 to index
        %get3A_469 = arith.constant 0 : index
        %get3A_470 = tpu.vector_load %arg14[%get3A_468, %get3A_469] {strides = array<i32>} : memref<200x32xf32, #tpu.memory_space<vmem>>, vector<16xf32>,
        %get3A_471 = arith.index_cast %scan3A_467 : i32 to index
        %get3A_472 = arith.constant 16 : index
        %get3A_473 = tpu.vector_load %arg14[%get3A_471, %get3A_472] {strides = array<i32>} : memref<200x32xf32, #tpu.memory_space<vmem>>, vector<16xf32>,
        %bitcast_convert_type3A_474 = tpu.bitcast %get3A_470 : vector<16xf32> -> vector<16xi32>
        %bitcast_convert_type3A_475 = tpu.bitcast %get3A_473 : vector<16xf32> -> vector<16xi32>
        %shift_left3A_476 = arith.constant 16 : i32
        %shift_left3A_477 = vector.broadcast %shift_left3A_476 : i32 to vector<16xi32>
        %shift_left3A_478 = arith.shli %bitcast_convert_type3A_474, %shift_left3A_477 : vector<16xi32>
        %bitcast_convert_type3A_479 = tpu.bitcast %shift_left3A_478 : vector<16xi32> -> vector<16xf32>
        %add3A_480 = arith.addf %add3A_458, %bitcast_convert_type3A_479 : vector<16xf32>
        %shift_left3A_481 = arith.constant 16 : i32
        %shift_left3A_482 = vector.broadcast %shift_left3A_481 : i32 to vector<16xi32>
        %shift_left3A_483 = arith.shli %bitcast_convert_type3A_475, %shift_left3A_482 : vector<16xi32>
        %bitcast_convert_type3A_484 = tpu.bitcast %shift_left3A_483 : vector<16xi32> -> vector<16xf32>
        %add3A_485 = arith.addf %add3A_463, %bitcast_convert_type3A_484 : vector<16xf32>
        %add3A_486 = arith.addf %add3A_464, %get3A_470 : vector<16xf32>
        %add3A_487 = arith.addf %add3A_465, %get3A_473 : vector<16xf32>
        %scan3A_488 = arith.constant 3 : i32
        %scan3A_489 = arith.addi %scan3A_422, %scan3A_488 : i32
        %get3A_490 = arith.index_cast %scan3A_489 : i32 to index
        %get3A_491 = arith.constant 0 : index
        %get3A_492 = tpu.vector_load %arg14[%get3A_490, %get3A_491] {strides = array<i32>} : memref<200x32xf32, #tpu.memory_space<vmem>>, vector<16xf32>,
        %get3A_493 = arith.index_cast %scan3A_489 : i32 to index
        %get3A_494 = arith.constant 16 : index
        %get3A_495 = tpu.vector_load %arg14[%get3A_493, %get3A_494] {strides = array<i32>} : memref<200x32xf32, #tpu.memory_space<vmem>>, vector<16xf32>,
        %bitcast_convert_type3A_496 = tpu.bitcast %get3A_492 : vector<16xf32> -> vector<16xi32>
        %bitcast_convert_type3A_497 = tpu.bitcast %get3A_495 : vector<16xf32> -> vector<16xi32>
        %shift_left3A_498 = arith.constant 16 : i32
        %shift_left3A_499 = vector.broadcast %shift_left3A_498 : i32 to vector<16xi32>
        %shift_left3A_500 = arith.shli %bitcast_convert_type3A_496, %shift_left3A_499 : vector<16xi32>
        %bitcast_convert_type3A_501 = tpu.bitcast %shift_left3A_500 : vector<16xi32> -> vector<16xf32>
        %add3A_502 = arith.addf %add3A_480, %bitcast_convert_type3A_501 : vector<16xf32>
        %shift_left3A_503 = arith.constant 16 : i32
        %shift_left3A_504 = vector.broadcast %shift_left3A_503 : i32 to vector<16xi32>
        %shift_left3A_505 = arith.shli %bitcast_convert_type3A_497, %shift_left3A_504 : vector<16xi32>
        %bitcast_convert_type3A_506 = tpu.bitcast %shift_left3A_505 : vector<16xi32> -> vector<16xf32>
        %add3A_507 = arith.addf %add3A_485, %bitcast_convert_type3A_506 : vector<16xf32>
        %add3A_508 = arith.addf %add3A_486, %get3A_492 : vector<16xf32>
        %add3A_509 = arith.addf %add3A_487, %get3A_495 : vector<16xf32>
        %scan3A_510 = arith.constant 4 : i32
        %scan3A_511 = arith.addi %scan3A_422, %scan3A_510 : i32
        %get3A_512 = arith.index_cast %scan3A_511 : i32 to index
        %get3A_513 = arith.constant 0 : index
        %get3A_514 = tpu.vector_load %arg14[%get3A_512, %get3A_513] {strides = array<i32>} : memref<200x32xf32, #tpu.memory_space<vmem>>, vector<16xf32>,
        %get3A_515 = arith.index_cast %scan3A_511 : i32 to index
        %get3A_516 = arith.constant 16 : index
        %get3A_517 = tpu.vector_load %arg14[%get3A_515, %get3A_516] {strides = array<i32>} : memref<200x32xf32, #tpu.memory_space<vmem>>, vector<16xf32>,
        %bitcast_convert_type3A_518 = tpu.bitcast %get3A_514 : vector<16xf32> -> vector<16xi32>
        %bitcast_convert_type3A_519 = tpu.bitcast %get3A_517 : vector<16xf32> -> vector<16xi32>
        %shift_left3A_520 = arith.constant 16 : i32
        %shift_left3A_521 = vector.broadcast %shift_left3A_520 : i32 to vector<16xi32>
        %shift_left3A_522 = arith.shli %bitcast_convert_type3A_518, %shift_left3A_521 : vector<16xi32>
        %bitcast_convert_type3A_523 = tpu.bitcast %shift_left3A_522 : vector<16xi32> -> vector<16xf32>
        %add3A_524 = arith.addf %add3A_502, %bitcast_convert_type3A_523 : vector<16xf32>
        %shift_left3A_525 = arith.constant 16 : i32
        %shift_left3A_526 = vector.broadcast %shift_left3A_525 : i32 to vector<16xi32>
        %shift_left3A_527 = arith.shli %bitcast_convert_type3A_519, %shift_left3A_526 : vector<16xi32>
        %bitcast_convert_type3A_528 = tpu.bitcast %shift_left3A_527 : vector<16xi32> -> vector<16xf32>
        %add3A_529 = arith.addf %add3A_507, %bitcast_convert_type3A_528 : vector<16xf32>
        %add3A_530 = arith.addf %add3A_508, %get3A_514 : vector<16xf32>
        %add3A_531 = arith.addf %add3A_509, %get3A_517 : vector<16xf32>
        %scan3A_532 = arith.constant 5 : i32
        %scan3A_533 = arith.addi %scan3A_422, %scan3A_532 : i32
        %get3A_534 = arith.index_cast %scan3A_533 : i32 to index
        %get3A_535 = arith.constant 0 : index
        %get3A_536 = tpu.vector_load %arg14[%get3A_534, %get3A_535] {strides = array<i32>} : memref<200x32xf32, #tpu.memory_space<vmem>>, vector<16xf32>,
        %get3A_537 = arith.index_cast %scan3A_533 : i32 to index
        %get3A_538 = arith.constant 16 : index
        %get3A_539 = tpu.vector_load %arg14[%get3A_537, %get3A_538] {strides = array<i32>} : memref<200x32xf32, #tpu.memory_space<vmem>>, vector<16xf32>,
        %bitcast_convert_type3A_540 = tpu.bitcast %get3A_536 : vector<16xf32> -> vector<16xi32>
        %bitcast_convert_type3A_541 = tpu.bitcast %get3A_539 : vector<16xf32> -> vector<16xi32>
        %shift_left3A_542 = arith.constant 16 : i32
        %shift_left3A_543 = vector.broadcast %shift_left3A_542 : i32 to vector<16xi32>
        %shift_left3A_544 = arith.shli %bitcast_convert_type3A_540, %shift_left3A_543 : vector<16xi32>
        %bitcast_convert_type3A_545 = tpu.bitcast %shift_left3A_544 : vector<16xi32> -> vector<16xf32>
        %add3A_546 = arith.addf %add3A_524, %bitcast_convert_type3A_545 : vector<16xf32>
        %shift_left3A_547 = arith.constant 16 : i32
        %shift_left3A_548 = vector.broadcast %shift_left3A_547 : i32 to vector<16xi32>
        %shift_left3A_549 = arith.shli %bitcast_convert_type3A_541, %shift_left3A_548 : vector<16xi32>
        %bitcast_convert_type3A_550 = tpu.bitcast %shift_left3A_549 : vector<16xi32> -> vector<16xf32>
        %add3A_551 = arith.addf %add3A_529, %bitcast_convert_type3A_550 : vector<16xf32>
        %add3A_552 = arith.addf %add3A_530, %get3A_536 : vector<16xf32>
        %add3A_553 = arith.addf %add3A_531, %get3A_539 : vector<16xf32>
        %scan3A_554 = arith.constant 6 : i32
        %scan3A_555 = arith.addi %scan3A_422, %scan3A_554 : i32
        %get3A_556 = arith.index_cast %scan3A_555 : i32 to index
        %get3A_557 = arith.constant 0 : index
        %get3A_558 = tpu.vector_load %arg14[%get3A_556, %get3A_557] {strides = array<i32>} : memref<200x32xf32, #tpu.memory_space<vmem>>, vector<16xf32>,
        %get3A_559 = arith.index_cast %scan3A_555 : i32 to index
        %get3A_560 = arith.constant 16 : index
        %get3A_561 = tpu.vector_load %arg14[%get3A_559, %get3A_560] {strides = array<i32>} : memref<200x32xf32, #tpu.memory_space<vmem>>, vector<16xf32>,
        %bitcast_convert_type3A_562 = tpu.bitcast %get3A_558 : vector<16xf32> -> vector<16xi32>
        %bitcast_convert_type3A_563 = tpu.bitcast %get3A_561 : vector<16xf32> -> vector<16xi32>
        %shift_left3A_564 = arith.constant 16 : i32
        %shift_left3A_565 = vector.broadcast %shift_left3A_564 : i32 to vector<16xi32>
        %shift_left3A_566 = arith.shli %bitcast_convert_type3A_562, %shift_left3A_565 : vector<16xi32>
        %bitcast_convert_type3A_567 = tpu.bitcast %shift_left3A_566 : vector<16xi32> -> vector<16xf32>
        %add3A_568 = arith.addf %add3A_546, %bitcast_convert_type3A_567 : vector<16xf32>
        %shift_left3A_569 = arith.constant 16 : i32
        %shift_left3A_570 = vector.broadcast %shift_left3A_569 : i32 to vector<16xi32>
        %shift_left3A_571 = arith.shli %bitcast_convert_type3A_563, %shift_left3A_570 : vector<16xi32>
        %bitcast_convert_type3A_572 = tpu.bitcast %shift_left3A_571 : vector<16xi32> -> vector<16xf32>
        %add3A_573 = arith.addf %add3A_551, %bitcast_convert_type3A_572 : vector<16xf32>
        %add3A_574 = arith.addf %add3A_552, %get3A_558 : vector<16xf32>
        %add3A_575 = arith.addf %add3A_553, %get3A_561 : vector<16xf32>
        %scan3A_576 = arith.constant 7 : i32
        %scan3A_577 = arith.addi %scan3A_422, %scan3A_576 : i32
        %get3A_578 = arith.index_cast %scan3A_577 : i32 to index
        %get3A_579 = arith.constant 0 : index
        %get3A_580 = tpu.vector_load %arg14[%get3A_578, %get3A_579] {strides = array<i32>} : memref<200x32xf32, #tpu.memory_space<vmem>>, vector<16xf32>,
        %get3A_581 = arith.index_cast %scan3A_577 : i32 to index
        %get3A_582 = arith.constant 16 : index
        %get3A_583 = tpu.vector_load %arg14[%get3A_581, %get3A_582] {strides = array<i32>} : memref<200x32xf32, #tpu.memory_space<vmem>>, vector<16xf32>,
        %bitcast_convert_type3A_584 = tpu.bitcast %get3A_580 : vector<16xf32> -> vector<16xi32>
        %bitcast_convert_type3A_585 = tpu.bitcast %get3A_583 : vector<16xf32> -> vector<16xi32>
        %shift_left3A_586 = arith.constant 16 : i32
        %shift_left3A_587 = vector.broadcast %shift_left3A_586 : i32 to vector<16xi32>
        %shift_left3A_588 = arith.shli %bitcast_convert_type3A_584, %shift_left3A_587 : vector<16xi32>
        %bitcast_convert_type3A_589 = tpu.bitcast %shift_left3A_588 : vector<16xi32> -> vector<16xf32>
        %add3A_590 = arith.addf %add3A_568, %bitcast_convert_type3A_589 : vector<16xf32>
        %shift_left3A_591 = arith.constant 16 : i32
        %shift_left3A_592 = vector.broadcast %shift_left3A_591 : i32 to vector<16xi32>
        %shift_left3A_593 = arith.shli %bitcast_convert_type3A_585, %shift_left3A_592 : vector<16xi32>
        %bitcast_convert_type3A_594 = tpu.bitcast %shift_left3A_593 : vector<16xi32> -> vector<16xf32>
        %add3A_595 = arith.addf %add3A_573, %bitcast_convert_type3A_594 : vector<16xf32>
        %add3A_596 = arith.addf %add3A_574, %get3A_580 : vector<16xf32>
        %add3A_597 = arith.addf %add3A_575, %get3A_583 : vector<16xf32>
        scf.yield %add3A_590, %add3A_595, %add3A_596, %add3A_597 : vector<16xf32>, vector<16xf32>, vector<16xf32>, vector<16xf32>
      }
      %scan3A_409 = arith.constant 200 : i32
      %swap3A_410 = arith.index_cast %add3A_388 : i32 to index
      %swap3A_411 = arith.constant 0 : index
      %swap3A_412 = tpu.vector_load %arg15[%swap3A_410, %swap3A_411] {strides = array<i32>} : memref<128x64xf32, #tpu.memory_space<vmem>>, vector<16xf32>,
      tpu.vector_store %arg15[%swap3A_410, %swap3A_411], %scan3A_408#0 {strides = array<i32>} : memref<128x64xf32, #tpu.memory_space<vmem>>, vector<16xf32>,
      %swap3A_413 = arith.index_cast %add3A_388 : i32 to index
      %swap3A_414 = arith.constant 16 : index
      %swap3A_415 = tpu.vector_load %arg15[%swap3A_413, %swap3A_414] {strides = array<i32>} : memref<128x64xf32, #tpu.memory_space<vmem>>, vector<16xf32>,
      tpu.vector_store %arg15[%swap3A_413, %swap3A_414], %scan3A_408#1 {strides = array<i32>} : memref<128x64xf32, #tpu.memory_space<vmem>>, vector<16xf32>,
      %swap3A_416 = arith.index_cast %add3A_388 : i32 to index
      %swap3A_417 = arith.constant 32 : index
      %swap3A_418 = tpu.vector_load %arg15[%swap3A_416, %swap3A_417] {strides = array<i32>} : memref<128x64xf32, #tpu.memory_space<vmem>>, vector<16xf32>,
      tpu.vector_store %arg15[%swap3A_416, %swap3A_417], %scan3A_408#2 {strides = array<i32>} : memref<128x64xf32, #tpu.memory_space<vmem>>, vector<16xf32>,
      %swap3A_419 = arith.index_cast %add3A_388 : i32 to index
      %swap3A_420 = arith.constant 48 : index
      %swap3A_421 = tpu.vector_load %arg15[%swap3A_419, %swap3A_420] {strides = array<i32>} : memref<128x64xf32, #tpu.memory_space<vmem>>, vector<16xf32>,
      tpu.vector_store %arg15[%swap3A_419, %swap3A_420], %scan3A_408#3 {strides = array<i32>} : memref<128x64xf32, #tpu.memory_space<vmem>>, vector<16xf32>,
    }
    %scan3A_139 = arith.constant 16 : i32
    %mul3A_140 = arith.constant 128 : i32
    %mul3A_141 = arith.muli %add3A, %mul3A_140 : i32
    %multiple_of3A_142 = tpu.assume_multiple %mul3A_141, 8 : i32
    "tpu.region"() ({
      %run_scoped3A = tpu.sem_alloc : memref<!tpu.dma_semaphore, #tpu.memory_space<semaphore_mem>>
      %dma_start3A_143 = arith.constant 0 : i32
      %dma_start3A_144 = tpu.memref_slice %arg4[%multiple_of3A_142, %dma_start3A_143] : memref<4096x64xf32, #tpu.memory_space<hbm>> -> memref<128x64xf32, #tpu.memory_space<hbm>>
      %dma_start3A_145 = arith.constant 0 : i32
      %dma_start3A_146 = tpu.memref_slice %arg4[%multiple_of3A_142, %dma_start3A_145] : memref<4096x64xf32, #tpu.memory_space<hbm>> -> memref<128x64xf32, #tpu.memory_space<hbm>>
      tpu.enqueue_dma source(%arg15 : memref<128x64xf32, #tpu.memory_space<vmem>>) target(%dma_start3A_146 : memref<128x64xf32, #tpu.memory_space<hbm>>) target_semaphore(%run_scoped3A : memref<!tpu.dma_semaphore, #tpu.memory_space<semaphore_mem>>)
      %dma_wait3A = arith.constant 0 : i32
      %dma_wait3A_147 = tpu.memref_slice %arg4[%multiple_of3A_142, %dma_wait3A] : memref<4096x64xf32, #tpu.memory_space<hbm>> -> memref<128x64xf32, #tpu.memory_space<hbm>>
      %dma_wait3A_148 = arith.constant 0 : i32
      %dma_wait3A_149 = tpu.memref_slice %arg4[%multiple_of3A_142, %dma_wait3A_148] : memref<4096x64xf32, #tpu.memory_space<hbm>> -> memref<128x64xf32, #tpu.memory_space<hbm>>
      tpu.wait_dma2 semaphore(%run_scoped3A : memref<!tpu.dma_semaphore, #tpu.memory_space<semaphore_mem>>) src(%arg15 : memref<128x64xf32, #tpu.memory_space<vmem>>) dst(%dma_wait3A_149 : memref<128x64xf32, #tpu.memory_space<hbm>>)
      tpu.yield
    }) : () -> ()
    return
  }
}

module attributes {stable_mosaic.version = 14 : i64} {
  func.func @_tok_body(%arg0: memref<200x4096xi32, #tpu.memory_space<vmem>>, %arg1: memref<6400x128xi32, #tpu.memory_space<vmem>>) attributes {dimension_semantics = [], scalar_prefetch = 0 : i64, scratch_operands = 0 : i64, tpu.core_type = #tpu.core_type<tc>} {
    %get3A = arith.constant 0 : index
    %get3A_0 = arith.constant 0 : index
    %get3A_1 = vector.load %arg0[%get3A, %get3A_0] : memref<200x4096xi32, #tpu.memory_space<vmem>>, vector<200x128xi32>
    %swap3A = arith.constant 0 : index
    %swap3A_2 = arith.constant 0 : index
    %swap3A_3 = vector.load %arg1[%swap3A, %swap3A_2] : memref<6400x128xi32, #tpu.memory_space<vmem>>, vector<200x128xi32>
    tpu.vector_store %arg1[%swap3A, %swap3A_2], %get3A_1 {strides = array<i32>} : memref<6400x128xi32, #tpu.memory_space<vmem>>, vector<200x128xi32>,
    %get3A_4 = arith.constant 0 : index
    %get3A_5 = arith.constant 128 : index
    %get3A_6 = vector.load %arg0[%get3A_4, %get3A_5] : memref<200x4096xi32, #tpu.memory_space<vmem>>, vector<200x128xi32>
    %swap3A_7 = arith.constant 200 : index
    %swap3A_8 = arith.constant 0 : index
    %swap3A_9 = vector.load %arg1[%swap3A_7, %swap3A_8] : memref<6400x128xi32, #tpu.memory_space<vmem>>, vector<200x128xi32>
    tpu.vector_store %arg1[%swap3A_7, %swap3A_8], %get3A_6 {strides = array<i32>} : memref<6400x128xi32, #tpu.memory_space<vmem>>, vector<200x128xi32>,
    %get3A_10 = arith.constant 0 : index
    %get3A_11 = arith.constant 256 : index
    %get3A_12 = vector.load %arg0[%get3A_10, %get3A_11] : memref<200x4096xi32, #tpu.memory_space<vmem>>, vector<200x128xi32>
    %swap3A_13 = arith.constant 400 : index
    %swap3A_14 = arith.constant 0 : index
    %swap3A_15 = vector.load %arg1[%swap3A_13, %swap3A_14] : memref<6400x128xi32, #tpu.memory_space<vmem>>, vector<200x128xi32>
    tpu.vector_store %arg1[%swap3A_13, %swap3A_14], %get3A_12 {strides = array<i32>} : memref<6400x128xi32, #tpu.memory_space<vmem>>, vector<200x128xi32>,
    %get3A_16 = arith.constant 0 : index
    %get3A_17 = arith.constant 384 : index
    %get3A_18 = vector.load %arg0[%get3A_16, %get3A_17] : memref<200x4096xi32, #tpu.memory_space<vmem>>, vector<200x128xi32>
    %swap3A_19 = arith.constant 600 : index
    %swap3A_20 = arith.constant 0 : index
    %swap3A_21 = vector.load %arg1[%swap3A_19, %swap3A_20] : memref<6400x128xi32, #tpu.memory_space<vmem>>, vector<200x128xi32>
    tpu.vector_store %arg1[%swap3A_19, %swap3A_20], %get3A_18 {strides = array<i32>} : memref<6400x128xi32, #tpu.memory_space<vmem>>, vector<200x128xi32>,
    %get3A_22 = arith.constant 0 : index
    %get3A_23 = arith.constant 512 : index
    %get3A_24 = vector.load %arg0[%get3A_22, %get3A_23] : memref<200x4096xi32, #tpu.memory_space<vmem>>, vector<200x128xi32>
    %swap3A_25 = arith.constant 800 : index
    %swap3A_26 = arith.constant 0 : index
    %swap3A_27 = vector.load %arg1[%swap3A_25, %swap3A_26] : memref<6400x128xi32, #tpu.memory_space<vmem>>, vector<200x128xi32>
    tpu.vector_store %arg1[%swap3A_25, %swap3A_26], %get3A_24 {strides = array<i32>} : memref<6400x128xi32, #tpu.memory_space<vmem>>, vector<200x128xi32>,
    %get3A_28 = arith.constant 0 : index
    %get3A_29 = arith.constant 640 : index
    %get3A_30 = vector.load %arg0[%get3A_28, %get3A_29] : memref<200x4096xi32, #tpu.memory_space<vmem>>, vector<200x128xi32>
    %swap3A_31 = arith.constant 1000 : index
    %swap3A_32 = arith.constant 0 : index
    %swap3A_33 = vector.load %arg1[%swap3A_31, %swap3A_32] : memref<6400x128xi32, #tpu.memory_space<vmem>>, vector<200x128xi32>
    tpu.vector_store %arg1[%swap3A_31, %swap3A_32], %get3A_30 {strides = array<i32>} : memref<6400x128xi32, #tpu.memory_space<vmem>>, vector<200x128xi32>,
    %get3A_34 = arith.constant 0 : index
    %get3A_35 = arith.constant 768 : index
    %get3A_36 = vector.load %arg0[%get3A_34, %get3A_35] : memref<200x4096xi32, #tpu.memory_space<vmem>>, vector<200x128xi32>
    %swap3A_37 = arith.constant 1200 : index
    %swap3A_38 = arith.constant 0 : index
    %swap3A_39 = vector.load %arg1[%swap3A_37, %swap3A_38] : memref<6400x128xi32, #tpu.memory_space<vmem>>, vector<200x128xi32>
    tpu.vector_store %arg1[%swap3A_37, %swap3A_38], %get3A_36 {strides = array<i32>} : memref<6400x128xi32, #tpu.memory_space<vmem>>, vector<200x128xi32>,
    %get3A_40 = arith.constant 0 : index
    %get3A_41 = arith.constant 896 : index
    %get3A_42 = vector.load %arg0[%get3A_40, %get3A_41] : memref<200x4096xi32, #tpu.memory_space<vmem>>, vector<200x128xi32>
    %swap3A_43 = arith.constant 1400 : index
    %swap3A_44 = arith.constant 0 : index
    %swap3A_45 = vector.load %arg1[%swap3A_43, %swap3A_44] : memref<6400x128xi32, #tpu.memory_space<vmem>>, vector<200x128xi32>
    tpu.vector_store %arg1[%swap3A_43, %swap3A_44], %get3A_42 {strides = array<i32>} : memref<6400x128xi32, #tpu.memory_space<vmem>>, vector<200x128xi32>,
    %get3A_46 = arith.constant 0 : index
    %get3A_47 = arith.constant 1024 : index
    %get3A_48 = vector.load %arg0[%get3A_46, %get3A_47] : memref<200x4096xi32, #tpu.memory_space<vmem>>, vector<200x128xi32>
    %swap3A_49 = arith.constant 1600 : index
    %swap3A_50 = arith.constant 0 : index
    %swap3A_51 = vector.load %arg1[%swap3A_49, %swap3A_50] : memref<6400x128xi32, #tpu.memory_space<vmem>>, vector<200x128xi32>
    tpu.vector_store %arg1[%swap3A_49, %swap3A_50], %get3A_48 {strides = array<i32>} : memref<6400x128xi32, #tpu.memory_space<vmem>>, vector<200x128xi32>,
    %get3A_52 = arith.constant 0 : index
    %get3A_53 = arith.constant 1152 : index
    %get3A_54 = vector.load %arg0[%get3A_52, %get3A_53] : memref<200x4096xi32, #tpu.memory_space<vmem>>, vector<200x128xi32>
    %swap3A_55 = arith.constant 1800 : index
    %swap3A_56 = arith.constant 0 : index
    %swap3A_57 = vector.load %arg1[%swap3A_55, %swap3A_56] : memref<6400x128xi32, #tpu.memory_space<vmem>>, vector<200x128xi32>
    tpu.vector_store %arg1[%swap3A_55, %swap3A_56], %get3A_54 {strides = array<i32>} : memref<6400x128xi32, #tpu.memory_space<vmem>>, vector<200x128xi32>,
    %get3A_58 = arith.constant 0 : index
    %get3A_59 = arith.constant 1280 : index
    %get3A_60 = vector.load %arg0[%get3A_58, %get3A_59] : memref<200x4096xi32, #tpu.memory_space<vmem>>, vector<200x128xi32>
    %swap3A_61 = arith.constant 2000 : index
    %swap3A_62 = arith.constant 0 : index
    %swap3A_63 = vector.load %arg1[%swap3A_61, %swap3A_62] : memref<6400x128xi32, #tpu.memory_space<vmem>>, vector<200x128xi32>
    tpu.vector_store %arg1[%swap3A_61, %swap3A_62], %get3A_60 {strides = array<i32>} : memref<6400x128xi32, #tpu.memory_space<vmem>>, vector<200x128xi32>,
    %get3A_64 = arith.constant 0 : index
    %get3A_65 = arith.constant 1408 : index
    %get3A_66 = vector.load %arg0[%get3A_64, %get3A_65] : memref<200x4096xi32, #tpu.memory_space<vmem>>, vector<200x128xi32>
    %swap3A_67 = arith.constant 2200 : index
    %swap3A_68 = arith.constant 0 : index
    %swap3A_69 = vector.load %arg1[%swap3A_67, %swap3A_68] : memref<6400x128xi32, #tpu.memory_space<vmem>>, vector<200x128xi32>
    tpu.vector_store %arg1[%swap3A_67, %swap3A_68], %get3A_66 {strides = array<i32>} : memref<6400x128xi32, #tpu.memory_space<vmem>>, vector<200x128xi32>,
    %get3A_70 = arith.constant 0 : index
    %get3A_71 = arith.constant 1536 : index
    %get3A_72 = vector.load %arg0[%get3A_70, %get3A_71] : memref<200x4096xi32, #tpu.memory_space<vmem>>, vector<200x128xi32>
    %swap3A_73 = arith.constant 2400 : index
    %swap3A_74 = arith.constant 0 : index
    %swap3A_75 = vector.load %arg1[%swap3A_73, %swap3A_74] : memref<6400x128xi32, #tpu.memory_space<vmem>>, vector<200x128xi32>
    tpu.vector_store %arg1[%swap3A_73, %swap3A_74], %get3A_72 {strides = array<i32>} : memref<6400x128xi32, #tpu.memory_space<vmem>>, vector<200x128xi32>,
    %get3A_76 = arith.constant 0 : index
    %get3A_77 = arith.constant 1664 : index
    %get3A_78 = vector.load %arg0[%get3A_76, %get3A_77] : memref<200x4096xi32, #tpu.memory_space<vmem>>, vector<200x128xi32>
    %swap3A_79 = arith.constant 2600 : index
    %swap3A_80 = arith.constant 0 : index
    %swap3A_81 = vector.load %arg1[%swap3A_79, %swap3A_80] : memref<6400x128xi32, #tpu.memory_space<vmem>>, vector<200x128xi32>
    tpu.vector_store %arg1[%swap3A_79, %swap3A_80], %get3A_78 {strides = array<i32>} : memref<6400x128xi32, #tpu.memory_space<vmem>>, vector<200x128xi32>,
    %get3A_82 = arith.constant 0 : index
    %get3A_83 = arith.constant 1792 : index
    %get3A_84 = vector.load %arg0[%get3A_82, %get3A_83] : memref<200x4096xi32, #tpu.memory_space<vmem>>, vector<200x128xi32>
    %swap3A_85 = arith.constant 2800 : index
    %swap3A_86 = arith.constant 0 : index
    %swap3A_87 = vector.load %arg1[%swap3A_85, %swap3A_86] : memref<6400x128xi32, #tpu.memory_space<vmem>>, vector<200x128xi32>
    tpu.vector_store %arg1[%swap3A_85, %swap3A_86], %get3A_84 {strides = array<i32>} : memref<6400x128xi32, #tpu.memory_space<vmem>>, vector<200x128xi32>,
    %get3A_88 = arith.constant 0 : index
    %get3A_89 = arith.constant 1920 : index
    %get3A_90 = vector.load %arg0[%get3A_88, %get3A_89] : memref<200x4096xi32, #tpu.memory_space<vmem>>, vector<200x128xi32>
    %swap3A_91 = arith.constant 3000 : index
    %swap3A_92 = arith.constant 0 : index
    %swap3A_93 = vector.load %arg1[%swap3A_91, %swap3A_92] : memref<6400x128xi32, #tpu.memory_space<vmem>>, vector<200x128xi32>
    tpu.vector_store %arg1[%swap3A_91, %swap3A_92], %get3A_90 {strides = array<i32>} : memref<6400x128xi32, #tpu.memory_space<vmem>>, vector<200x128xi32>,
    %get3A_94 = arith.constant 0 : index
    %get3A_95 = arith.constant 2048 : index
    %get3A_96 = vector.load %arg0[%get3A_94, %get3A_95] : memref<200x4096xi32, #tpu.memory_space<vmem>>, vector<200x128xi32>
    %swap3A_97 = arith.constant 3200 : index
    %swap3A_98 = arith.constant 0 : index
    %swap3A_99 = vector.load %arg1[%swap3A_97, %swap3A_98] : memref<6400x128xi32, #tpu.memory_space<vmem>>, vector<200x128xi32>
    tpu.vector_store %arg1[%swap3A_97, %swap3A_98], %get3A_96 {strides = array<i32>} : memref<6400x128xi32, #tpu.memory_space<vmem>>, vector<200x128xi32>,
    %get3A_100 = arith.constant 0 : index
    %get3A_101 = arith.constant 2176 : index
    %get3A_102 = vector.load %arg0[%get3A_100, %get3A_101] : memref<200x4096xi32, #tpu.memory_space<vmem>>, vector<200x128xi32>
    %swap3A_103 = arith.constant 3400 : index
    %swap3A_104 = arith.constant 0 : index
    %swap3A_105 = vector.load %arg1[%swap3A_103, %swap3A_104] : memref<6400x128xi32, #tpu.memory_space<vmem>>, vector<200x128xi32>
    tpu.vector_store %arg1[%swap3A_103, %swap3A_104], %get3A_102 {strides = array<i32>} : memref<6400x128xi32, #tpu.memory_space<vmem>>, vector<200x128xi32>,
    %get3A_106 = arith.constant 0 : index
    %get3A_107 = arith.constant 2304 : index
    %get3A_108 = vector.load %arg0[%get3A_106, %get3A_107] : memref<200x4096xi32, #tpu.memory_space<vmem>>, vector<200x128xi32>
    %swap3A_109 = arith.constant 3600 : index
    %swap3A_110 = arith.constant 0 : index
    %swap3A_111 = vector.load %arg1[%swap3A_109, %swap3A_110] : memref<6400x128xi32, #tpu.memory_space<vmem>>, vector<200x128xi32>
    tpu.vector_store %arg1[%swap3A_109, %swap3A_110], %get3A_108 {strides = array<i32>} : memref<6400x128xi32, #tpu.memory_space<vmem>>, vector<200x128xi32>,
    %get3A_112 = arith.constant 0 : index
    %get3A_113 = arith.constant 2432 : index
    %get3A_114 = vector.load %arg0[%get3A_112, %get3A_113] : memref<200x4096xi32, #tpu.memory_space<vmem>>, vector<200x128xi32>
    %swap3A_115 = arith.constant 3800 : index
    %swap3A_116 = arith.constant 0 : index
    %swap3A_117 = vector.load %arg1[%swap3A_115, %swap3A_116] : memref<6400x128xi32, #tpu.memory_space<vmem>>, vector<200x128xi32>
    tpu.vector_store %arg1[%swap3A_115, %swap3A_116], %get3A_114 {strides = array<i32>} : memref<6400x128xi32, #tpu.memory_space<vmem>>, vector<200x128xi32>,
    %get3A_118 = arith.constant 0 : index
    %get3A_119 = arith.constant 2560 : index
    %get3A_120 = vector.load %arg0[%get3A_118, %get3A_119] : memref<200x4096xi32, #tpu.memory_space<vmem>>, vector<200x128xi32>
    %swap3A_121 = arith.constant 4000 : index
    %swap3A_122 = arith.constant 0 : index
    %swap3A_123 = vector.load %arg1[%swap3A_121, %swap3A_122] : memref<6400x128xi32, #tpu.memory_space<vmem>>, vector<200x128xi32>
    tpu.vector_store %arg1[%swap3A_121, %swap3A_122], %get3A_120 {strides = array<i32>} : memref<6400x128xi32, #tpu.memory_space<vmem>>, vector<200x128xi32>,
    %get3A_124 = arith.constant 0 : index
    %get3A_125 = arith.constant 2688 : index
    %get3A_126 = vector.load %arg0[%get3A_124, %get3A_125] : memref<200x4096xi32, #tpu.memory_space<vmem>>, vector<200x128xi32>
    %swap3A_127 = arith.constant 4200 : index
    %swap3A_128 = arith.constant 0 : index
    %swap3A_129 = vector.load %arg1[%swap3A_127, %swap3A_128] : memref<6400x128xi32, #tpu.memory_space<vmem>>, vector<200x128xi32>
    tpu.vector_store %arg1[%swap3A_127, %swap3A_128], %get3A_126 {strides = array<i32>} : memref<6400x128xi32, #tpu.memory_space<vmem>>, vector<200x128xi32>,
    %get3A_130 = arith.constant 0 : index
    %get3A_131 = arith.constant 2816 : index
    %get3A_132 = vector.load %arg0[%get3A_130, %get3A_131] : memref<200x4096xi32, #tpu.memory_space<vmem>>, vector<200x128xi32>
    %swap3A_133 = arith.constant 4400 : index
    %swap3A_134 = arith.constant 0 : index
    %swap3A_135 = vector.load %arg1[%swap3A_133, %swap3A_134] : memref<6400x128xi32, #tpu.memory_space<vmem>>, vector<200x128xi32>
    tpu.vector_store %arg1[%swap3A_133, %swap3A_134], %get3A_132 {strides = array<i32>} : memref<6400x128xi32, #tpu.memory_space<vmem>>, vector<200x128xi32>,
    %get3A_136 = arith.constant 0 : index
    %get3A_137 = arith.constant 2944 : index
    %get3A_138 = vector.load %arg0[%get3A_136, %get3A_137] : memref<200x4096xi32, #tpu.memory_space<vmem>>, vector<200x128xi32>
    %swap3A_139 = arith.constant 4600 : index
    %swap3A_140 = arith.constant 0 : index
    %swap3A_141 = vector.load %arg1[%swap3A_139, %swap3A_140] : memref<6400x128xi32, #tpu.memory_space<vmem>>, vector<200x128xi32>
    tpu.vector_store %arg1[%swap3A_139, %swap3A_140], %get3A_138 {strides = array<i32>} : memref<6400x128xi32, #tpu.memory_space<vmem>>, vector<200x128xi32>,
    %get3A_142 = arith.constant 0 : index
    %get3A_143 = arith.constant 3072 : index
    %get3A_144 = vector.load %arg0[%get3A_142, %get3A_143] : memref<200x4096xi32, #tpu.memory_space<vmem>>, vector<200x128xi32>
    %swap3A_145 = arith.constant 4800 : index
    %swap3A_146 = arith.constant 0 : index
    %swap3A_147 = vector.load %arg1[%swap3A_145, %swap3A_146] : memref<6400x128xi32, #tpu.memory_space<vmem>>, vector<200x128xi32>
    tpu.vector_store %arg1[%swap3A_145, %swap3A_146], %get3A_144 {strides = array<i32>} : memref<6400x128xi32, #tpu.memory_space<vmem>>, vector<200x128xi32>,
    %get3A_148 = arith.constant 0 : index
    %get3A_149 = arith.constant 3200 : index
    %get3A_150 = vector.load %arg0[%get3A_148, %get3A_149] : memref<200x4096xi32, #tpu.memory_space<vmem>>, vector<200x128xi32>
    %swap3A_151 = arith.constant 5000 : index
    %swap3A_152 = arith.constant 0 : index
    %swap3A_153 = vector.load %arg1[%swap3A_151, %swap3A_152] : memref<6400x128xi32, #tpu.memory_space<vmem>>, vector<200x128xi32>
    tpu.vector_store %arg1[%swap3A_151, %swap3A_152], %get3A_150 {strides = array<i32>} : memref<6400x128xi32, #tpu.memory_space<vmem>>, vector<200x128xi32>,
    %get3A_154 = arith.constant 0 : index
    %get3A_155 = arith.constant 3328 : index
    %get3A_156 = vector.load %arg0[%get3A_154, %get3A_155] : memref<200x4096xi32, #tpu.memory_space<vmem>>, vector<200x128xi32>
    %swap3A_157 = arith.constant 5200 : index
    %swap3A_158 = arith.constant 0 : index
    %swap3A_159 = vector.load %arg1[%swap3A_157, %swap3A_158] : memref<6400x128xi32, #tpu.memory_space<vmem>>, vector<200x128xi32>
    tpu.vector_store %arg1[%swap3A_157, %swap3A_158], %get3A_156 {strides = array<i32>} : memref<6400x128xi32, #tpu.memory_space<vmem>>, vector<200x128xi32>,
    %get3A_160 = arith.constant 0 : index
    %get3A_161 = arith.constant 3456 : index
    %get3A_162 = vector.load %arg0[%get3A_160, %get3A_161] : memref<200x4096xi32, #tpu.memory_space<vmem>>, vector<200x128xi32>
    %swap3A_163 = arith.constant 5400 : index
    %swap3A_164 = arith.constant 0 : index
    %swap3A_165 = vector.load %arg1[%swap3A_163, %swap3A_164] : memref<6400x128xi32, #tpu.memory_space<vmem>>, vector<200x128xi32>
    tpu.vector_store %arg1[%swap3A_163, %swap3A_164], %get3A_162 {strides = array<i32>} : memref<6400x128xi32, #tpu.memory_space<vmem>>, vector<200x128xi32>,
    %get3A_166 = arith.constant 0 : index
    %get3A_167 = arith.constant 3584 : index
    %get3A_168 = vector.load %arg0[%get3A_166, %get3A_167] : memref<200x4096xi32, #tpu.memory_space<vmem>>, vector<200x128xi32>
    %swap3A_169 = arith.constant 5600 : index
    %swap3A_170 = arith.constant 0 : index
    %swap3A_171 = vector.load %arg1[%swap3A_169, %swap3A_170] : memref<6400x128xi32, #tpu.memory_space<vmem>>, vector<200x128xi32>
    tpu.vector_store %arg1[%swap3A_169, %swap3A_170], %get3A_168 {strides = array<i32>} : memref<6400x128xi32, #tpu.memory_space<vmem>>, vector<200x128xi32>,
    %get3A_172 = arith.constant 0 : index
    %get3A_173 = arith.constant 3712 : index
    %get3A_174 = vector.load %arg0[%get3A_172, %get3A_173] : memref<200x4096xi32, #tpu.memory_space<vmem>>, vector<200x128xi32>
    %swap3A_175 = arith.constant 5800 : index
    %swap3A_176 = arith.constant 0 : index
    %swap3A_177 = vector.load %arg1[%swap3A_175, %swap3A_176] : memref<6400x128xi32, #tpu.memory_space<vmem>>, vector<200x128xi32>
    tpu.vector_store %arg1[%swap3A_175, %swap3A_176], %get3A_174 {strides = array<i32>} : memref<6400x128xi32, #tpu.memory_space<vmem>>, vector<200x128xi32>,
    %get3A_178 = arith.constant 0 : index
    %get3A_179 = arith.constant 3840 : index
    %get3A_180 = vector.load %arg0[%get3A_178, %get3A_179] : memref<200x4096xi32, #tpu.memory_space<vmem>>, vector<200x128xi32>
    %swap3A_181 = arith.constant 6000 : index
    %swap3A_182 = arith.constant 0 : index
    %swap3A_183 = vector.load %arg1[%swap3A_181, %swap3A_182] : memref<6400x128xi32, #tpu.memory_space<vmem>>, vector<200x128xi32>
    tpu.vector_store %arg1[%swap3A_181, %swap3A_182], %get3A_180 {strides = array<i32>} : memref<6400x128xi32, #tpu.memory_space<vmem>>, vector<200x128xi32>,
    %get3A_184 = arith.constant 0 : index
    %get3A_185 = arith.constant 3968 : index
    %get3A_186 = vector.load %arg0[%get3A_184, %get3A_185] : memref<200x4096xi32, #tpu.memory_space<vmem>>, vector<200x128xi32>
    %swap3A_187 = arith.constant 6200 : index
    %swap3A_188 = arith.constant 0 : index
    %swap3A_189 = vector.load %arg1[%swap3A_187, %swap3A_188] : memref<6400x128xi32, #tpu.memory_space<vmem>>, vector<200x128xi32>
    tpu.vector_store %arg1[%swap3A_187, %swap3A_188], %get3A_186 {strides = array<i32>} : memref<6400x128xi32, #tpu.memory_space<vmem>>, vector<200x128xi32>,
    return
  }
}

module attributes {stable_mosaic.version = 14 : i64} {
  func.func @_compact_body(%arg0: i32, %arg1: memref<64x32768xf32, #tpu.memory_space<vmem>>, %arg2: memref<8192x128xf32, #tpu.memory_space<vmem>>) attributes {dimension_semantics = [#tpu.dimension_semantics<arbitrary>], iteration_bounds = array<i64: 31>, scalar_prefetch = 0 : i64, scratch_operands = 0 : i64, tpu.core_type = #tpu.core_type<tc>, window_params = [{transform_indices = @transform_0, window_bounds = array<i64: 64, 32768>}, {transform_indices = @transform_1, window_bounds = array<i64: 8192, 128>}]} {
    %get3A = arith.constant 0 : index
    %get3A_0 = arith.constant 0 : index
    %get3A_1 = vector.load %arg1[%get3A, %get3A_0] : memref<64x32768xf32, #tpu.memory_space<vmem>>, vector<32x32768xf32>
    %bitcast_convert_type3A = tpu.bitcast %get3A_1 : vector<32x32768xf32> -> vector<32x32768xi32>
    %get3A_2 = arith.constant 32 : index
    %get3A_3 = arith.constant 0 : index
    %get3A_4 = vector.load %arg1[%get3A_2, %get3A_3] : memref<64x32768xf32, #tpu.memory_space<vmem>>, vector<32x32768xf32>
    %bitcast_convert_type3A_5 = tpu.bitcast %get3A_4 : vector<32x32768xf32> -> vector<32x32768xi32>
    %and3A = arith.constant -65536 : i32
    %and3A_6 = vector.broadcast %and3A : i32 to vector<32x32768xi32>
    %and3A_7 = arith.andi %bitcast_convert_type3A_5, %and3A_6 : vector<32x32768xi32>
    %shift_right_logical3A = arith.constant 16 : i32
    %shift_right_logical3A_8 = vector.broadcast %shift_right_logical3A : i32 to vector<32x32768xi32>
    %shift_right_logical3A_9 = arith.shrui %bitcast_convert_type3A, %shift_right_logical3A_8 : vector<32x32768xi32>
    %or3A = arith.ori %and3A_7, %shift_right_logical3A_9 : vector<32x32768xi32>
    %bitcast_convert_type3A_10 = tpu.bitcast %or3A : vector<32x32768xi32> -> vector<32x32768xf32>
    %slice3A = vector.extract_strided_slice %bitcast_convert_type3A_10 {offsets = [0, 0], sizes = [32, 8192], strides = [1, 1]} : vector<32x32768xf32> to vector<32x8192xf32>
    %slice3A_11 = vector.extract_strided_slice %bitcast_convert_type3A_10 {offsets = [0, 8192], sizes = [32, 8192], strides = [1, 1]} : vector<32x32768xf32> to vector<32x8192xf32>
    %slice3A_12 = vector.extract_strided_slice %bitcast_convert_type3A_10 {offsets = [0, 16384], sizes = [32, 8192], strides = [1, 1]} : vector<32x32768xf32> to vector<32x8192xf32>
    %slice3A_13 = vector.extract_strided_slice %bitcast_convert_type3A_10 {offsets = [0, 24576], sizes = [32, 8192], strides = [1, 1]} : vector<32x32768xf32> to vector<32x8192xf32>
    %concatenate3A = tpu.concatenate %slice3A, %slice3A_11, %slice3A_12, %slice3A_13 in 0 : vector<32x8192xf32>, vector<32x8192xf32>, vector<32x8192xf32>, vector<32x8192xf32> -> vector<128x8192xf32>
    %transpose3A = tpu.transpose %concatenate3A, [1, 0] : vector<128x8192xf32> -> vector<8192x128xf32>
    %swap3A = arith.constant 0 : index
    %swap3A_14 = arith.constant 0 : index
    %swap3A_15 = vector.load %arg2[%swap3A, %swap3A_14] : memref<8192x128xf32, #tpu.memory_space<vmem>>, vector<8192x128xf32>
    tpu.vector_store %arg2[%swap3A, %swap3A_14], %transpose3A {strides = array<i32>} : memref<8192x128xf32, #tpu.memory_space<vmem>>, vector<8192x128xf32>,
    return
  }
  func.func @transform_0(%arg0: i32) -> (i32, i32) {
    %c0_i32 = arith.constant 0 : i32
    %c0_i32_0 = arith.constant 0 : i32
    return %c0_i32, %arg0 : i32, i32
  }
  func.func @transform_1(%arg0: i32) -> (i32, i32) {
    %c0_i32 = arith.constant 0 : i32
    %c0_i32_0 = arith.constant 0 : i32
    return %arg0, %c0_i32 : i32, i32
  }
}

module attributes {stable_mosaic.version = 14 : i64} {
  func.func @_mlp_body(%arg0: memref<4096x64xf32, #tpu.memory_space<vmem>>, %arg1: memref<64x32xf32, #tpu.memory_space<vmem>>, %arg2: memref<1x32xf32, #tpu.memory_space<vmem>>, %arg3: memref<1x32xf32, #tpu.memory_space<vmem>>, %arg4: memref<1x1xf32, #tpu.memory_space<vmem>>, %arg5: memref<4096x1xf32, #tpu.memory_space<vmem>>) attributes {dimension_semantics = [], scalar_prefetch = 0 : i64, scratch_operands = 0 : i64, tpu.core_type = #tpu.core_type<tc>} {
    %get3A = arith.constant 0 : index
    %get3A_0 = arith.constant 0 : index
    %get3A_1 = vector.load %arg0[%get3A, %get3A_0] : memref<4096x64xf32, #tpu.memory_space<vmem>>, vector<4096x64xf32>
    %get3A_2 = arith.constant 0 : index
    %get3A_3 = arith.constant 0 : index
    %get3A_4 = vector.load %arg1[%get3A_2, %get3A_3] : memref<64x32xf32, #tpu.memory_space<vmem>>, vector<64x32xf32>
    %dot_general3A = arith.constant dense<0.000000e+00> : vector<4096x32xf32>
    %dot_general3A_5 = tpu.matmul %get3A_1, %get3A_4, %dot_general3A {dimension_numbers = #tpu.dot_dimension_numbers<[1], [0], [0], [1], [0, 0, 1, 1], [], []>, precision = #tpu.contract_precision<fp32>, transpose_lhs_hint = false} : vector<4096x64xf32>, vector<64x32xf32>, vector<4096x32xf32> -> vector<4096x32xf32>
    %get3A_6 = arith.constant 0 : index
    %get3A_7 = arith.constant 0 : index
    %get3A_8 = vector.load %arg2[%get3A_6, %get3A_7] : memref<1x32xf32, #tpu.memory_space<vmem>>, vector<1x32xf32>
    %add3A = vector.broadcast %get3A_8 : vector<1x32xf32> to vector<4096x32xf32>
    %add3A_9 = arith.addf %dot_general3A_5, %add3A : vector<4096x32xf32>
    %max3A = arith.constant 0.000000e+00 : f32
    %max3A_10 = vector.broadcast %max3A : f32 to vector<4096x32xf32>
    %max3A_11 = arith.maximumf %add3A_9, %max3A_10 : vector<4096x32xf32>
    %get3A_12 = arith.constant 0 : index
    %get3A_13 = arith.constant 0 : index
    %get3A_14 = vector.load %arg3[%get3A_12, %get3A_13] : memref<1x32xf32, #tpu.memory_space<vmem>>, vector<1x32xf32>
    %mul3A = vector.broadcast %get3A_14 : vector<1x32xf32> to vector<4096x32xf32>
    %mul3A_15 = arith.mulf %max3A_11, %mul3A : vector<4096x32xf32>
    %reduce_sum3A = arith.constant dense<0.000000e+00> : vector<4096xf32>
    %reduce_sum3A_16 = vector.multi_reduction <add>, %mul3A_15, %reduce_sum3A [1] : vector<4096x32xf32> to vector<4096xf32>
    %broadcast_in_dim3A = vector.shape_cast %reduce_sum3A_16 : vector<4096xf32> to vector<4096x1xf32>
    %get3A_17 = arith.constant 0 : index
    %get3A_18 = arith.constant 0 : index
    %get3A_19 = vector.load %arg4[%get3A_17, %get3A_18] : memref<1x1xf32, #tpu.memory_space<vmem>>, vector<1x1xf32>
    %add3A_20 = vector.broadcast %get3A_19 : vector<1x1xf32> to vector<4096x1xf32>
    %add3A_21 = arith.addf %broadcast_in_dim3A, %add3A_20 : vector<4096x1xf32>
    %swap3A = arith.constant 0 : index
    %swap3A_22 = arith.constant 0 : index
    %swap3A_23 = vector.load %arg5[%swap3A, %swap3A_22] : memref<4096x1xf32, #tpu.memory_space<vmem>>, vector<4096x1xf32>
    tpu.vector_store %arg5[%swap3A, %swap3A_22], %add3A_21 {strides = array<i32>} : memref<4096x1xf32, #tpu.memory_space<vmem>>, vector<4096x1xf32>,
    return
  }
}

</mosaic_0001>

<sc_bundles>
// kernel: kernel.6.cloned.1.call-start
scs
__scs_entry_jumppad:
0x0: {  	(pc) =	sbr.rel $0x88, $3  }
0x1: {  	(tag) =	ssettag $0x0;
	lr =	simm.s32 $0x1  }
0x2: {  	[smem:$0x3F9B] =	sst lr;
	_ =	strace $0xD0000000  }
0x3: {  	_ = 	snop  }
0x4: {  	_ = 	snop  }
0x5: {  	_ = 	snop  }
0x6: {  	_ = 	snop  }
0x7: {  	_ = 	snop  }
__scs_overlays_trampoline_lowered:
0x8: {  	[smem:$0x3FAA] =	sst s0  }
0x9: {  	[smem:$0x3FAB] =	sst s1  }
0xa: {  	[smem:$0x3FAC] =	sst s2  }
0xb: {  	[smem:$0x3FAD] =	sst s3  }
0xc: {  	[smem:$0x3FAE] =	sst s4  }
0xd: {  	[smem:$0x3FAF] =	sst s5  }
0xe: {  	[smem:$0x3FB0] =	sst s6  }
0xf: {  	[smem:$0x3FB1] =	sst s7  }
0x10: {  	[smem:$0x3FB2] =	sst s8  }
0x11: {  	[smem:$0x3FB3] =	sst s9;
	s0 =	simm.s32 @!p0 $0x0  }
0x12: {  	s1 =	sld [smem:$0x3F99];
	s0 =	simm.s32 @p0 $0x1  }
0x13: {  	[smem:$0x3FB4] =	sst s0;
	s0 =	simm.s32 @!p1 $0x0  }
0x14: {  	s2 =	sld [smem:$0x3F98];
	s0 =	simm.s32 @p1 $0x1  }
0x15: {  	[smem:$0x3FB5] =	sst s0;
	s0 =	simm.s32 @!p2 $0x0  }
0x16: {  	s3 =	sld [smem:$0x3FDB];
	s0 =	simm.s32 @p2 $0x1  }
0x17: {  	s4 =	simm.s32 $0x1BF5;
	[smem:$0x3FB7] =	sst s0  }
0x18: {  	s0 =	sld [smem:$0x3F9A];
	_ =	swait.ge [sflag:s4], $0x0  }
0x19: {  	s7 =	sld [smem:$0x3F9B]  }
0x1a: {  	s8 =	sadd.s32 $0xFFFFE003, lr  }
0x1b: {  	s9 =	sadd.s32 $0xFFFFFEF7, lr;
	s5 =	simm.s32 $0xFFFFFFFF;
	p2 =	slt.u32 s8, $0xFFFFF086  }
0x1c: {  	p1 =	slt.u32 s9, $0xF7A;
	s5 =	simm.s32 @!p2 $0x0  }
0x1d: {  	s5 =	simm.s32 @p1 $0x1;
	p0 =	seq.s32 s7, s2  }
0x1e: {  	s7 =	smul.u32 @!p0 $0xF7A, s2;
	p2 =	seq.s32 @!p0 s5, $0x0  }
0x1f: {  	s9 =	smul.u32 $0xF7A, s1;
	s8 =	simm.s32 @!p0 $0x1BF5;
	p2 =	por !p2, p0  }
0x20: {  	[sflag:s8] =	ssyncset.s32 @!p0 $0xFFFFF086;
	s6 =	sadd.s32 @!p0 s3, s7;
	s7 =	simm.s32 @!p0 $0x108  }
0x21: {  	s3 =	sadd.s32 s3, s9;
	s6 =	sadd.s32 @!p0 $0x88, s6;
	s7 =	simm.s32 @p2 $0x1082  }
0x22: {  	[simem:s7], [sflag:s8] =	dma.local @!p0 [hbm:s6], $0xF7A  }
0x23: {  	s9 =	sor.u32 $0xD0000000, s2;
	s6 =	simm.s32 $0x108;
	_ =	swait.ge @!p0 [sflag:s8], $0x0  }
0x24: {  	s3 =	sadd.s32 $0x88, s3;
	s6 =	simm.s32 @!p1 $0x1082;
	[sflag:s4] =	ssyncset.s32 $0xFFFFF086  }
0x25: {  	[simem:s6], [sflag:s4] =	dma.local [hbm:s3], $0xF7A  }
0x26: {  	[smem:$0x3F9B] =	sst s1;
	(tag) =	ssettag s2;
	_ =	strace s9  }
0x27: {  	s1 =	sld [smem:$0x3FAB]  }
0x28: {  	s2 =	sld [smem:$0x3FAC]  }
0x29: {  	s4 =	sld [smem:$0x3FAE]  }
0x2a: {  	p0 =	seq.s32 s5, $0x0;
	s5 =	sld [smem:$0x3FAF]  }
0x2b: {  	s6 =	sld [smem:$0x3FB0]  }
0x2c: {  	s7 =	sld [smem:$0x3FB1]  }
0x2d: {  	s3 =	simm.s32 $0x108;
	s8 =	sld [smem:$0x3FB2]  }
0x2e: {  	s3 =	simm.s32 @!p0 $0x1082;
	s9 =	sld [smem:$0x3FB3]  }
0x2f: {  	lr =	sadd.s32 s0, s3;
	s0 =	sld [smem:$0x3FAA]  }
0x30: {  	s3 =	sld [smem:$0x3FAD]  }
0x31: {  	[smem:$0x3FB6] =	sst s10  }
0x32: {  	s10 =	sld [smem:$0x3FB4];
	_ =	sdelay $0x3  }
0x33: {  	p0 =	seq.s32 s10, $0x1;
	s10 =	sld [smem:$0x3FB6];
	_ =	sdelay $0x3  }
0x34: {  	[smem:$0x3FB6] =	sst s10  }
0x35: {  	s10 =	sld [smem:$0x3FB5];
	_ =	sdelay $0x3  }
0x36: {  	p1 =	seq.s32 s10, $0x1;
	s10 =	sld [smem:$0x3FB6];
	_ =	sdelay $0x3  }
0x37: {  	[smem:$0x3FB6] =	sst s10  }
0x38: {  	s10 =	sld [smem:$0x3FB7]  }
0x39: {  	_ = 	snop;
	(pc) =	sbr.ind lr, $3  }
0x3a: {  	_ = 	snop  }
0x3b: {  	_ = 	snop  }
0x3c: {  	p2 =	seq.s32 s10, $0x1;
	s10 =	sld [smem:$0x3FB6]  }
0x3d: {  	_ =	shalt  }
0x3e: {  	_ =	shalt  }
0x3f: {  	_ =	shalt  }
0x40: {  	_ =	shalt  }
0x41: {  	_ =	shalt  }
0x42: {  	_ =	shalt  }
0x43: {  	_ =	shalt  }
0x44: {  	_ =	shalt  }
0x45: {  	_ =	shalt  }
0x46: {  	_ =	shalt  }
0x47: {  	_ =	shalt  }
0x48: {  	_ =	shalt  }
0x49: {  	_ =	shalt  }
0x4a: {  	_ =	shalt  }
0x4b: {  	_ =	shalt  }
0x4c: {  	_ =	shalt  }
0x4d: {  	_ =	shalt  }
0x4e: {  	_ =	shalt  }
0x4f: {  	_ =	shalt  }
0x50: {  	_ =	shalt  }
0x51: {  	_ =	shalt  }
0x52: {  	_ =	shalt  }
0x53: {  	_ =	shalt  }
0x54: {  	_ =	shalt  }
0x55: {  	_ =	shalt  }
0x56: {  	_ =	shalt  }
0x57: {  	_ =	shalt  }
0x58: {  	_ =	shalt  }
0x59: {  	_ =	shalt  }
0x5a: {  	_ =	shalt  }
0x5b: {  	_ =	shalt  }
0x5c: {  	_ =	shalt  }
0x5d: {  	_ =	shalt  }
0x5e: {  	_ =	shalt  }
0x5f: {  	_ =	shalt  }
0x60: {  	_ =	shalt  }
0x61: {  	_ =	shalt  }
0x62: {  	_ =	shalt  }
0x63: {  	_ =	shalt  }
0x64: {  	_ =	shalt  }
0x65: {  	_ =	shalt  }
0x66: {  	_ =	shalt  }
0x67: {  	_ =	shalt  }
0x68: {  	_ =	shalt  }
0x69: {  	_ =	shalt  }
0x6a: {  	_ =	shalt  }
0x6b: {  	_ =	shalt  }
0x6c: {  	_ =	shalt  }
0x6d: {  	_ =	shalt  }
0x6e: {  	_ =	shalt  }
0x6f: {  	_ =	shalt  }
0x70: {  	_ =	shalt  }
0x71: {  	_ =	shalt  }
0x72: {  	_ =	shalt  }
0x73: {  	_ =	shalt  }
0x74: {  	_ =	shalt  }
0x75: {  	_ =	shalt  }
0x76: {  	_ =	shalt  }
0x77: {  	_ =	shalt  }
0x78: {  	_ =	shalt  }
0x79: {  	_ =	shalt  }
0x7a: {  	_ =	shalt  }
0x7b: {  	_ =	shalt  }
0x7c: {  	_ =	shalt  }
0x7d: {  	_ =	shalt  }
0x7e: {  	_ =	shalt  }
0x7f: {  	_ =	shalt  }
0x80: {  	_ =	shalt  }
0x81: {  	_ =	shalt  }
0x82: {  	_ =	shalt  }
0x83: {  	_ =	shalt  }
0x84: {  	_ =	shalt  }
0x85: {  	_ =	shalt  }
0x86: {  	_ =	shalt  }
0x87: {  	_ =	shalt  }
.Lfunc_end0:
.L_simem_size_0:
called_computation_lowered:
.L_overlay_start_0:
0x88: {  	s2 =	sld [smem:$0x3FD9]  }
0x89: {  	s3 =	sld [smem:$0x3FFE];
	_ =	sdelay $0x1  }
0x8a: {  	s1 =	srdreg.scid  }
0x8b: {  	s0 =	sand.u32 $0x1, s1  }
0x8c: {  	s16 =	sshll.u32 s0, $0xA;
	s2 =	sadd.s32 s3, s2  }
0x8d: {  	s2 =	sadd.s32 s2, s16  }
0x8e: {  	[smem:$0x3FC2] =	sst s2  }
0x8f: {  	_ = 	snop  }
0x90: {  	(tm) =	ssettm $0x1  }
0x91: {  	s17 =	sld [smem:$0x3FFB];
	_ =	sdelay $0x3  }
0x92: {  	_ =	strace s17  }
0x93: {  	s2 =	sld [smem:$0x3FFC];
	_ =	sdelay $0x3  }
0x94: {  	_ =	strace s2  }
0x95: {  	s2 =	sld [smem:$0x3FFD];
	_ =	sdelay $0x3  }
0x96: {  	_ =	strace s2  }
0x97: {  	_ =	strace $0x8FFFFFFF  }
0x98: {  	s18 =	sld [smem:$0x3FDB];
	_ =	sdelay $0x1  }
0x99: {  	s19 =	simm.s32 $_scs_section_size  }
0x9a: {  	s4 =	simm.s32 $_size__tile_overlayer_lowered;
	s5 =	simm.s32 $_tile_overlayer_lowered  }
0x9b: {  	s22 =	simm.s32 $0x1BFF;
	s21 =	sshll.u32 s5, $0x1;
	s2 =	sadd.s32 s19, s18  }
0x9c: {  	s6 =	simm.s32 $0x0;
	s20 =	sshll.u32 s4, $0x1;
	s4 =	sadd.s32 s21, s2  }
0x9d: {  	[timem:s6], [sflag:s22] =	dma.local [hbm:s4], s20  }
0x9e: {  	_ =	swait.ge [sflag:s22], s20  }
0x9f: {  	s3 =	ssub.s32 $0x0, s20;
	[sflag:s22] =	ssyncset.done $0x0  }
0xa0: {  	[sflag:s22] =	ssyncadd.s32 s3;
	_ =	sdelay $0x1  }
0xa1: {  	s23 =	simm.s32 $0x1B8B  }
0xa2: {  	_ =	swait.ge [sflag:s23], $0x1  }
0xa3: {  	[sflag:s23] =	ssyncset.done $0x0  }
0xa4: {  	s25 =	simm.s32 $0x1B8E;
	s24 =	sld [smem:$0x3FFE];
	[sflag:s23] =	ssyncadd.s32 $0xFFFFFFFF  }
0xa5: {  	s26 =	simm.s32 $execute0_lowered;
	[smem:$0x3FD2] =	sst s25  }
0xa6: {  	s4 =	sshll.u32 s26, $0x1;
	_ =	strace $0x80000046;
	[dreg:$0x1] =	wrdreg $0xFFFFFFFF  }
0xa7: {  	s28 =	simm.s32 $_size_execute0_lowered;
	s2 =	sadd.s32 s2, s4;
	[dreg:$0x0] =	wrdreg $0x0  }
0xa8: {  	s4 =	sshll.u32 s28, $0x1;
	[dreg:$0x2] =	wrdreg s2  }
0xa9: {  	[dreg:$0x3] =	wrdreg s4  }
0xaa: {  	[dreg:$0x4] =	wrdreg $0xC0  }
0xab: {  	_ =	task [dreg:s6], $0x5FFFF  }
0xac: {  	[dreg:$0x1] =	wrdreg $0xFFFFFFFF  }
0xad: {  	[dreg:$0x0] =	wrdreg $0x60  }
0xae: {  	[dreg:$0x2] =	wrdreg s24  }
0xaf: {  	[dreg:$0x3] =	wrdreg $0x9  }
0xb0: {  	_ =	task.clear_ibuf [dreg:s6], $0x4FFFF;
	_ =	strace $0x90000046  }
0xb1: {  	s29 =	simm.s32 $0x9;
	_ =	strace $0x80000048  }
0xb2: {  	_ =	swait.ge [sflag:s29], $0x1  }
0xb3: {  	[sflag:s29] =	ssyncadd.s32 $0xFFFFFFFF  }
0xb4: {  	_ =	strace $0x90000048  }
0xb5: {  	_ =	sfence  }
0xb6: {  	s30 =	sld [smem:$0x0];
	_ =	sdelay $0x2  }
0xb7: {  	s31 =	sshll.u32 s1, $0xD;
	s1 =	sshrl.u32 s1, $0x2  }
0xb8: {  	s3 =	sand.u32 $0x4000, s31;
	s1 =	sadd.s32 s1, s30  }
0xb9: {  	s0 =	sor.u32 s3, s0;
	s1 =	sshll.u32 s1, $0x11  }
0xba: {  	s0 =	sor.u32 s1, s0  }
0xbb: {  	s0 =	sadd.s32 $0x8F2B, s0  }
0xbc: {  	[sflag:s0] =	ssyncadd.remote.s32 $0x1  }
0xbd: {  	_ =	sfence.sel $0xFFFF  }
0xbe: {  	[dreg:$0x0] =	wrdreg $0xFFFFFFFF;
	(pc) =	sbr.abs _section_cstart, $3  }
0xbf: {  	[dreg:$0x1] =	wrdreg $0xFFFFFFFF  }
0xc0: {  	_ =	task.clear_ibuf [dreg:s6], $0x2FFFF;
	_ =	strace $0x9FFFFFFF  }
0xc1: {  	(tm) =	ssettm $0x7FFFFFFF  }
tec
execute0_lowered:
.L_overlay_start_1:
0x0: {  	(tag) =	ssettag $0x1  }
0x1: {  	s0 =	srdreg.scid  }
0x2: {  	s2 =	stileid.u32;
	s1 =	rddreg [dreg:$0x0]  }
0x3: {  	s7 =	simm.s32 $0x9;
	s8 =	simm.s32 $0x6400;
	s9 =	simm.s32 $0x80  }
0x4: {  	s11 =	simm.s32 $0x48;
	s13 =	simm.s32 $0x15E00;
	s14 =	simm.s32 $0x6930  }
0x5: {  	s15 =	simm.s32 $0x16E00;
	s16 =	simm.s32 $0x17700;
	s17 =	simm.s32 $0x18700  }
0x6: {  	s18 =	simm.s32 $0x1;
	s19 =	simm.s32 $0x2;
	s20 =	simm.s32 $0x3  }
0x7: {  	s21 =	simm.s32 $0x4;
	s22 =	simm.s32 $0x5;
	s23 =	simm.s32 $0x6  }
0x8: {  	s24 =	simm.s32 $0x7;
	s25 =	simm.s32 $0x8;
	s26 =	simm.s32 $0x19000  }
0x9: {  	s0 =	sand.u32 $0x1, s0;
	s3 =	sshll.u32 s2, $0x1;
	s2 =	simm.s32 $0x0  }
0xa: {  	s28 =	simm.s32 $0x0;
	s4 =	sor.u32 s0, s3;
	[smem:$0x7FF] =	sst s2  }
0xb: {  	s3 =	sadd.s32 $0xA00, s1;
	s0 =	ssub.s32 $0x2, s0;
	s5 =	smul.u32 $0xC80, s4  }
0xc: {  	_ =	strace $0x80000047;
	s4 =	sshll.u32 s4, $0xA;
	s6 =	sshrl.u32 s0, $0x1  }
0xd: {  	v0 =	vlaneseq.u32;
	s0 =	ssub.s32 s0, s6;
	s5 =	sadd.s32 s5, s1;
	s1 =	sadd.s32 s4, s1  }
0xe: {  	v0 =	vmul.u32 $0xC8, v0;
	s6 =	smax.u32 s0, $0x1;
	s4 =	sadd.s32 $0x3E0A00, s5;
	s5 =	sadd.s32 $0x3F9A00, s1  }
.LBB2_1:
0xf: {  	[tilespmem:s2], [sflag:$0x9] =	stream.linear.gather [hbm4b:s4+s2], $0x6400, $0x38;
	[tilespmem:$0x1B000] =	vst v63  }
0x10: {  	_ =	swait.ge [sflag:s7], $0x6400  }
0x11: {  	[sflag:s7] =	ssyncset.done $0x0  }
0x12: {  	s30 =	sand.u32 $0x70, s2;
	s0 =	simm.s32 $0x1;
	[sflag:s7] =	ssyncadd.s32 $0xFFFF9C00  }
0x13: {  	s1 =	simm.s32 $0x0;
	s10 =	simm.s32 $0x0;
	s29 =	simm.s32 $0x0;
	v1 =	vld [tilespmem:s2+$0x0]  }
.LBB2_2:
0x14: {  	p0 =	sne.s32 s0, $0x63F;
	s30 =	smul.u32 $0xC8, s30  }
0x15: {  	s31 =	sshrl.u32 s1, $0x3;
	s1 =	smov.u32 s0  }
0x16: {  	s30 =	sadd.s32 s31, s30  }
0x17: {  	v2 =	vadd.s32 s30, v0  }
0x18: {  	v3 =	vshll.u32 v1, $0x2  }
.Ltmp0:
0x19: {  	v4 =	vshrl.u32 v1, $0xD;
	v1 =	vand.u32 $0xFFFF8000, v1;
	v3 =	vand.u32 $0x7FFC, v3;
	(pc) =	sbr.rel @p0 .LBB2_2-.Ltmp0, $4  }
0x1a: {  	v4 =	vand.u32 $0x3, v4;
	v1 =	vor.u32 v1, v3  }
0x1b: {  	v1 =	vor.u32 v4, v1  }
0x1c: {  	s10 =	sadd.s32 $0x10, s10;
	s29 =	sadd.s32 $0x10, s29;
	[tilespmem:v2+s8+$0x0] =	vst.idx.msk $0xffff, v1  }
0x1d: {  	s0 =	sadd.s32 $0x1, s0;
	s30 =	sand.u32 $0x70, s29;
	v1 =	vld [tilespmem:s10+$0x0]  }
0x1e: {  	s0 =	smul.u32 $0xC8, s30  }
0x1f: {  	s1 =	sshrl.u32 s1, $0x3  }
0x20: {  	s0 =	sadd.s32 s1, s0  }
0x21: {  	v2 =	vadd.s32 s0, v0  }
0x22: {  	v3 =	vshll.u32 v1, $0x2  }
0x23: {  	v4 =	vshrl.u32 v1, $0xD;
	v1 =	vand.u32 $0xFFFF8000, v1;
	v3 =	vand.u32 $0x7FFC, v3  }
0x24: {  	v4 =	vand.u32 $0x3, v4;
	v1 =	vor.u32 v1, v3  }
0x25: {  	v1 =	vor.u32 v4, v1  }
0x26: {  	s12 =	simm.s32 $0xC800;
	[tilespmem:v2+s8+$0x0] =	vst.idx.msk $0xffff, v1  }
0x27: {  	[tilespmem:s12], [sflag:$0x1] =	stream.indirect.gather [hbm4b:s3+s9], $0x20, s8, s9, $0xb8;
	[tilespmem:$0x1B000] =	vst v63  }
0x28: {  	s30 =	simm.s32 $0x6480;
	s31 =	simm.s32 $0xD800  }
0x29: {  	[tilespmem:s31], [sflag:$0x1] =	stream.indirect.gather [hbm4b:s3+s11], $0x20, s30, s11, $0xb8;
	[tilespmem:$0x1B000] =	vst v63  }
0x2a: {  	s10 =	simm.s32 $0x64C8;
	s12 =	simm.s32 $0xE100  }
0x2b: {  	[tilespmem:s12], [sflag:$0x2] =	stream.indirect.gather [hbm4b:s3+s9], $0x20, s10, s9, $0xb8;
	[tilespmem:$0x1B000] =	vst v63  }
0x2c: {  	s30 =	simm.s32 $0x6548;
	s31 =	simm.s32 $0xF100  }
0x2d: {  	[tilespmem:s31], [sflag:$0x2] =	stream.indirect.gather [hbm4b:s3+s11], $0x20, s30, s11, $0xb8;
	[tilespmem:$0x1B000] =	vst v63  }
0x2e: {  	s10 =	simm.s32 $0x6590;
	s12 =	simm.s32 $0xFA00  }
0x2f: {  	[tilespmem:s12], [sflag:$0x3] =	stream.indirect.gather [hbm4b:s3+s9], $0x20, s10, s9, $0xb8;
	[tilespmem:$0x1B000] =	vst v63  }
0x30: {  	s30 =	simm.s32 $0x6610;
	s31 =	simm.s32 $0x10A00  }
0x31: {  	[tilespmem:s31], [sflag:$0x3] =	stream.indirect.gather [hbm4b:s3+s11], $0x20, s30, s11, $0xb8;
	[tilespmem:$0x1B000] =	vst v63  }
0x32: {  	s10 =	simm.s32 $0x6658;
	s12 =	simm.s32 $0x11300  }
0x33: {  	[tilespmem:s12], [sflag:$0x4] =	stream.indirect.gather [hbm4b:s3+s9], $0x20, s10, s9, $0xb8;
	[tilespmem:$0x1B000] =	vst v63  }
0x34: {  	s30 =	simm.s32 $0x66D8;
	s31 =	simm.s32 $0x12300  }
0x35: {  	[tilespmem:s31], [sflag:$0x4] =	stream.indirect.gather [hbm4b:s3+s11], $0x20, s30, s11, $0xb8;
	[tilespmem:$0x1B000] =	vst v63  }
0x36: {  	s10 =	simm.s32 $0x6720;
	s12 =	simm.s32 $0x12C00  }
0x37: {  	[tilespmem:s12], [sflag:$0x5] =	stream.indirect.gather [hbm4b:s3+s9], $0x20, s10, s9, $0xb8;
	[tilespmem:$0x1B000] =	vst v63  }
0x38: {  	s30 =	simm.s32 $0x67A0;
	s31 =	simm.s32 $0x13C00  }
0x39: {  	[tilespmem:s31], [sflag:$0x5] =	stream.indirect.gather [hbm4b:s3+s11], $0x20, s30, s11, $0xb8;
	[tilespmem:$0x1B000] =	vst v63  }
0x3a: {  	s1 =	simm.s32 $0x67E8;
	s10 =	simm.s32 $0x14500  }
0x3b: {  	[tilespmem:s10], [sflag:$0x6] =	stream.indirect.gather [hbm4b:s3+s9], $0x20, s1, s9, $0xb8;
	[tilespmem:$0x1B000] =	vst v63  }
0x3c: {  	s12 =	simm.s32 $0x6868;
	s30 =	simm.s32 $0x15500  }
0x3d: {  	[tilespmem:s30], [sflag:$0x6] =	stream.indirect.gather [hbm4b:s3+s11], $0x20, s12, s11, $0xb8;
	[tilespmem:$0x1B000] =	vst v63  }
0x3e: {  	s31 =	simm.s32 $0x68B0  }
0x3f: {  	[tilespmem:s13], [sflag:$0x7] =	stream.indirect.gather [hbm4b:s3+s9], $0x20, s31, s9, $0xb8;
	[tilespmem:$0x1B000] =	vst v63  }
0x40: {  	s29 =	simm.s32 $0x0  }
0x41: {  	[tilespmem:s15], [sflag:$0x7] =	stream.indirect.gather [hbm4b:s3+s11], $0x20, s14, s11, $0xb8;
	[tilespmem:$0x1B000] =	vst v63  }
.LBB2_4:
0x42: {  	s30 =	sshllo.u32 s29, $0x3  }
0x43: {  	s0 =	smul.u32 $0x320, s30;
	_ =	sdelay $0x1  }
0x44: {  	s0 =	sshra.s32 s0, $0x2  }
0x45: {  	s1 =	sadd.s32 $0x6400, s0  }
0x46: {  	[tilespmem:s16], [sflag:$0x8] =	stream.indirect.gather [hbm4b:s3+s9], $0x20, s1, s9, $0xb8;
	[tilespmem:$0x1B000] =	vst v63  }
0x47: {  	s0 =	sadd.s32 $0x6480, s0  }
0x48: {  	[tilespmem:s17], [sflag:$0x8] =	stream.indirect.gather [hbm4b:s3+s11], $0x20, s0, s11, $0xb8;
	[tilespmem:$0x1B000] =	vst v63  }
0x49: {  	_ =	swait.ge [sflag:s18], $0x1900  }
0x4a: {  	[sflag:s18] =	ssyncset.done $0x0  }
0x4b: {  	s31 =	simm.s32 $0xC880;
	[sflag:s18] =	ssyncadd.s32 $0xFFFFE700  }
0x4c: {  	v1 =	vld [tilespmem:s31+$0xFFFFFF80]  }
0x4d: {  	v2 =	vld [tilespmem:s31+$0xFFFFFF90]  }
0x4e: {  	v3 =	vld [tilespmem:s31+$0xFFFFFFA0]  }
0x4f: {  	v4 =	vld [tilespmem:s31+$0xFFFFFFB0]  }
0x50: {  	v7 =	vld [tilespmem:s31+$0xFFFFFFC0]  }
0x51: {  	v5 =	vimm.f32 $0.0e+00;
	v8 =	vld [tilespmem:s31+$0xFFFFFFD0];
	v6 =	vshll.u32 v1, $0x10  }
0x52: {  	v10 =	vld [tilespmem:s31+$0xFFFFFFE0];
	v9 =	vshll.u32 v2, $0x10;
	v13 =	vadd.f32 v1, v5;
	v2 =	vadd.f32 v2, v5  }
0x53: {  	v12 =	vld [tilespmem:s31+$0xFFFFFFF0];
	v11 =	vshll.u32 v3, $0x10;
	v6 =	vadd.f32 v6, v5;
	v9 =	vadd.f32 v9, v5  }
0x54: {  	v1 =	vld [tilespmem:s31+$0x0];
	v5 =	vshll.u32 v4, $0x10;
	v3 =	vadd.f32 v3, v13;
	v4 =	vadd.f32 v4, v2  }
0x55: {  	v6 =	vadd.f32 v11, v6;
	v9 =	vadd.f32 v5, v9;
	v5 =	vld [tilespmem:s31+$0x10]  }
0x56: {  	v13 =	vshll.u32 v8, $0x10;
	v2 =	vld [tilespmem:s31+$0x20];
	v11 =	vshll.u32 v7, $0x10;
	v3 =	vadd.f32 v7, v3  }
0x57: {  	v11 =	vadd.f32 v11, v6;
	v9 =	vadd.f32 v13, v9;
	v6 =	vld [tilespmem:s31+$0x30]  }
0x58: {  	v8 =	vadd.f32 v8, v4;
	v7 =	vshll.u32 v12, $0x10;
	v4 =	vld [tilespmem:s31+$0x40];
	v13 =	vshll.u32 v10, $0x10  }
0x59: {  	v14 =	vshll.u32 v1, $0x10;
	v11 =	vadd.f32 v13, v11;
	v13 =	vadd.f32 v7, v9;
	v7 =	vld [tilespmem:s31+$0x50]  }
0x5a: {  	v10 =	vadd.f32 v10, v3;
	v3 =	vld [tilespmem:s31+$0x60];
	v9 =	vadd.f32 v12, v8;
	v8 =	vshll.u32 v5, $0x10  }
0x5b: {  	s1 =	simm.s32 $0x0;
	s0 =	simm.s32 $0xC980;
	v12 =	vadd.f32 v14, v11;
	v11 =	vadd.f32 v8, v13;
	v13 =	vshll.u32 v2, $0x10;
	v8 =	vld [tilespmem:s31+$0x70]  }
.LBB2_5:
0x5c: {  	v14 =	vld [tilespmem:s0+$0xFFFFFF80];
	v1 =	vadd.f32 v1, v10;
	v5 =	vadd.f32 v5, v9;
	v9 =	vshll.u32 v6, $0x10  }
0x5d: {  	v10 =	vld [tilespmem:s0+$0xFFFFFF90];
	v12 =	vadd.f32 v13, v12;
	v9 =	vadd.f32 v9, v11;
	v11 =	vshll.u32 v4, $0x10  }
0x5e: {  	s1 =	sadd.s32 $0x8, s1;
	v13 =	vld [tilespmem:s0+$0xFFFFFFA0];
	v1 =	vadd.f32 v2, v1;
	v2 =	vadd.f32 v6, v5;
	v5 =	vshll.u32 v7, $0x10  }
0x5f: {  	p0 =	slt.u32 s1, $0xC0;
	v6 =	vld [tilespmem:s0+$0xFFFFFFB0];
	v11 =	vadd.f32 v11, v12;
	v5 =	vadd.f32 v5, v9;
	v9 =	vshll.u32 v3, $0x10  }
0x60: {  	v12 =	vld [tilespmem:s0+$0xFFFFFFC0];
	v1 =	vadd.f32 v4, v1;
	v2 =	vadd.f32 v7, v2;
	v4 =	vshll.u32 v8, $0x10  }
0x61: {  	v7 =	vshll.u32 v14, $0x10;
	v15 =	vld [tilespmem:s0+$0xFFFFFFD0];
	v9 =	vadd.f32 v9, v11;
	v4 =	vadd.f32 v4, v5  }
0x62: {  	v5 =	vshll.u32 v10, $0x10;
	v11 =	vld [tilespmem:s0+$0xFFFFFFE0];
	v1 =	vadd.f32 v3, v1;
	v2 =	vadd.f32 v8, v2  }
0x63: {  	v3 =	vadd.f32 v7, v9;
	v4 =	vadd.f32 v5, v4;
	v5 =	vshll.u32 v13, $0x10;
	v8 =	vld [tilespmem:s0+$0xFFFFFFF0]  }
0x64: {  	v7 =	vadd.f32 v14, v1;
	v2 =	vadd.f32 v10, v2;
	v9 =	vshll.u32 v6, $0x10;
	v1 =	vld [tilespmem:s0+$0x0]  }
0x65: {  	v3 =	vadd.f32 v5, v3;
	v4 =	vadd.f32 v9, v4;
	v9 =	vshll.u32 v12, $0x10;
	v5 =	vld [tilespmem:s0+$0x10]  }
0x66: {  	v7 =	vadd.f32 v13, v7;
	v10 =	vadd.f32 v6, v2;
	v6 =	vshll.u32 v15, $0x10;
	v2 =	vld [tilespmem:s0+$0x20]  }
.Ltmp1:
0x67: {  	v3 =	vadd.f32 v9, v3;
	v9 =	vadd.f32 v6, v4;
	v13 =	vshll.u32 v11, $0x10;
	v6 =	vld [tilespmem:s0+$0x30];
	(pc) =	sbr.rel @p0 .LBB2_5-.Ltmp1, $4  }
0x68: {  	v12 =	vadd.f32 v12, v7;
	v14 =	vadd.f32 v15, v10;
	v7 =	vshll.u32 v8, $0x10;
	v4 =	vld [tilespmem:s0+$0x40]  }
0x69: {  	v13 =	vadd.f32 v13, v3;
	v15 =	vadd.f32 v7, v9;
	v16 =	vshll.u32 v1, $0x10;
	v7 =	vld [tilespmem:s0+$0x50]  }
0x6a: {  	v10 =	vadd.f32 v11, v12;
	v9 =	vadd.f32 v8, v14;
	v8 =	vshll.u32 v5, $0x10;
	v3 =	vld [tilespmem:s0+$0x60]  }
0x6b: {  	v12 =	vadd.f32 v16, v13;
	v11 =	vadd.f32 v8, v15;
	v13 =	vshll.u32 v2, $0x10;
	v8 =	vld [tilespmem:s0+$0x70];
	s0 =	sadd.s32 $0x100, s0  }
0x6c: {  	_ = 	snop  }
0x6d: {  	v1 =	vadd.f32 v1, v10;
	v10 =	vshll.u32 v6, $0x10;
	v12 =	vadd.f32 v13, v12  }
0x6e: {  	v5 =	vadd.f32 v5, v9;
	v9 =	vadd.f32 v10, v11;
	v10 =	vshll.u32 v4, $0x10  }
0x6f: {  	v1 =	vadd.f32 v2, v1;
	v2 =	vshll.u32 v7, $0x10;
	v10 =	vadd.f32 v10, v12  }
0x70: {  	v5 =	vadd.f32 v6, v5;
	v2 =	vadd.f32 v2, v9;
	v6 =	vshll.u32 v3, $0x10  }
0x71: {  	s0 =	sshll.u32 s29, $0x9;
	v1 =	vadd.f32 v4, v1;
	v4 =	vshll.u32 v8, $0x10;
	v6 =	vadd.f32 v6, v10  }
0x72: {  	p0 =	seq.s32 s29, $0xF;
	s31 =	sand.u32 $0x3FFFFE00, s0;
	v5 =	vadd.f32 v7, v5;
	v2 =	vadd.f32 v4, v2  }
0x73: {  	s0 =	smul.u32 @!p0 $0x1900, s29;
	v1 =	vadd.f32 v3, v1;
	[tilespmem:s31+$0x19000] =	vst v6  }
0x74: {  	v3 =	vadd.f32 v8, v5;
	[tilespmem:s31+$0x19010] =	vst v2  }
0x75: {  	s1 =	sshra.s32 @!p0 s0, $0x2;
	[tilespmem:s31+$0x19020] =	vst v1  }
0x76: {  	s10 =	simm.s32 @!p0 $0x80;
	s12 =	simm.s32 @!p0 $0xC800;
	s0 =	sadd.s32 @!p0 $0x6A40, s1;
	[tilespmem:s31+$0x19030] =	vst v3  }
0x77: {  	[tilespmem:s12], [sflag:$0x1] =	stream.indirect.gather @!p0 [hbm4b:s3+s10], $0x20, s0, s10, $0xb8;
	[tilespmem:$0x1B000] =	vst v63  }
0x78: {  	s0 =	sadd.s32 @!p0 $0x6AC0, s1;
	s10 =	simm.s32 @!p0 $0x48;
	s12 =	simm.s32 @!p0 $0xD800  }
0x79: {  	[tilespmem:s12], [sflag:$0x1] =	stream.indirect.gather @!p0 [hbm4b:s3+s10], $0x20, s0, s10, $0xb8;
	[tilespmem:$0x1B000] =	vst v63  }
0x7a: {  	_ =	swait.ge [sflag:s19], $0x1900  }
0x7b: {  	[sflag:s19] =	ssyncset.done $0x0  }
0x7c: {  	s12 =	simm.s32 $0xE180;
	[sflag:s19] =	ssyncadd.s32 $0xFFFFE700  }
0x7d: {  	v1 =	vld [tilespmem:s12+$0xFFFFFF80]  }
0x7e: {  	v2 =	vld [tilespmem:s12+$0xFFFFFF90]  }
0x7f: {  	v3 =	vld [tilespmem:s12+$0xFFFFFFA0]  }
0x80: {  	v4 =	vld [tilespmem:s12+$0xFFFFFFB0]  }
0x81: {  	v8 =	vld [tilespmem:s12+$0xFFFFFFD0]  }
0x82: {  	v5 =	vimm.f32 $0.0e+00;
	v7 =	vld [tilespmem:s12+$0xFFFFFFC0];
	v6 =	vshll.u32 v1, $0x10  }
0x83: {  	v10 =	vld [tilespmem:s12+$0xFFFFFFE0];
	v9 =	vshll.u32 v2, $0x10;
	v13 =	vadd.f32 v1, v5;
	v2 =	vadd.f32 v2, v5  }
0x84: {  	v12 =	vld [tilespmem:s12+$0xFFFFFFF0];
	v11 =	vshll.u32 v3, $0x10;
	v6 =	vadd.f32 v6, v5;
	v9 =	vadd.f32 v9, v5  }
0x85: {  	v1 =	vld [tilespmem:s12+$0x0];
	v5 =	vshll.u32 v4, $0x10;
	v3 =	vadd.f32 v3, v13;
	v4 =	vadd.f32 v4, v2  }
0x86: {  	v13 =	vshll.u32 v8, $0x10;
	v6 =	vadd.f32 v11, v6;
	v9 =	vadd.f32 v5, v9;
	v5 =	vld [tilespmem:s12+$0x10]  }
0x87: {  	v2 =	vld [tilespmem:s12+$0x20];
	v11 =	vshll.u32 v7, $0x10;
	v14 =	vadd.f32 v7, v3;
	v4 =	vadd.f32 v8, v4  }
0x88: {  	v11 =	vadd.f32 v11, v6;
	v9 =	vadd.f32 v13, v9;
	v6 =	vld [tilespmem:s12+$0x30]  }
0x89: {  	v7 =	vshll.u32 v12, $0x10;
	v3 =	vld [tilespmem:s12+$0x40];
	v13 =	vshll.u32 v10, $0x10;
	v10 =	vadd.f32 v10, v14  }
0x8a: {  	v8 =	vadd.f32 v13, v11;
	v11 =	vadd.f32 v7, v9;
	v7 =	vld [tilespmem:s12+$0x50]  }
0x8b: {  	v13 =	vshll.u32 v1, $0x10;
	v9 =	vadd.f32 v12, v4;
	v4 =	vld [tilespmem:s12+$0x60];
	v14 =	vshll.u32 v5, $0x10  }
0x8c: {  	s0 =	simm.s32 $0x0;
	s10 =	simm.s32 $0xE280;
	v12 =	vadd.f32 v13, v8;
	v11 =	vadd.f32 v14, v11;
	v13 =	vshll.u32 v2, $0x10;
	v8 =	vld [tilespmem:s12+$0x70]  }
.LBB2_7:
0x8d: {  	v14 =	vld [tilespmem:s10+$0xFFFFFF80];
	v1 =	vadd.f32 v1, v10;
	v5 =	vadd.f32 v5, v9;
	v9 =	vshll.u32 v6, $0x10  }
0x8e: {  	v10 =	vld [tilespmem:s10+$0xFFFFFF90];
	v12 =	vadd.f32 v13, v12;
	v9 =	vadd.f32 v9, v11;
	v11 =	vshll.u32 v3, $0x10  }
0x8f: {  	s0 =	sadd.s32 $0x8, s0;
	v13 =	vld [tilespmem:s10+$0xFFFFFFA0];
	v1 =	vadd.f32 v2, v1;
	v2 =	vadd.f32 v6, v5;
	v5 =	vshll.u32 v7, $0x10  }
0x90: {  	p1 =	slt.u32 s0, $0xC0;
	v6 =	vld [tilespmem:s10+$0xFFFFFFB0];
	v11 =	vadd.f32 v11, v12;
	v5 =	vadd.f32 v5, v9;
	v9 =	vshll.u32 v4, $0x10  }
0x91: {  	v12 =	vld [tilespmem:s10+$0xFFFFFFC0];
	v1 =	vadd.f32 v3, v1;
	v2 =	vadd.f32 v7, v2;
	v3 =	vshll.u32 v8, $0x10  }
0x92: {  	v7 =	vshll.u32 v14, $0x10;
	v15 =	vld [tilespmem:s10+$0xFFFFFFD0];
	v9 =	vadd.f32 v9, v11;
	v3 =	vadd.f32 v3, v5  }
0x93: {  	v5 =	vshll.u32 v10, $0x10;
	v11 =	vld [tilespmem:s10+$0xFFFFFFE0];
	v1 =	vadd.f32 v4, v1;
	v2 =	vadd.f32 v8, v2  }
0x94: {  	v4 =	vadd.f32 v7, v9;
	v3 =	vadd.f32 v5, v3;
	v5 =	vshll.u32 v13, $0x10;
	v8 =	vld [tilespmem:s10+$0xFFFFFFF0]  }
0x95: {  	v7 =	vadd.f32 v14, v1;
	v2 =	vadd.f32 v10, v2;
	v9 =	vshll.u32 v6, $0x10;
	v1 =	vld [tilespmem:s10+$0x0]  }
0x96: {  	v4 =	vadd.f32 v5, v4;
	v3 =	vadd.f32 v9, v3;
	v9 =	vshll.u32 v12, $0x10;
	v5 =	vld [tilespmem:s10+$0x10]  }
0x97: {  	v7 =	vadd.f32 v13, v7;
	v10 =	vadd.f32 v6, v2;
	v6 =	vshll.u32 v15, $0x10;
	v2 =	vld [tilespmem:s10+$0x20]  }
.Ltmp2:
0x98: {  	v4 =	vadd.f32 v9, v4;
	v9 =	vadd.f32 v6, v3;
	v13 =	vshll.u32 v11, $0x10;
	v6 =	vld [tilespmem:s10+$0x30];
	(pc) =	sbr.rel @p1 .LBB2_7-.Ltmp2, $4  }
0x99: {  	v12 =	vadd.f32 v12, v7;
	v14 =	vadd.f32 v15, v10;
	v7 =	vshll.u32 v8, $0x10;
	v3 =	vld [tilespmem:s10+$0x40]  }
0x9a: {  	v13 =	vadd.f32 v13, v4;
	v15 =	vadd.f32 v7, v9;
	v16 =	vshll.u32 v1, $0x10;
	v7 =	vld [tilespmem:s10+$0x50]  }
0x9b: {  	v10 =	vadd.f32 v11, v12;
	v9 =	vadd.f32 v8, v14;
	v8 =	vshll.u32 v5, $0x10;
	v4 =	vld [tilespmem:s10+$0x60]  }
0x9c: {  	v12 =	vadd.f32 v16, v13;
	v11 =	vadd.f32 v8, v15;
	v13 =	vshll.u32 v2, $0x10;
	v8 =	vld [tilespmem:s10+$0x70];
	s10 =	sadd.s32 $0x100, s10  }
0x9d: {  	_ = 	snop  }
0x9e: {  	v1 =	vadd.f32 v1, v10;
	v10 =	vshll.u32 v6, $0x10;
	v12 =	vadd.f32 v13, v12  }
0x9f: {  	v5 =	vadd.f32 v5, v9;
	v9 =	vadd.f32 v10, v11;
	v10 =	vshll.u32 v3, $0x10  }
0xa0: {  	v1 =	vadd.f32 v2, v1;
	v2 =	vshll.u32 v7, $0x10;
	v10 =	vadd.f32 v10, v12  }
0xa1: {  	v5 =	vadd.f32 v6, v5;
	v2 =	vadd.f32 v2, v9;
	v6 =	vshll.u32 v4, $0x10  }
0xa2: {  	v1 =	vadd.f32 v3, v1;
	v3 =	vshll.u32 v8, $0x10;
	v6 =	vadd.f32 v6, v10  }
0xa3: {  	v5 =	vadd.f32 v7, v5;
	v2 =	vadd.f32 v3, v2  }
0xa4: {  	v1 =	vadd.f32 v4, v1;
	[tilespmem:s31+$0x19040] =	vst v6  }
0xa5: {  	v3 =	vadd.f32 v8, v5;
	[tilespmem:s31+$0x19050] =	vst v2  }
0xa6: {  	[tilespmem:s31+$0x19060] =	vst v1  }
0xa7: {  	s0 =	sadd.s32 @!p0 $0x6B08, s1;
	s10 =	simm.s32 @!p0 $0x80;
	s12 =	simm.s32 @!p0 $0xE100;
	[tilespmem:s31+$0x19070] =	vst v3  }
0xa8: {  	[tilespmem:s12], [sflag:$0x2] =	stream.indirect.gather @!p0 [hbm4b:s3+s10], $0x20, s0, s10, $0xb8;
	[tilespmem:$0x1B000] =	vst v63  }
0xa9: {  	s0 =	sadd.s32 @!p0 $0x6B88, s1;
	s10 =	simm.s32 @!p0 $0x48;
	s12 =	simm.s32 @!p0 $0xF100  }
0xaa: {  	[tilespmem:s12], [sflag:$0x2] =	stream.indirect.gather @!p0 [hbm4b:s3+s10], $0x20, s0, s10, $0xb8;
	[tilespmem:$0x1B000] =	vst v63  }
0xab: {  	_ =	swait.ge [sflag:s20], $0x1900  }
0xac: {  	[sflag:s20] =	ssyncset.done $0x0  }
0xad: {  	s12 =	simm.s32 $0xFA80;
	[sflag:s20] =	ssyncadd.s32 $0xFFFFE700  }
0xae: {  	v1 =	vld [tilespmem:s12+$0xFFFFFF80]  }
0xaf: {  	v2 =	vld [tilespmem:s12+$0xFFFFFF90]  }
0xb0: {  	v3 =	vld [tilespmem:s12+$0xFFFFFFA0]  }
0xb1: {  	v4 =	vld [tilespmem:s12+$0xFFFFFFB0]  }
0xb2: {  	v8 =	vld [tilespmem:s12+$0xFFFFFFD0]  }
0xb3: {  	v5 =	vimm.f32 $0.0e+00;
	v7 =	vld [tilespmem:s12+$0xFFFFFFC0];
	v6 =	vshll.u32 v1, $0x10  }
0xb4: {  	v10 =	vld [tilespmem:s12+$0xFFFFFFE0];
	v9 =	vshll.u32 v2, $0x10;
	v13 =	vadd.f32 v1, v5;
	v2 =	vadd.f32 v2, v5  }
0xb5: {  	v12 =	vld [tilespmem:s12+$0xFFFFFFF0];
	v11 =	vshll.u32 v3, $0x10;
	v6 =	vadd.f32 v6, v5;
	v9 =	vadd.f32 v9, v5  }
0xb6: {  	v1 =	vld [tilespmem:s12+$0x0];
	v5 =	vshll.u32 v4, $0x10;
	v3 =	vadd.f32 v3, v13;
	v4 =	vadd.f32 v4, v2  }
0xb7: {  	v13 =	vshll.u32 v8, $0x10;
	v6 =	vadd.f32 v11, v6;
	v9 =	vadd.f32 v5, v9;
	v5 =	vld [tilespmem:s12+$0x10]  }
0xb8: {  	v2 =	vld [tilespmem:s12+$0x20];
	v11 =	vshll.u32 v7, $0x10;
	v14 =	vadd.f32 v7, v3;
	v4 =	vadd.f32 v8, v4  }
0xb9: {  	v11 =	vadd.f32 v11, v6;
	v9 =	vadd.f32 v13, v9;
	v6 =	vld [tilespmem:s12+$0x30]  }
0xba: {  	v7 =	vshll.u32 v12, $0x10;
	v3 =	vld [tilespmem:s12+$0x40];
	v13 =	vshll.u32 v10, $0x10;
	v10 =	vadd.f32 v10, v14  }
0xbb: {  	v8 =	vadd.f32 v13, v11;
	v11 =	vadd.f32 v7, v9;
	v7 =	vld [tilespmem:s12+$0x50]  }
0xbc: {  	v13 =	vshll.u32 v1, $0x10;
	v9 =	vadd.f32 v12, v4;
	v4 =	vld [tilespmem:s12+$0x60];
	v14 =	vshll.u32 v5, $0x10  }
0xbd: {  	s0 =	simm.s32 $0x0;
	s10 =	simm.s32 $0xFB80;
	v12 =	vadd.f32 v13, v8;
	v11 =	vadd.f32 v14, v11;
	v13 =	vshll.u32 v2, $0x10;
	v8 =	vld [tilespmem:s12+$0x70]  }
.LBB2_9:
0xbe: {  	v14 =	vld [tilespmem:s10+$0xFFFFFF80];
	v1 =	vadd.f32 v1, v10;
	v5 =	vadd.f32 v5, v9;
	v9 =	vshll.u32 v6, $0x10  }
0xbf: {  	v10 =	vld [tilespmem:s10+$0xFFFFFF90];
	v12 =	vadd.f32 v13, v12;
	v9 =	vadd.f32 v9, v11;
	v11 =	vshll.u32 v3, $0x10  }
0xc0: {  	s0 =	sadd.s32 $0x8, s0;
	v13 =	vld [tilespmem:s10+$0xFFFFFFA0];
	v1 =	vadd.f32 v2, v1;
	v2 =	vadd.f32 v6, v5;
	v5 =	vshll.u32 v7, $0x10  }
0xc1: {  	p1 =	slt.u32 s0, $0xC0;
	v6 =	vld [tilespmem:s10+$0xFFFFFFB0];
	v11 =	vadd.f32 v11, v12;
	v5 =	vadd.f32 v5, v9;
	v9 =	vshll.u32 v4, $0x10  }
0xc2: {  	v12 =	vld [tilespmem:s10+$0xFFFFFFC0];
	v1 =	vadd.f32 v3, v1;
	v2 =	vadd.f32 v7, v2;
	v3 =	vshll.u32 v8, $0x10  }
0xc3: {  	v7 =	vshll.u32 v14, $0x10;
	v15 =	vld [tilespmem:s10+$0xFFFFFFD0];
	v9 =	vadd.f32 v9, v11;
	v3 =	vadd.f32 v3, v5  }
0xc4: {  	v5 =	vshll.u32 v10, $0x10;
	v11 =	vld [tilespmem:s10+$0xFFFFFFE0];
	v1 =	vadd.f32 v4, v1;
	v2 =	vadd.f32 v8, v2  }
0xc5: {  	v4 =	vadd.f32 v7, v9;
	v3 =	vadd.f32 v5, v3;
	v5 =	vshll.u32 v13, $0x10;
	v8 =	vld [tilespmem:s10+$0xFFFFFFF0]  }
0xc6: {  	v7 =	vadd.f32 v14, v1;
	v2 =	vadd.f32 v10, v2;
	v9 =	vshll.u32 v6, $0x10;
	v1 =	vld [tilespmem:s10+$0x0]  }
0xc7: {  	v4 =	vadd.f32 v5, v4;
	v3 =	vadd.f32 v9, v3;
	v9 =	vshll.u32 v12, $0x10;
	v5 =	vld [tilespmem:s10+$0x10]  }
0xc8: {  	v7 =	vadd.f32 v13, v7;
	v10 =	vadd.f32 v6, v2;
	v6 =	vshll.u32 v15, $0x10;
	v2 =	vld [tilespmem:s10+$0x20]  }
.Ltmp3:
0xc9: {  	v4 =	vadd.f32 v9, v4;
	v9 =	vadd.f32 v6, v3;
	v13 =	vshll.u32 v11, $0x10;
	v6 =	vld [tilespmem:s10+$0x30];
	(pc) =	sbr.rel @p1 .LBB2_9-.Ltmp3, $4  }
0xca: {  	v12 =	vadd.f32 v12, v7;
	v14 =	vadd.f32 v15, v10;
	v7 =	vshll.u32 v8, $0x10;
	v3 =	vld [tilespmem:s10+$0x40]  }
0xcb: {  	v13 =	vadd.f32 v13, v4;
	v15 =	vadd.f32 v7, v9;
	v16 =	vshll.u32 v1, $0x10;
	v7 =	vld [tilespmem:s10+$0x50]  }
0xcc: {  	v10 =	vadd.f32 v11, v12;
	v9 =	vadd.f32 v8, v14;
	v8 =	vshll.u32 v5, $0x10;
	v4 =	vld [tilespmem:s10+$0x60]  }
0xcd: {  	v12 =	vadd.f32 v16, v13;
	v11 =	vadd.f32 v8, v15;
	v13 =	vshll.u32 v2, $0x10;
	v8 =	vld [tilespmem:s10+$0x70];
	s10 =	sadd.s32 $0x100, s10  }
0xce: {  	_ = 	snop  }
0xcf: {  	v1 =	vadd.f32 v1, v10;
	v10 =	vshll.u32 v6, $0x10;
	v12 =	vadd.f32 v13, v12  }
0xd0: {  	v5 =	vadd.f32 v5, v9;
	v9 =	vadd.f32 v10, v11;
	v10 =	vshll.u32 v3, $0x10  }
0xd1: {  	v1 =	vadd.f32 v2, v1;
	v2 =	vshll.u32 v7, $0x10;
	v10 =	vadd.f32 v10, v12  }
0xd2: {  	v5 =	vadd.f32 v6, v5;
	v2 =	vadd.f32 v2, v9;
	v6 =	vshll.u32 v4, $0x10  }
0xd3: {  	v1 =	vadd.f32 v3, v1;
	v3 =	vshll.u32 v8, $0x10;
	v6 =	vadd.f32 v6, v10  }
0xd4: {  	v5 =	vadd.f32 v7, v5;
	v2 =	vadd.f32 v3, v2  }
0xd5: {  	v1 =	vadd.f32 v4, v1;
	[tilespmem:s31+$0x19080] =	vst v6  }
0xd6: {  	v3 =	vadd.f32 v8, v5;
	[tilespmem:s31+$0x19090] =	vst v2  }
0xd7: {  	[tilespmem:s31+$0x190A0] =	vst v1  }
0xd8: {  	s0 =	sadd.s32 @!p0 $0x6BD0, s1;
	s10 =	simm.s32 @!p0 $0x80;
	s12 =	simm.s32 @!p0 $0xFA00;
	[tilespmem:s31+$0x190B0] =	vst v3  }
0xd9: {  	[tilespmem:s12], [sflag:$0x3] =	stream.indirect.gather @!p0 [hbm4b:s3+s10], $0x20, s0, s10, $0xb8;
	[tilespmem:$0x1B000] =	vst v63  }
0xda: {  	s0 =	sadd.s32 @!p0 $0x6C50, s1;
	s10 =	simm.s32 @!p0 $0x48;
	s12 =	simm.s32 @!p0 $0x10A00  }
0xdb: {  	[tilespmem:s12], [sflag:$0x3] =	stream.indirect.gather @!p0 [hbm4b:s3+s10], $0x20, s0, s10, $0xb8;
	[tilespmem:$0x1B000] =	vst v63  }
0xdc: {  	_ =	swait.ge [sflag:s21], $0x1900  }
0xdd: {  	[sflag:s21] =	ssyncset.done $0x0  }
0xde: {  	s12 =	simm.s32 $0x11380;
	[sflag:s21] =	ssyncadd.s32 $0xFFFFE700  }
0xdf: {  	v1 =	vld [tilespmem:s12+$0xFFFFFF80]  }
0xe0: {  	v2 =	vld [tilespmem:s12+$0xFFFFFF90]  }
0xe1: {  	v3 =	vld [tilespmem:s12+$0xFFFFFFA0]  }
0xe2: {  	v4 =	vld [tilespmem:s12+$0xFFFFFFB0]  }
0xe3: {  	v8 =	vld [tilespmem:s12+$0xFFFFFFD0]  }
0xe4: {  	v5 =	vimm.f32 $0.0e+00;
	v7 =	vld [tilespmem:s12+$0xFFFFFFC0];
	v6 =	vshll.u32 v1, $0x10  }
0xe5: {  	v10 =	vld [tilespmem:s12+$0xFFFFFFE0];
	v9 =	vshll.u32 v2, $0x10;
	v13 =	vadd.f32 v1, v5;
	v2 =	vadd.f32 v2, v5  }
0xe6: {  	v12 =	vld [tilespmem:s12+$0xFFFFFFF0];
	v11 =	vshll.u32 v3, $0x10;
	v6 =	vadd.f32 v6, v5;
	v9 =	vadd.f32 v9, v5  }
0xe7: {  	v1 =	vld [tilespmem:s12+$0x0];
	v5 =	vshll.u32 v4, $0x10;
	v3 =	vadd.f32 v3, v13;
	v4 =	vadd.f32 v4, v2  }
0xe8: {  	v13 =	vshll.u32 v8, $0x10;
	v6 =	vadd.f32 v11, v6;
	v9 =	vadd.f32 v5, v9;
	v5 =	vld [tilespmem:s12+$0x10]  }
0xe9: {  	v2 =	vld [tilespmem:s12+$0x20];
	v11 =	vshll.u32 v7, $0x10;
	v14 =	vadd.f32 v7, v3;
	v4 =	vadd.f32 v8, v4  }
0xea: {  	v11 =	vadd.f32 v11, v6;
	v9 =	vadd.f32 v13, v9;
	v6 =	vld [tilespmem:s12+$0x30]  }
0xeb: {  	v7 =	vshll.u32 v12, $0x10;
	v3 =	vld [tilespmem:s12+$0x40];
	v13 =	vshll.u32 v10, $0x10;
	v10 =	vadd.f32 v10, v14  }
0xec: {  	v8 =	vadd.f32 v13, v11;
	v11 =	vadd.f32 v7, v9;
	v7 =	vld [tilespmem:s12+$0x50]  }
0xed: {  	v13 =	vshll.u32 v1, $0x10;
	v9 =	vadd.f32 v12, v4;
	v4 =	vld [tilespmem:s12+$0x60];
	v14 =	vshll.u32 v5, $0x10  }
0xee: {  	s0 =	simm.s32 $0x0;
	s10 =	simm.s32 $0x11480;
	v12 =	vadd.f32 v13, v8;
	v11 =	vadd.f32 v14, v11;
	v13 =	vshll.u32 v2, $0x10;
	v8 =	vld [tilespmem:s12+$0x70]  }
.LBB2_11:
0xef: {  	v14 =	vld [tilespmem:s10+$0xFFFFFF80];
	v1 =	vadd.f32 v1, v10;
	v5 =	vadd.f32 v5, v9;
	v9 =	vshll.u32 v6, $0x10  }
0xf0: {  	v10 =	vld [tilespmem:s10+$0xFFFFFF90];
	v12 =	vadd.f32 v13, v12;
	v9 =	vadd.f32 v9, v11;
	v11 =	vshll.u32 v3, $0x10  }
0xf1: {  	s0 =	sadd.s32 $0x8, s0;
	v13 =	vld [tilespmem:s10+$0xFFFFFFA0];
	v1 =	vadd.f32 v2, v1;
	v2 =	vadd.f32 v6, v5;
	v5 =	vshll.u32 v7, $0x10  }
0xf2: {  	p1 =	slt.u32 s0, $0xC0;
	v6 =	vld [tilespmem:s10+$0xFFFFFFB0];
	v11 =	vadd.f32 v11, v12;
	v5 =	vadd.f32 v5, v9;
	v9 =	vshll.u32 v4, $0x10  }
0xf3: {  	v12 =	vld [tilespmem:s10+$0xFFFFFFC0];
	v1 =	vadd.f32 v3, v1;
	v2 =	vadd.f32 v7, v2;
	v3 =	vshll.u32 v8, $0x10  }
0xf4: {  	v7 =	vshll.u32 v14, $0x10;
	v15 =	vld [tilespmem:s10+$0xFFFFFFD0];
	v9 =	vadd.f32 v9, v11;
	v3 =	vadd.f32 v3, v5  }
0xf5: {  	v5 =	vshll.u32 v10, $0x10;
	v11 =	vld [tilespmem:s10+$0xFFFFFFE0];
	v1 =	vadd.f32 v4, v1;
	v2 =	vadd.f32 v8, v2  }
0xf6: {  	v4 =	vadd.f32 v7, v9;
	v3 =	vadd.f32 v5, v3;
	v5 =	vshll.u32 v13, $0x10;
	v8 =	vld [tilespmem:s10+$0xFFFFFFF0]  }
0xf7: {  	v7 =	vadd.f32 v14, v1;
	v2 =	vadd.f32 v10, v2;
	v9 =	vshll.u32 v6, $0x10;
	v1 =	vld [tilespmem:s10+$0x0]  }
0xf8: {  	v4 =	vadd.f32 v5, v4;
	v3 =	vadd.f32 v9, v3;
	v9 =	vshll.u32 v12, $0x10;
	v5 =	vld [tilespmem:s10+$0x10]  }
0xf9: {  	v7 =	vadd.f32 v13, v7;
	v10 =	vadd.f32 v6, v2;
	v6 =	vshll.u32 v15, $0x10;
	v2 =	vld [tilespmem:s10+$0x20]  }
.Ltmp4:
0xfa: {  	v4 =	vadd.f32 v9, v4;
	v9 =	vadd.f32 v6, v3;
	v13 =	vshll.u32 v11, $0x10;
	v6 =	vld [tilespmem:s10+$0x30];
	(pc) =	sbr.rel @p1 .LBB2_11-.Ltmp4, $4  }
0xfb: {  	v12 =	vadd.f32 v12, v7;
	v14 =	vadd.f32 v15, v10;
	v7 =	vshll.u32 v8, $0x10;
	v3 =	vld [tilespmem:s10+$0x40]  }
0xfc: {  	v13 =	vadd.f32 v13, v4;
	v15 =	vadd.f32 v7, v9;
	v16 =	vshll.u32 v1, $0x10;
	v7 =	vld [tilespmem:s10+$0x50]  }
0xfd: {  	v10 =	vadd.f32 v11, v12;
	v9 =	vadd.f32 v8, v14;
	v8 =	vshll.u32 v5, $0x10;
	v4 =	vld [tilespmem:s10+$0x60]  }
0xfe: {  	v12 =	vadd.f32 v16, v13;
	v11 =	vadd.f32 v8, v15;
	v13 =	vshll.u32 v2, $0x10;
	v8 =	vld [tilespmem:s10+$0x70];
	s10 =	sadd.s32 $0x100, s10  }
0xff: {  	_ = 	snop  }
0x100: {  	v1 =	vadd.f32 v1, v10;
	v10 =	vshll.u32 v6, $0x10;
	v12 =	vadd.f32 v13, v12  }
0x101: {  	v5 =	vadd.f32 v5, v9;
	v9 =	vadd.f32 v10, v11;
	v10 =	vshll.u32 v3, $0x10  }
0x102: {  	v1 =	vadd.f32 v2, v1;
	v2 =	vshll.u32 v7, $0x10;
	v10 =	vadd.f32 v10, v12  }
0x103: {  	v5 =	vadd.f32 v6, v5;
	v2 =	vadd.f32 v2, v9;
	v6 =	vshll.u32 v4, $0x10  }
0x104: {  	v1 =	vadd.f32 v3, v1;
	v3 =	vshll.u32 v8, $0x10;
	v6 =	vadd.f32 v6, v10  }
0x105: {  	v5 =	vadd.f32 v7, v5;
	v2 =	vadd.f32 v3, v2  }
0x106: {  	v1 =	vadd.f32 v4, v1;
	[tilespmem:s31+$0x190C0] =	vst v6  }
0x107: {  	v3 =	vadd.f32 v8, v5;
	[tilespmem:s31+$0x190D0] =	vst v2  }
0x108: {  	[tilespmem:s31+$0x190E0] =	vst v1  }
0x109: {  	s0 =	sadd.s32 @!p0 $0x6C98, s1;
	s10 =	simm.s32 @!p0 $0x80;
	s12 =	simm.s32 @!p0 $0x11300;
	[tilespmem:s31+$0x190F0] =	vst v3  }
0x10a: {  	[tilespmem:s12], [sflag:$0x4] =	stream.indirect.gather @!p0 [hbm4b:s3+s10], $0x20, s0, s10, $0xb8;
	[tilespmem:$0x1B000] =	vst v63  }
0x10b: {  	s0 =	sadd.s32 @!p0 $0x6D18, s1;
	s10 =	simm.s32 @!p0 $0x48;
	s12 =	simm.s32 @!p0 $0x12300  }
0x10c: {  	[tilespmem:s12], [sflag:$0x4] =	stream.indirect.gather @!p0 [hbm4b:s3+s10], $0x20, s0, s10, $0xb8;
	[tilespmem:$0x1B000] =	vst v63  }
0x10d: {  	_ =	swait.ge [sflag:s22], $0x1900  }
0x10e: {  	[sflag:s22] =	ssyncset.done $0x0  }
0x10f: {  	s12 =	simm.s32 $0x12C80;
	[sflag:s22] =	ssyncadd.s32 $0xFFFFE700  }
0x110: {  	v1 =	vld [tilespmem:s12+$0xFFFFFF80]  }
0x111: {  	v2 =	vld [tilespmem:s12+$0xFFFFFF90]  }
0x112: {  	v3 =	vld [tilespmem:s12+$0xFFFFFFA0]  }
0x113: {  	v4 =	vld [tilespmem:s12+$0xFFFFFFB0]  }
0x114: {  	v8 =	vld [tilespmem:s12+$0xFFFFFFD0]  }
0x115: {  	v5 =	vimm.f32 $0.0e+00;
	v7 =	vld [tilespmem:s12+$0xFFFFFFC0];
	v6 =	vshll.u32 v1, $0x10  }
0x116: {  	v10 =	vld [tilespmem:s12+$0xFFFFFFE0];
	v9 =	vshll.u32 v2, $0x10;
	v13 =	vadd.f32 v1, v5;
	v2 =	vadd.f32 v2, v5  }
0x117: {  	v12 =	vld [tilespmem:s12+$0xFFFFFFF0];
	v11 =	vshll.u32 v3, $0x10;
	v6 =	vadd.f32 v6, v5;
	v9 =	vadd.f32 v9, v5  }
0x118: {  	v1 =	vld [tilespmem:s12+$0x0];
	v5 =	vshll.u32 v4, $0x10;
	v3 =	vadd.f32 v3, v13;
	v4 =	vadd.f32 v4, v2  }
0x119: {  	v13 =	vshll.u32 v8, $0x10;
	v6 =	vadd.f32 v11, v6;
	v9 =	vadd.f32 v5, v9;
	v5 =	vld [tilespmem:s12+$0x10]  }
0x11a: {  	v2 =	vld [tilespmem:s12+$0x20];
	v11 =	vshll.u32 v7, $0x10;
	v14 =	vadd.f32 v7, v3;
	v4 =	vadd.f32 v8, v4  }
0x11b: {  	v11 =	vadd.f32 v11, v6;
	v9 =	vadd.f32 v13, v9;
	v6 =	vld [tilespmem:s12+$0x30]  }
0x11c: {  	v7 =	vshll.u32 v12, $0x10;
	v3 =	vld [tilespmem:s12+$0x40];
	v13 =	vshll.u32 v10, $0x10;
	v10 =	vadd.f32 v10, v14  }
0x11d: {  	v8 =	vadd.f32 v13, v11;
	v11 =	vadd.f32 v7, v9;
	v7 =	vld [tilespmem:s12+$0x50]  }
0x11e: {  	v13 =	vshll.u32 v1, $0x10;
	v9 =	vadd.f32 v12, v4;
	v4 =	vld [tilespmem:s12+$0x60];
	v14 =	vshll.u32 v5, $0x10  }
0x11f: {  	s0 =	simm.s32 $0x0;
	s10 =	simm.s32 $0x12D80;
	v12 =	vadd.f32 v13, v8;
	v11 =	vadd.f32 v14, v11;
	v13 =	vshll.u32 v2, $0x10;
	v8 =	vld [tilespmem:s12+$0x70]  }
.LBB2_13:
0x120: {  	v14 =	vld [tilespmem:s10+$0xFFFFFF80];
	v1 =	vadd.f32 v1, v10;
	v5 =	vadd.f32 v5, v9;
	v9 =	vshll.u32 v6, $0x10  }
0x121: {  	v10 =	vld [tilespmem:s10+$0xFFFFFF90];
	v12 =	vadd.f32 v13, v12;
	v9 =	vadd.f32 v9, v11;
	v11 =	vshll.u32 v3, $0x10  }
0x122: {  	s0 =	sadd.s32 $0x8, s0;
	v13 =	vld [tilespmem:s10+$0xFFFFFFA0];
	v1 =	vadd.f32 v2, v1;
	v2 =	vadd.f32 v6, v5;
	v5 =	vshll.u32 v7, $0x10  }
0x123: {  	p1 =	slt.u32 s0, $0xC0;
	v6 =	vld [tilespmem:s10+$0xFFFFFFB0];
	v11 =	vadd.f32 v11, v12;
	v5 =	vadd.f32 v5, v9;
	v9 =	vshll.u32 v4, $0x10  }
0x124: {  	v12 =	vld [tilespmem:s10+$0xFFFFFFC0];
	v1 =	vadd.f32 v3, v1;
	v2 =	vadd.f32 v7, v2;
	v3 =	vshll.u32 v8, $0x10  }
0x125: {  	v7 =	vshll.u32 v14, $0x10;
	v15 =	vld [tilespmem:s10+$0xFFFFFFD0];
	v9 =	vadd.f32 v9, v11;
	v3 =	vadd.f32 v3, v5  }
0x126: {  	v5 =	vshll.u32 v10, $0x10;
	v11 =	vld [tilespmem:s10+$0xFFFFFFE0];
	v1 =	vadd.f32 v4, v1;
	v2 =	vadd.f32 v8, v2  }
0x127: {  	v4 =	vadd.f32 v7, v9;
	v3 =	vadd.f32 v5, v3;
	v5 =	vshll.u32 v13, $0x10;
	v8 =	vld [tilespmem:s10+$0xFFFFFFF0]  }
0x128: {  	v7 =	vadd.f32 v14, v1;
	v2 =	vadd.f32 v10, v2;
	v9 =	vshll.u32 v6, $0x10;
	v1 =	vld [tilespmem:s10+$0x0]  }
0x129: {  	v4 =	vadd.f32 v5, v4;
	v3 =	vadd.f32 v9, v3;
	v9 =	vshll.u32 v12, $0x10;
	v5 =	vld [tilespmem:s10+$0x10]  }
0x12a: {  	v7 =	vadd.f32 v13, v7;
	v10 =	vadd.f32 v6, v2;
	v6 =	vshll.u32 v15, $0x10;
	v2 =	vld [tilespmem:s10+$0x20]  }
.Ltmp5:
0x12b: {  	v4 =	vadd.f32 v9, v4;
	v9 =	vadd.f32 v6, v3;
	v13 =	vshll.u32 v11, $0x10;
	v6 =	vld [tilespmem:s10+$0x30];
	(pc) =	sbr.rel @p1 .LBB2_13-.Ltmp5, $4  }
0x12c: {  	v12 =	vadd.f32 v12, v7;
	v14 =	vadd.f32 v15, v10;
	v7 =	vshll.u32 v8, $0x10;
	v3 =	vld [tilespmem:s10+$0x40]  }
0x12d: {  	v13 =	vadd.f32 v13, v4;
	v15 =	vadd.f32 v7, v9;
	v16 =	vshll.u32 v1, $0x10;
	v7 =	vld [tilespmem:s10+$0x50]  }
0x12e: {  	v10 =	vadd.f32 v11, v12;
	v9 =	vadd.f32 v8, v14;
	v8 =	vshll.u32 v5, $0x10;
	v4 =	vld [tilespmem:s10+$0x60]  }
0x12f: {  	v12 =	vadd.f32 v16, v13;
	v11 =	vadd.f32 v8, v15;
	v13 =	vshll.u32 v2, $0x10;
	v8 =	vld [tilespmem:s10+$0x70];
	s10 =	sadd.s32 $0x100, s10  }
0x130: {  	_ = 	snop  }
0x131: {  	v1 =	vadd.f32 v1, v10;
	v10 =	vshll.u32 v6, $0x10;
	v12 =	vadd.f32 v13, v12  }
0x132: {  	v5 =	vadd.f32 v5, v9;
	v9 =	vadd.f32 v10, v11;
	v10 =	vshll.u32 v3, $0x10  }
0x133: {  	v1 =	vadd.f32 v2, v1;
	v2 =	vshll.u32 v7, $0x10;
	v10 =	vadd.f32 v10, v12  }
0x134: {  	v5 =	vadd.f32 v6, v5;
	v2 =	vadd.f32 v2, v9;
	v6 =	vshll.u32 v4, $0x10  }
0x135: {  	v1 =	vadd.f32 v3, v1;
	v3 =	vshll.u32 v8, $0x10;
	v6 =	vadd.f32 v6, v10  }
0x136: {  	v5 =	vadd.f32 v7, v5;
	v2 =	vadd.f32 v3, v2  }
0x137: {  	v1 =	vadd.f32 v4, v1;
	[tilespmem:s31+$0x19100] =	vst v6  }
0x138: {  	v3 =	vadd.f32 v8, v5;
	[tilespmem:s31+$0x19110] =	vst v2  }
0x139: {  	[tilespmem:s31+$0x19120] =	vst v1  }
0x13a: {  	s0 =	sadd.s32 @!p0 $0x6D60, s1;
	s10 =	simm.s32 @!p0 $0x80;
	s12 =	simm.s32 @!p0 $0x12C00;
	[tilespmem:s31+$0x19130] =	vst v3  }
0x13b: {  	[tilespmem:s12], [sflag:$0x5] =	stream.indirect.gather @!p0 [hbm4b:s3+s10], $0x20, s0, s10, $0xb8;
	[tilespmem:$0x1B000] =	vst v63  }
0x13c: {  	s0 =	sadd.s32 @!p0 $0x6DE0, s1;
	s10 =	simm.s32 @!p0 $0x48;
	s12 =	simm.s32 @!p0 $0x13C00  }
0x13d: {  	[tilespmem:s12], [sflag:$0x5] =	stream.indirect.gather @!p0 [hbm4b:s3+s10], $0x20, s0, s10, $0xb8;
	[tilespmem:$0x1B000] =	vst v63  }
0x13e: {  	_ =	swait.ge [sflag:s23], $0x1900  }
0x13f: {  	[sflag:s23] =	ssyncset.done $0x0  }
0x140: {  	s12 =	simm.s32 $0x14580;
	[sflag:s23] =	ssyncadd.s32 $0xFFFFE700  }
0x141: {  	v1 =	vld [tilespmem:s12+$0xFFFFFF80]  }
0x142: {  	v2 =	vld [tilespmem:s12+$0xFFFFFF90]  }
0x143: {  	v3 =	vld [tilespmem:s12+$0xFFFFFFA0]  }
0x144: {  	v4 =	vld [tilespmem:s12+$0xFFFFFFB0]  }
0x145: {  	v8 =	vld [tilespmem:s12+$0xFFFFFFD0]  }
0x146: {  	v5 =	vimm.f32 $0.0e+00;
	v7 =	vld [tilespmem:s12+$0xFFFFFFC0];
	v6 =	vshll.u32 v1, $0x10  }
0x147: {  	v10 =	vld [tilespmem:s12+$0xFFFFFFE0];
	v9 =	vshll.u32 v2, $0x10;
	v13 =	vadd.f32 v1, v5;
	v2 =	vadd.f32 v2, v5  }
0x148: {  	v12 =	vld [tilespmem:s12+$0xFFFFFFF0];
	v11 =	vshll.u32 v3, $0x10;
	v6 =	vadd.f32 v6, v5;
	v9 =	vadd.f32 v9, v5  }
0x149: {  	v1 =	vld [tilespmem:s12+$0x0];
	v5 =	vshll.u32 v4, $0x10;
	v3 =	vadd.f32 v3, v13;
	v4 =	vadd.f32 v4, v2  }
0x14a: {  	v13 =	vshll.u32 v8, $0x10;
	v6 =	vadd.f32 v11, v6;
	v9 =	vadd.f32 v5, v9;
	v5 =	vld [tilespmem:s12+$0x10]  }
0x14b: {  	v2 =	vld [tilespmem:s12+$0x20];
	v11 =	vshll.u32 v7, $0x10;
	v14 =	vadd.f32 v7, v3;
	v4 =	vadd.f32 v8, v4  }
0x14c: {  	v11 =	vadd.f32 v11, v6;
	v9 =	vadd.f32 v13, v9;
	v6 =	vld [tilespmem:s12+$0x30]  }
0x14d: {  	v7 =	vshll.u32 v12, $0x10;
	v3 =	vld [tilespmem:s12+$0x40];
	v13 =	vshll.u32 v10, $0x10;
	v10 =	vadd.f32 v10, v14  }
0x14e: {  	v8 =	vadd.f32 v13, v11;
	v11 =	vadd.f32 v7, v9;
	v7 =	vld [tilespmem:s12+$0x50]  }
0x14f: {  	v13 =	vshll.u32 v1, $0x10;
	v9 =	vadd.f32 v12, v4;
	v4 =	vld [tilespmem:s12+$0x60];
	v14 =	vshll.u32 v5, $0x10  }
0x150: {  	s0 =	simm.s32 $0x0;
	s10 =	simm.s32 $0x14680;
	v12 =	vadd.f32 v13, v8;
	v11 =	vadd.f32 v14, v11;
	v13 =	vshll.u32 v2, $0x10;
	v8 =	vld [tilespmem:s12+$0x70]  }
.LBB2_15:
0x151: {  	v14 =	vld [tilespmem:s10+$0xFFFFFF80];
	v1 =	vadd.f32 v1, v10;
	v5 =	vadd.f32 v5, v9;
	v9 =	vshll.u32 v6, $0x10  }
0x152: {  	v10 =	vld [tilespmem:s10+$0xFFFFFF90];
	v12 =	vadd.f32 v13, v12;
	v9 =	vadd.f32 v9, v11;
	v11 =	vshll.u32 v3, $0x10  }
0x153: {  	s0 =	sadd.s32 $0x8, s0;
	v13 =	vld [tilespmem:s10+$0xFFFFFFA0];
	v1 =	vadd.f32 v2, v1;
	v2 =	vadd.f32 v6, v5;
	v5 =	vshll.u32 v7, $0x10  }
0x154: {  	p1 =	slt.u32 s0, $0xC0;
	v6 =	vld [tilespmem:s10+$0xFFFFFFB0];
	v11 =	vadd.f32 v11, v12;
	v5 =	vadd.f32 v5, v9;
	v9 =	vshll.u32 v4, $0x10  }
0x155: {  	v12 =	vld [tilespmem:s10+$0xFFFFFFC0];
	v1 =	vadd.f32 v3, v1;
	v2 =	vadd.f32 v7, v2;
	v3 =	vshll.u32 v8, $0x10  }
0x156: {  	v7 =	vshll.u32 v14, $0x10;
	v15 =	vld [tilespmem:s10+$0xFFFFFFD0];
	v9 =	vadd.f32 v9, v11;
	v3 =	vadd.f32 v3, v5  }
0x157: {  	v5 =	vshll.u32 v10, $0x10;
	v11 =	vld [tilespmem:s10+$0xFFFFFFE0];
	v1 =	vadd.f32 v4, v1;
	v2 =	vadd.f32 v8, v2  }
0x158: {  	v4 =	vadd.f32 v7, v9;
	v3 =	vadd.f32 v5, v3;
	v5 =	vshll.u32 v13, $0x10;
	v8 =	vld [tilespmem:s10+$0xFFFFFFF0]  }
0x159: {  	v7 =	vadd.f32 v14, v1;
	v2 =	vadd.f32 v10, v2;
	v9 =	vshll.u32 v6, $0x10;
	v1 =	vld [tilespmem:s10+$0x0]  }
0x15a: {  	v4 =	vadd.f32 v5, v4;
	v3 =	vadd.f32 v9, v3;
	v9 =	vshll.u32 v12, $0x10;
	v5 =	vld [tilespmem:s10+$0x10]  }
0x15b: {  	v7 =	vadd.f32 v13, v7;
	v10 =	vadd.f32 v6, v2;
	v6 =	vshll.u32 v15, $0x10;
	v2 =	vld [tilespmem:s10+$0x20]  }
.Ltmp6:
0x15c: {  	v4 =	vadd.f32 v9, v4;
	v9 =	vadd.f32 v6, v3;
	v13 =	vshll.u32 v11, $0x10;
	v6 =	vld [tilespmem:s10+$0x30];
	(pc) =	sbr.rel @p1 .LBB2_15-.Ltmp6, $4  }
0x15d: {  	v12 =	vadd.f32 v12, v7;
	v14 =	vadd.f32 v15, v10;
	v7 =	vshll.u32 v8, $0x10;
	v3 =	vld [tilespmem:s10+$0x40]  }
0x15e: {  	v13 =	vadd.f32 v13, v4;
	v15 =	vadd.f32 v7, v9;
	v16 =	vshll.u32 v1, $0x10;
	v7 =	vld [tilespmem:s10+$0x50]  }
0x15f: {  	v10 =	vadd.f32 v11, v12;
	v9 =	vadd.f32 v8, v14;
	v8 =	vshll.u32 v5, $0x10;
	v4 =	vld [tilespmem:s10+$0x60]  }
0x160: {  	v12 =	vadd.f32 v16, v13;
	v11 =	vadd.f32 v8, v15;
	v13 =	vshll.u32 v2, $0x10;
	v8 =	vld [tilespmem:s10+$0x70];
	s10 =	sadd.s32 $0x100, s10  }
0x161: {  	_ = 	snop  }
0x162: {  	v1 =	vadd.f32 v1, v10;
	v10 =	vshll.u32 v6, $0x10;
	v12 =	vadd.f32 v13, v12  }
0x163: {  	v5 =	vadd.f32 v5, v9;
	v9 =	vadd.f32 v10, v11;
	v10 =	vshll.u32 v3, $0x10  }
0x164: {  	v1 =	vadd.f32 v2, v1;
	v2 =	vshll.u32 v7, $0x10;
	v10 =	vadd.f32 v10, v12  }
0x165: {  	v5 =	vadd.f32 v6, v5;
	v2 =	vadd.f32 v2, v9;
	v6 =	vshll.u32 v4, $0x10  }
0x166: {  	v1 =	vadd.f32 v3, v1;
	v3 =	vshll.u32 v8, $0x10;
	v6 =	vadd.f32 v6, v10  }
0x167: {  	v5 =	vadd.f32 v7, v5;
	v2 =	vadd.f32 v3, v2  }
0x168: {  	v1 =	vadd.f32 v4, v1;
	[tilespmem:s31+$0x19140] =	vst v6  }
0x169: {  	v3 =	vadd.f32 v8, v5;
	[tilespmem:s31+$0x19150] =	vst v2  }
0x16a: {  	[tilespmem:s31+$0x19160] =	vst v1  }
0x16b: {  	s0 =	sadd.s32 @!p0 $0x6E28, s1;
	s10 =	simm.s32 @!p0 $0x80;
	s12 =	simm.s32 @!p0 $0x14500;
	[tilespmem:s31+$0x19170] =	vst v3  }
0x16c: {  	[tilespmem:s12], [sflag:$0x6] =	stream.indirect.gather @!p0 [hbm4b:s3+s10], $0x20, s0, s10, $0xb8;
	[tilespmem:$0x1B000] =	vst v63  }
0x16d: {  	s0 =	sadd.s32 @!p0 $0x6EA8, s1;
	s10 =	simm.s32 @!p0 $0x48;
	s12 =	simm.s32 @!p0 $0x15500  }
0x16e: {  	[tilespmem:s12], [sflag:$0x6] =	stream.indirect.gather @!p0 [hbm4b:s3+s10], $0x20, s0, s10, $0xb8;
	[tilespmem:$0x1B000] =	vst v63  }
0x16f: {  	_ =	swait.ge [sflag:s24], $0x1900  }
0x170: {  	[sflag:s24] =	ssyncset.done $0x0  }
0x171: {  	s12 =	simm.s32 $0x15E80;
	[sflag:s24] =	ssyncadd.s32 $0xFFFFE700  }
0x172: {  	v1 =	vld [tilespmem:s12+$0xFFFFFF80]  }
0x173: {  	v2 =	vld [tilespmem:s12+$0xFFFFFF90]  }
0x174: {  	v3 =	vld [tilespmem:s12+$0xFFFFFFA0]  }
0x175: {  	v4 =	vld [tilespmem:s12+$0xFFFFFFB0]  }
0x176: {  	v8 =	vld [tilespmem:s12+$0xFFFFFFD0]  }
0x177: {  	v5 =	vimm.f32 $0.0e+00;
	v7 =	vld [tilespmem:s12+$0xFFFFFFC0];
	v6 =	vshll.u32 v1, $0x10  }
0x178: {  	v10 =	vld [tilespmem:s12+$0xFFFFFFE0];
	v9 =	vshll.u32 v2, $0x10;
	v13 =	vadd.f32 v1, v5;
	v2 =	vadd.f32 v2, v5  }
0x179: {  	v12 =	vld [tilespmem:s12+$0xFFFFFFF0];
	v11 =	vshll.u32 v3, $0x10;
	v6 =	vadd.f32 v6, v5;
	v9 =	vadd.f32 v9, v5  }
0x17a: {  	v1 =	vld [tilespmem:s12+$0x0];
	v5 =	vshll.u32 v4, $0x10;
	v3 =	vadd.f32 v3, v13;
	v4 =	vadd.f32 v4, v2  }
0x17b: {  	v13 =	vshll.u32 v8, $0x10;
	v6 =	vadd.f32 v11, v6;
	v9 =	vadd.f32 v5, v9;
	v5 =	vld [tilespmem:s12+$0x10]  }
0x17c: {  	v2 =	vld [tilespmem:s12+$0x20];
	v11 =	vshll.u32 v7, $0x10;
	v14 =	vadd.f32 v7, v3;
	v4 =	vadd.f32 v8, v4  }
0x17d: {  	v11 =	vadd.f32 v11, v6;
	v9 =	vadd.f32 v13, v9;
	v6 =	vld [tilespmem:s12+$0x30]  }
0x17e: {  	v7 =	vshll.u32 v12, $0x10;
	v3 =	vld [tilespmem:s12+$0x40];
	v13 =	vshll.u32 v10, $0x10;
	v10 =	vadd.f32 v10, v14  }
0x17f: {  	v8 =	vadd.f32 v13, v11;
	v11 =	vadd.f32 v7, v9;
	v7 =	vld [tilespmem:s12+$0x50]  }
0x180: {  	v13 =	vshll.u32 v1, $0x10;
	v9 =	vadd.f32 v12, v4;
	v4 =	vld [tilespmem:s12+$0x60];
	v14 =	vshll.u32 v5, $0x10  }
0x181: {  	s0 =	simm.s32 $0x0;
	s10 =	simm.s32 $0x15F80;
	v12 =	vadd.f32 v13, v8;
	v11 =	vadd.f32 v14, v11;
	v13 =	vshll.u32 v2, $0x10;
	v8 =	vld [tilespmem:s12+$0x70]  }
.LBB2_17:
0x182: {  	v14 =	vld [tilespmem:s10+$0xFFFFFF80];
	v1 =	vadd.f32 v1, v10;
	v5 =	vadd.f32 v5, v9;
	v9 =	vshll.u32 v6, $0x10  }
0x183: {  	v10 =	vld [tilespmem:s10+$0xFFFFFF90];
	v12 =	vadd.f32 v13, v12;
	v9 =	vadd.f32 v9, v11;
	v11 =	vshll.u32 v3, $0x10  }
0x184: {  	s0 =	sadd.s32 $0x8, s0;
	v13 =	vld [tilespmem:s10+$0xFFFFFFA0];
	v1 =	vadd.f32 v2, v1;
	v2 =	vadd.f32 v6, v5;
	v5 =	vshll.u32 v7, $0x10  }
0x185: {  	p1 =	slt.u32 s0, $0xC0;
	v6 =	vld [tilespmem:s10+$0xFFFFFFB0];
	v11 =	vadd.f32 v11, v12;
	v5 =	vadd.f32 v5, v9;
	v9 =	vshll.u32 v4, $0x10  }
0x186: {  	v12 =	vld [tilespmem:s10+$0xFFFFFFC0];
	v1 =	vadd.f32 v3, v1;
	v2 =	vadd.f32 v7, v2;
	v3 =	vshll.u32 v8, $0x10  }
0x187: {  	v7 =	vshll.u32 v14, $0x10;
	v15 =	vld [tilespmem:s10+$0xFFFFFFD0];
	v9 =	vadd.f32 v9, v11;
	v3 =	vadd.f32 v3, v5  }
0x188: {  	v5 =	vshll.u32 v10, $0x10;
	v11 =	vld [tilespmem:s10+$0xFFFFFFE0];
	v1 =	vadd.f32 v4, v1;
	v2 =	vadd.f32 v8, v2  }
0x189: {  	v4 =	vadd.f32 v7, v9;
	v3 =	vadd.f32 v5, v3;
	v5 =	vshll.u32 v13, $0x10;
	v8 =	vld [tilespmem:s10+$0xFFFFFFF0]  }
0x18a: {  	v7 =	vadd.f32 v14, v1;
	v2 =	vadd.f32 v10, v2;
	v9 =	vshll.u32 v6, $0x10;
	v1 =	vld [tilespmem:s10+$0x0]  }
0x18b: {  	v4 =	vadd.f32 v5, v4;
	v3 =	vadd.f32 v9, v3;
	v9 =	vshll.u32 v12, $0x10;
	v5 =	vld [tilespmem:s10+$0x10]  }
0x18c: {  	v7 =	vadd.f32 v13, v7;
	v10 =	vadd.f32 v6, v2;
	v6 =	vshll.u32 v15, $0x10;
	v2 =	vld [tilespmem:s10+$0x20]  }
.Ltmp7:
0x18d: {  	v4 =	vadd.f32 v9, v4;
	v9 =	vadd.f32 v6, v3;
	v13 =	vshll.u32 v11, $0x10;
	v6 =	vld [tilespmem:s10+$0x30];
	(pc) =	sbr.rel @p1 .LBB2_17-.Ltmp7, $4  }
0x18e: {  	v12 =	vadd.f32 v12, v7;
	v14 =	vadd.f32 v15, v10;
	v7 =	vshll.u32 v8, $0x10;
	v3 =	vld [tilespmem:s10+$0x40]  }
0x18f: {  	v13 =	vadd.f32 v13, v4;
	v15 =	vadd.f32 v7, v9;
	v16 =	vshll.u32 v1, $0x10;
	v7 =	vld [tilespmem:s10+$0x50]  }
0x190: {  	v10 =	vadd.f32 v11, v12;
	v9 =	vadd.f32 v8, v14;
	v8 =	vshll.u32 v5, $0x10;
	v4 =	vld [tilespmem:s10+$0x60]  }
0x191: {  	v12 =	vadd.f32 v16, v13;
	v11 =	vadd.f32 v8, v15;
	v13 =	vshll.u32 v2, $0x10;
	v8 =	vld [tilespmem:s10+$0x70];
	s10 =	sadd.s32 $0x100, s10  }
0x192: {  	_ = 	snop  }
0x193: {  	v1 =	vadd.f32 v1, v10;
	v10 =	vshll.u32 v6, $0x10;
	v12 =	vadd.f32 v13, v12  }
0x194: {  	v5 =	vadd.f32 v5, v9;
	v9 =	vadd.f32 v10, v11;
	v10 =	vshll.u32 v3, $0x10  }
0x195: {  	v1 =	vadd.f32 v2, v1;
	v2 =	vshll.u32 v7, $0x10;
	v10 =	vadd.f32 v10, v12  }
0x196: {  	v5 =	vadd.f32 v6, v5;
	v2 =	vadd.f32 v2, v9;
	v6 =	vshll.u32 v4, $0x10  }
0x197: {  	v1 =	vadd.f32 v3, v1;
	v3 =	vshll.u32 v8, $0x10;
	v6 =	vadd.f32 v6, v10  }
0x198: {  	v5 =	vadd.f32 v7, v5;
	v2 =	vadd.f32 v3, v2  }
0x199: {  	v1 =	vadd.f32 v4, v1;
	[tilespmem:s31+$0x19180] =	vst v6  }
0x19a: {  	v3 =	vadd.f32 v8, v5;
	[tilespmem:s31+$0x19190] =	vst v2  }
0x19b: {  	[tilespmem:s31+$0x191A0] =	vst v1  }
0x19c: {  	s0 =	sadd.s32 @!p0 $0x6EF0, s1;
	s10 =	simm.s32 @!p0 $0x80;
	s12 =	simm.s32 @!p0 $0x15E00;
	[tilespmem:s31+$0x191B0] =	vst v3  }
0x19d: {  	[tilespmem:s12], [sflag:$0x7] =	stream.indirect.gather @!p0 [hbm4b:s3+s10], $0x20, s0, s10, $0xb8;
	[tilespmem:$0x1B000] =	vst v63  }
0x19e: {  	s0 =	sadd.s32 @!p0 $0x6F70, s1;
	s1 =	simm.s32 @!p0 $0x48;
	s10 =	simm.s32 @!p0 $0x16E00  }
0x19f: {  	[tilespmem:s10], [sflag:$0x7] =	stream.indirect.gather @!p0 [hbm4b:s3+s1], $0x20, s0, s1, $0xb8;
	[tilespmem:$0x1B000] =	vst v63  }
0x1a0: {  	_ =	swait.ge [sflag:s25], $0x1900  }
0x1a1: {  	[sflag:s25] =	ssyncset.done $0x0  }
0x1a2: {  	s31 =	simm.s32 $0x17780;
	[sflag:s25] =	ssyncadd.s32 $0xFFFFE700  }
0x1a3: {  	v1 =	vld [tilespmem:s31+$0xFFFFFF80]  }
0x1a4: {  	v2 =	vld [tilespmem:s31+$0xFFFFFF90]  }
0x1a5: {  	v3 =	vld [tilespmem:s31+$0xFFFFFFA0]  }
0x1a6: {  	v4 =	vld [tilespmem:s31+$0xFFFFFFB0]  }
0x1a7: {  	v8 =	vld [tilespmem:s31+$0xFFFFFFD0]  }
0x1a8: {  	v5 =	vimm.f32 $0.0e+00;
	v7 =	vld [tilespmem:s31+$0xFFFFFFC0];
	v6 =	vshll.u32 v1, $0x10  }
0x1a9: {  	v10 =	vld [tilespmem:s31+$0xFFFFFFE0];
	v9 =	vshll.u32 v2, $0x10;
	v13 =	vadd.f32 v1, v5;
	v2 =	vadd.f32 v2, v5  }
0x1aa: {  	v12 =	vld [tilespmem:s31+$0xFFFFFFF0];
	v11 =	vshll.u32 v3, $0x10;
	v6 =	vadd.f32 v6, v5;
	v9 =	vadd.f32 v9, v5  }
0x1ab: {  	v1 =	vld [tilespmem:s31+$0x0];
	v5 =	vshll.u32 v4, $0x10;
	v3 =	vadd.f32 v3, v13;
	v4 =	vadd.f32 v4, v2  }
0x1ac: {  	v13 =	vshll.u32 v8, $0x10;
	v6 =	vadd.f32 v11, v6;
	v9 =	vadd.f32 v5, v9;
	v5 =	vld [tilespmem:s31+$0x10]  }
0x1ad: {  	v2 =	vld [tilespmem:s31+$0x20];
	v11 =	vshll.u32 v7, $0x10;
	v14 =	vadd.f32 v7, v3;
	v4 =	vadd.f32 v8, v4  }
0x1ae: {  	v11 =	vadd.f32 v11, v6;
	v9 =	vadd.f32 v13, v9;
	v6 =	vld [tilespmem:s31+$0x30]  }
0x1af: {  	v7 =	vshll.u32 v12, $0x10;
	v3 =	vld [tilespmem:s31+$0x40];
	v13 =	vshll.u32 v10, $0x10;
	v10 =	vadd.f32 v10, v14  }
0x1b0: {  	v8 =	vadd.f32 v13, v11;
	v11 =	vadd.f32 v7, v9;
	v7 =	vld [tilespmem:s31+$0x50]  }
0x1b1: {  	v13 =	vshll.u32 v1, $0x10;
	v9 =	vadd.f32 v12, v4;
	v4 =	vld [tilespmem:s31+$0x60];
	v14 =	vshll.u32 v5, $0x10  }
0x1b2: {  	s0 =	simm.s32 $0x0;
	s1 =	simm.s32 $0x17880;
	v12 =	vadd.f32 v13, v8;
	v11 =	vadd.f32 v14, v11;
	v13 =	vshll.u32 v2, $0x10;
	v8 =	vld [tilespmem:s31+$0x70]  }
.LBB2_19:
0x1b3: {  	v14 =	vld [tilespmem:s1+$0xFFFFFF80];
	v1 =	vadd.f32 v1, v10;
	v5 =	vadd.f32 v5, v9;
	v9 =	vshll.u32 v6, $0x10  }
0x1b4: {  	v10 =	vld [tilespmem:s1+$0xFFFFFF90];
	v12 =	vadd.f32 v13, v12;
	v9 =	vadd.f32 v9, v11;
	v11 =	vshll.u32 v3, $0x10  }
0x1b5: {  	s0 =	sadd.s32 $0x8, s0;
	v13 =	vld [tilespmem:s1+$0xFFFFFFA0];
	v1 =	vadd.f32 v2, v1;
	v2 =	vadd.f32 v6, v5;
	v5 =	vshll.u32 v7, $0x10  }
0x1b6: {  	p0 =	slt.u32 s0, $0xC0;
	v6 =	vld [tilespmem:s1+$0xFFFFFFB0];
	v11 =	vadd.f32 v11, v12;
	v5 =	vadd.f32 v5, v9;
	v9 =	vshll.u32 v4, $0x10  }
0x1b7: {  	v12 =	vld [tilespmem:s1+$0xFFFFFFC0];
	v1 =	vadd.f32 v3, v1;
	v2 =	vadd.f32 v7, v2;
	v3 =	vshll.u32 v8, $0x10  }
0x1b8: {  	v7 =	vshll.u32 v14, $0x10;
	v15 =	vld [tilespmem:s1+$0xFFFFFFD0];
	v9 =	vadd.f32 v9, v11;
	v3 =	vadd.f32 v3, v5  }
0x1b9: {  	v5 =	vshll.u32 v10, $0x10;
	v11 =	vld [tilespmem:s1+$0xFFFFFFE0];
	v1 =	vadd.f32 v4, v1;
	v2 =	vadd.f32 v8, v2  }
0x1ba: {  	v4 =	vadd.f32 v7, v9;
	v3 =	vadd.f32 v5, v3;
	v5 =	vshll.u32 v13, $0x10;
	v8 =	vld [tilespmem:s1+$0xFFFFFFF0]  }
0x1bb: {  	v7 =	vadd.f32 v14, v1;
	v2 =	vadd.f32 v10, v2;
	v9 =	vshll.u32 v6, $0x10;
	v1 =	vld [tilespmem:s1+$0x0]  }
0x1bc: {  	v4 =	vadd.f32 v5, v4;
	v3 =	vadd.f32 v9, v3;
	v9 =	vshll.u32 v12, $0x10;
	v5 =	vld [tilespmem:s1+$0x10]  }
0x1bd: {  	v7 =	vadd.f32 v13, v7;
	v10 =	vadd.f32 v6, v2;
	v6 =	vshll.u32 v15, $0x10;
	v2 =	vld [tilespmem:s1+$0x20]  }
.Ltmp8:
0x1be: {  	v4 =	vadd.f32 v9, v4;
	v9 =	vadd.f32 v6, v3;
	v13 =	vshll.u32 v11, $0x10;
	v6 =	vld [tilespmem:s1+$0x30];
	(pc) =	sbr.rel @p0 .LBB2_19-.Ltmp8, $4  }
0x1bf: {  	v12 =	vadd.f32 v12, v7;
	v14 =	vadd.f32 v15, v10;
	v7 =	vshll.u32 v8, $0x10;
	v3 =	vld [tilespmem:s1+$0x40]  }
0x1c0: {  	v13 =	vadd.f32 v13, v4;
	v15 =	vadd.f32 v7, v9;
	v16 =	vshll.u32 v1, $0x10;
	v7 =	vld [tilespmem:s1+$0x50]  }
0x1c1: {  	v10 =	vadd.f32 v11, v12;
	v9 =	vadd.f32 v8, v14;
	v8 =	vshll.u32 v5, $0x10;
	v4 =	vld [tilespmem:s1+$0x60]  }
0x1c2: {  	v12 =	vadd.f32 v16, v13;
	v11 =	vadd.f32 v8, v15;
	v13 =	vshll.u32 v2, $0x10;
	v8 =	vld [tilespmem:s1+$0x70];
	s1 =	sadd.s32 $0x100, s1  }
0x1c3: {  	_ = 	snop  }
0x1c4: {  	v1 =	vadd.f32 v1, v10;
	v60 =	vshll.u32 v6, $0x10;
	v12 =	vadd.f32 v13, v12  }
0x1c5: {  	v5 =	vadd.f32 v5, v9;
	v61 =	vadd.f32 v60, v11;
	v62 =	vshll.u32 v3, $0x10  }
0x1c6: {  	v1 =	vadd.f32 v2, v1;
	v2 =	vshll.u32 v7, $0x10;
	v10 =	vadd.f32 v62, v12  }
0x1c7: {  	s29 =	sadd.s32 $0x1, s29;
	v5 =	vadd.f32 v6, v5;
	v2 =	vadd.f32 v2, v61;
	v63 =	vshll.u32 v4, $0x10  }
0x1c8: {  	s0 =	sshll.u32 s30, $0x6;
	p0 =	sne.s32 s29, $0x10;
	v1 =	vadd.f32 v3, v1;
	v3 =	vshll.u32 v8, $0x10;
	v6 =	vadd.f32 v63, v10  }
.Ltmp9:
0x1c9: {  	s0 =	sand.u32 $0x3FFFFFC0, s0;
	v5 =	vadd.f32 v7, v5;
	v2 =	vadd.f32 v3, v2;
	(pc) =	sbr.rel @p0 .LBB2_4-.Ltmp9, $4  }
0x1ca: {  	v1 =	vadd.f32 v4, v1;
	[tilespmem:s0+$0x19000] =	vst v6  }
0x1cb: {  	v3 =	vadd.f32 v8, v5;
	[tilespmem:s0+$0x19010] =	vst v2  }
0x1cc: {  	[tilespmem:s0+$0x19020] =	vst v1  }
0x1cd: {  	[tilespmem:s0+$0x19030] =	vst v3  }
0x1ce: {  	s28 =	sadd.s32 $0x1, s28  }
0x1cf: {  	p0 =	sne.s32 s28, s6  }
.Ltmp10:
0x1d0: {  	_ = 	snop;
	(pc) =	sbr.rel @p0 .LBB2_1-.Ltmp10, $4  }
0x1d1: {  	[hbm4b:s5+s2] =	stream.linear.scatter [tilespmem:s26], [sflag:$0x9], $0x2000, $0x38;
	[tilespmem:$0x1B000] =	vst v63  }
0x1d2: {  	_ =	swait.ge [sflag:s7], $0x2000  }
0x1d3: {  	[sflag:s7] =	ssyncset.done $0x0  }
0x1d4: {  	[sflag:s7] =	ssyncadd.s32 $0xFFFFE000  }
0x1d5: {  	_ =	sfence.sel $0x180000  }
0x1d6: {  	[bflag:$0x0] =	sbarrier.arrive $0xFFFF  }
0x1d7: {  	_ =	strace $0x90000047  }
0x1d8: {  	s0 =	stileid.u32;
	[bflag:$0x2] =	sbarrier.arrive $0xFFFF  }
0x1d9: {  	p0 =	sne.s32 s0, $0x0;
	s0 =	rddreg [dreg:$0x1]  }
0x1da: {  	s0 =	sadd.s32 @!p0 $0x100000, s0  }
0x1db: {  	[sflag:s0] =	ssyncadd.tile.s32 @!p0 $0x1;
	_ =	shalt  }
.Lfunc_end2:
_tile_overlayer_lowered:
.L_overlay_start_2:
0x1dc: {  	(tag) =	ssettag $0x2  }
0x1dd: {  	s0 =	rddreg [dreg:$0x0];
	s2 =	stileid.u32  }
0x1de: {  	s1 =	rddreg [dreg:$0x1];
	p0 =	sne.s32 s2, $0x0  }
0x1df: {  	s3 =	rddreg [dreg:$0x2];
	[bflag:$0x3] =	sbarrier.arrive $0xFFFF;
	s2 =	simm.s32 @!p0 $0x1C09  }
0x1e0: {  	[timem:s3], [sflag:s2] =	dma.local @!p0 [hbm:s0], s1  }
0x1e1: {  	s0 =	simm.s32 @!p0 $0x9  }
0x1e2: {  	_ =	swait.ge @!p0 [sflag:s0], s1  }
0x1e3: {  	s1 =	ssub.s32 @!p0 $0x0, s1;
	[sflag:s0] =	ssyncset.done @!p0 $0x0  }
0x1e4: {  	[sflag:s0] =	ssyncadd.s32 @!p0 s1  }
0x1e5: {  	[bflag:$0x3] =	sbarrier.arrive $0xFFFF  }
0x1e6: {  	_ =	shalt  }

</sc_bundles>
